<compile_context>
chip_gen: v7x
topology: tpu7x:2x2x1
jax: 0.10.2.dev20260603
libtpu: 0.0.44.dev20260713+nightly
codegen_flags: <defaults>
</compile_context>

<pallas_src>
import jax
import jax.numpy as jnp
import numpy as np
from jax import lax
from jax.experimental import pallas as pl
from jax.experimental.pallas import tpu as pltpu
from jax.experimental.pallas import tpu_sc as plsc

N = 10000
E = 320000
D = 128
DH = D // 2
NP = 10240
EP = 327680
NC = 2
NS = 16
NW = NC * NS
ECH = EP // NW
ETILE = EP // NS
CHUNK = 128
NCHUNK = ETILE // CHUNK
NROW = N // NS
NACC = 10112
RPT = NACC // NS


def _proj_body(x_ref, w_ref, al_ref, ar_ref, f_ref, el_ref, er_ref, c_ref,
               mx_ref):
    i = pl.program_id(0)
    feat = lax.dot_general(x_ref[...], w_ref[...], (((1,), (1,)), ((), ())),
                           preferred_element_type=jnp.float32,
                           precision=lax.Precision.HIGHEST)
    f_ref[0] = feat[:, :DH]
    f_ref[1] = feat[:, DH:]
    el = jnp.sum(feat * al_ref[...], axis=1, keepdims=True)
    er = jnp.sum(feat * ar_ref[...], axis=1, keepdims=True)
    el_ref[...] = el
    er_ref[...] = er

    @pl.when(i == 0)
    def _():
        mx_ref[0] = -jnp.inf
        mx_ref[1] = -jnp.inf

    mx_ref[0] = jnp.maximum(mx_ref[0], jnp.max(el))
    mx_ref[1] = jnp.maximum(mx_ref[1], jnp.max(er))

    @pl.when(i == pl.num_programs(0) - 1)
    def _():
        c = jnp.maximum(mx_ref[0] + mx_ref[1], 0.0)
        c_ref[...] = jnp.full((1, 128), c, jnp.float32)


def _projection(x, W, attn_l, attn_r):
    blk = 1000
    grid = (N // blk,)
    return pl.pallas_call(
        _proj_body,
        grid=grid,
        in_specs=[
            pl.BlockSpec((blk, D), lambda i: (i, 0)),
            pl.BlockSpec((D, D), lambda i: (0, 0)),
            pl.BlockSpec((1, D), lambda i: (0, 0)),
            pl.BlockSpec((1, D), lambda i: (0, 0)),
        ],
        out_specs=[
            pl.BlockSpec((NC, blk, DH), lambda i: (0, i, 0)),
            pl.BlockSpec((blk, 1), lambda i: (i, 0)),
            pl.BlockSpec((blk, 1), lambda i: (i, 0)),
            pl.BlockSpec((1, D), lambda i: (0, 0)),
        ],
        out_shape=[
            jax.ShapeDtypeStruct((NC, N, DH), jnp.float32),
            jax.ShapeDtypeStruct((N, 1), jnp.float32),
            jax.ShapeDtypeStruct((N, 1), jnp.float32),
            jax.ShapeDtypeStruct((1, D), jnp.float32),
        ],
        scratch_shapes=[pltpu.SMEM((2,), jnp.float32)],
    )(x, W, attn_l.reshape(1, D), attn_r.reshape(1, D))


def _edge_body(src_hbm, dst_hbm, el_hbm, er_hbm, c_hbm,
               p_hbm, pk_hbm, dpart_hbm,
               src_v, dst_v, el_v, er_v, p_v, pk_v, den_v, c_v):
    wid = lax.axis_index("s") * NC + lax.axis_index("c")
    base = wid * ECH
    pltpu.sync_copy(src_hbm.at[pl.ds(base, ECH)], src_v)
    pltpu.sync_copy(dst_hbm.at[pl.ds(base, ECH)], dst_v)
    pltpu.sync_copy(el_hbm, el_v)
    pltpu.sync_copy(er_hbm, er_v)
    pltpu.sync_copy(c_hbm, c_v)
    cv = c_v[...]

    def zero_body(i, _):
        den_v[pl.ds(i * 16, 16)] = jnp.zeros((16,), jnp.float32)
        return 0

    lax.fori_loop(0, NP // 16, zero_body, 0)

    def edge_body(j, _):
        sl = pl.ds(j * 16, 16)
        sv = src_v[sl]
        dv = dst_v[sl]
        a = plsc.load_gather(el_v, [sv])
        b = plsc.load_gather(er_v, [dv])
        u = a + b
        e = jnp.where(u >= 0.0, u, u * jnp.float32(0.2))
        pe = jnp.exp(e - cv)
        p_v[sl] = pe
        pk_v[sl] = jnp.bitwise_or(lax.shift_left(dv, 16), sv)
        plsc.addupdate_scatter(den_v, [dv], pe)
        return 0

    lax.fori_loop(0, ECH // 16, edge_body, 0, unroll=2)
    pltpu.sync_copy(p_v, p_hbm.at[pl.ds(base, ECH)])
    pltpu.sync_copy(pk_v, pk_hbm.at[pl.ds(base, ECH)])
    pltpu.sync_copy(den_v, dpart_hbm.at[wid])


_edge_kernel = pl.kernel(
    _edge_body,
    out_type=[
        jax.ShapeDtypeStruct((EP,), jnp.float32),
        jax.ShapeDtypeStruct((EP,), jnp.int32),
        jax.ShapeDtypeStruct((NW, NP), jnp.float32),
    ],
    mesh=plsc.VectorSubcoreMesh(core_axis_name="c", subcore_axis_name="s"),
    scratch_types=[
        pltpu.VMEM((ECH,), jnp.int32),
        pltpu.VMEM((ECH,), jnp.int32),
        pltpu.VMEM((NP,), jnp.float32),
        pltpu.VMEM((NP,), jnp.float32),
        pltpu.VMEM((ECH,), jnp.float32),
        pltpu.VMEM((ECH,), jnp.int32),
        pltpu.VMEM((NP,), jnp.float32),
        pltpu.VMEM((16,), jnp.float32),
    ],
    compiler_params=pltpu.CompilerParams(needs_layout_passes=False),
)


def _den_body(d_ref, dinv_ref):
    s = jnp.sum(d_ref[...], axis=0, keepdims=True)
    dinv_ref[...] = 1.0 / jnp.maximum(s, 1e-9)


def _den_reduce(dpart):
    return pl.pallas_call(
        _den_body,
        out_shape=jax.ShapeDtypeStruct((1, NP), jnp.float32),
    )(dpart)


def _agg_body(pk_hbm, p_hbm, fh_hbm,
              out_hbm,
              pk_v, p_v, sia, sib, dia, dib, ra, rb, sa, sb,
              semf_a, semf_b, sems_a, sems_b, feat_sp, acc):
    cid = lax.axis_index("c")
    sid = lax.axis_index("s")
    ebase = sid * ETILE
    pltpu.sync_copy(pk_hbm.at[pl.ds(ebase, ETILE)], pk_v)
    pltpu.sync_copy(p_hbm.at[pl.ds(ebase, ETILE)], p_v)

    pltpu.sync_copy(fh_hbm.at[cid].at[pl.ds(sid * NROW, NROW)],
                    feat_sp.at[pl.ds(sid * NROW, NROW)])

    def zrow(i, _):
        def zcol(c, _):
            sa[i, pl.ds(c * 16, 16)] = jnp.zeros((16,), jnp.float32)
            return 0
        lax.fori_loop(0, DH // 16, zcol, 0)
        return 0

    lax.fori_loop(0, CHUNK, zrow, 0)
    for z in range(RPT // CHUNK):
        pltpu.sync_copy(sa, acc.at[pl.ds(sid * RPT + z * CHUNK, CHUNK)])
    rem = RPT % CHUNK
    if rem:
        pltpu.sync_copy(sa.at[pl.ds(0, rem)],
                        acc.at[pl.ds(sid * RPT + (RPT // CHUNK) * CHUNK, rem)])
    plsc.subcore_barrier()

    def unpack(j, sibuf, dibuf):
        def ugrp(c, _):
            sl = pl.ds(c * 16, 16)
            pk = pk_v[pl.ds(j * CHUNK + c * 16, 16)]
            sibuf[sl] = jnp.bitwise_and(pk, 0xFFFF)
            dibuf[sl] = lax.shift_right_logical(pk, 16)
            return 0

        lax.fori_loop(0, CHUNK // 16, ugrp, 0)

    def gather(sibuf, rbuf, semf):
        pltpu.async_copy(feat_sp.at[sibuf], rbuf, semf)

    def gwait(sibuf, rbuf, semf):
        pltpu.make_async_copy(feat_sp.at[sibuf], rbuf, semf).wait()

    def process(j, rbuf, sbuf, dibuf, sems):
        def cgrp(c, _):
            al = p_v[pl.ds(j * CHUNK + c * 16, 16)]
            for u in range(16):
                r = c * 16 + u
                a = al[u]
                for g in range(DH // 32):
                    row32 = rbuf[r, pl.ds(g * 32, 32)]
                    lo, hi = plsc.unpack(row32,
                                         format=plsc.PackFormat.INTERLEAVED)
                    sbuf[r, pl.ds(g * 32, 16)] = lo * a
                    sbuf[r, pl.ds(g * 32 + 16, 16)] = hi * a
            return 0

        lax.fori_loop(0, CHUNK // 16, cgrp, 0)
        pltpu.async_copy(sbuf, acc.at[dibuf], sems, add=True)

    def swait(sbuf, dibuf, sems):
        pltpu.make_async_copy(sbuf, acc.at[dibuf], sems).wait()

    unpack(0, sia, dia)
    gather(sia, ra, semf_a)

    def pair(jj, _):
        ja = 2 * jj
        jb = ja + 1

        @pl.when(jj > 0)
        def _():
            swait(sb, dib, sems_b)

        unpack(jb, sib, dib)
        gather(sib, rb, semf_b)
        gwait(sia, ra, semf_a)
        process(ja, ra, sa, dia, sems_a)

        @pl.when(jj < NCHUNK // 2 - 1)
        def _():
            swait(sa, dia, sems_a)
            unpack(ja + 2, sia, dia)
            gather(sia, ra, semf_a)

        gwait(sib, rb, semf_b)
        process(jb, rb, sb, dib, sems_b)
        return 0

    lax.fori_loop(0, NCHUNK // 2, pair, 0)
    swait(sa, dia, sems_a)
    swait(sb, dib, sems_b)
    plsc.subcore_barrier()

    pltpu.sync_copy(acc.at[pl.ds(sid * RPT, RPT)],
                    out_hbm.at[cid].at[pl.ds(sid * RPT, RPT)])


_agg_kernel = pl.kernel(
    _agg_body,
    out_type=[jax.ShapeDtypeStruct((NC, NACC, DH), jnp.float32)],
    mesh=plsc.VectorSubcoreMesh(core_axis_name="c", subcore_axis_name="s"),
    scratch_types=[
        pltpu.VMEM((ETILE,), jnp.int32),
        pltpu.VMEM((ETILE,), jnp.float32),
        pltpu.VMEM((CHUNK,), jnp.int32),
        pltpu.VMEM((CHUNK,), jnp.int32),
        pltpu.VMEM((CHUNK,), jnp.int32),
        pltpu.VMEM((CHUNK,), jnp.int32),
        pltpu.VMEM((CHUNK, DH), jnp.bfloat16),
        pltpu.VMEM((CHUNK, DH), jnp.bfloat16),
        pltpu.VMEM((CHUNK, DH), jnp.float32),
        pltpu.VMEM((CHUNK, DH), jnp.float32),
        pltpu.SemaphoreType.DMA,
        pltpu.SemaphoreType.DMA,
        pltpu.SemaphoreType.DMA,
        pltpu.SemaphoreType.DMA,
        pltpu.VMEM_SHARED((N, DH), jnp.bfloat16),
        pltpu.VMEM_SHARED((NACC, DH), jnp.float32),
    ],
    compiler_params=pltpu.CompilerParams(needs_layout_passes=False,
                                         use_tc_tiling_on_sc=False),
)


def _epi_body(part_ref, dinv_ref, bias_ref, out_ref):
    rst = jnp.concatenate([part_ref[0], part_ref[1]], axis=1)
    out_ref[...] = jnp.maximum(rst * dinv_ref[...] + bias_ref[...], 0.0)


def _epilogue(parts, dinv_col, bias):
    blk = 1000
    return pl.pallas_call(
        _epi_body,
        grid=(N // blk,),
        in_specs=[
            pl.BlockSpec((NC, blk, DH), lambda i: (0, i, 0)),
            pl.BlockSpec((blk, 1), lambda i: (i, 0)),
            pl.BlockSpec((1, D), lambda i: (0, 0)),
        ],
        out_specs=pl.BlockSpec((blk, D), lambda i: (i, 0)),
        out_shape=jax.ShapeDtypeStruct((N, D), jnp.float32),
    )(parts, dinv_col, bias.reshape(1, D))


def kernel(x, edge_index, W, attn_l, attn_r, bias):
    src = edge_index[0].astype(jnp.int32)
    dst = edge_index[1].astype(jnp.int32)
    src_p = jnp.pad(src, (0, EP - E))
    dst_p = jnp.pad(dst, (0, EP - E), constant_values=N)

    fhalves, el, er, cmat = _projection(x, W, attn_l, attn_r)
    el_p = jnp.pad(el[:, 0], (0, NP - N))
    er_p = jnp.pad(er[:, 0], (0, NP - N))
    c16 = cmat[0, :16]

    p, pk, dpart = _edge_kernel(src_p, dst_p, el_p, er_p, c16)
    dinv_col = _den_reduce(dpart).reshape(NP, 1)

    perm = np.zeros(DH, dtype=np.int32)
    for g in range(DH // 32):
        for i in range(16):
            perm[32 * g + 2 * i] = 32 * g + i
            perm[32 * g + 2 * i + 1] = 32 * g + 16 + i
    fhbf = fhalves.astype(jnp.bfloat16)[:, :, perm]

    (parts,) = _agg_kernel(pk, p, fhbf)
    return _epilogue(parts, dinv_col, bias)

# --- scband reference (transcript-rebuilt; emitter-appended) ---
"""Pipeline reference for scband-mlp-52458730553696 (READ-ONLY COPY).

The authoritative reference and input builder live on the scoring server;
editing this copy changes nothing except your own understanding.
"""

import jax, jax.numpy as jnp
import numpy as np

N_NODES = 10000
N_EDGES = 320000
D = 128

def setup_inputs(seed: int = 0) -> dict:
    key = jax.random.key(seed)
    k1, k2, k3, k4, k5 = jax.random.split(key, 5)
    x = jax.random.normal(k1, (N_NODES, D), dtype=jnp.float32)
    edge_index = jax.random.randint(k2, (2, N_EDGES), 0, N_NODES, dtype=jnp.int64)
    W = jax.random.normal(k3, (D, D), dtype=jnp.float32) * 0.08
    attn_l = jax.random.normal(k4, (D,), dtype=jnp.float32) * 0.08
    attn_r = jax.random.normal(k5, (D,), dtype=jnp.float32) * 0.08
    bias = jnp.zeros((D,), dtype=jnp.float32)
    return {"x": x, "edge_index": edge_index, "W": W, "attn_l": attn_l, "attn_r": attn_r, "bias": bias}

def reference(x, edge_index, W, attn_l, attn_r, bias):
    # MLP.forward: x = input_dropout(x) [identity, p=0 / eval]; x = GATConv(128,128,1 head)(g, x); view to (N, 128)
    src = edge_index[0]
    dst = edge_index[1]
    n = x.shape[0]
    # fc projection (num_heads=1)
    feat = x @ W.T  # (N, D)
    el = jnp.sum(feat * attn_l, axis=-1)  # (N,)
    er = jnp.sum(feat * attn_r, axis=-1)  # (N,)
    e = jax.nn.leaky_relu(el[src] + er[dst], negative_slope=0.2)  # (E,)
    # edge softmax grouped by destination node
    m = jax.ops.segment_max(e, dst, num_segments=n)  # (N,)
    e_exp = jnp.exp(e - m[dst])
    denom = jax.ops.segment_sum(e_exp, dst, num_segments=n)  # (N,)
    alpha = e_exp / jnp.maximum(denom[dst], 1e-9)  # (E,)
    # message passing: sum_j alpha_ij * feat_src_j  (allow_zero_in_degree -> zeros)
    msg = feat[src] * alpha[:, None]  # (E, D)
    rst = jax.ops.segment_sum(msg, dst, num_segments=n)  # (N, D)
    rst = rst + bias
    out = jax.nn.relu(rst)  # activation=F.relu_
    return out

if __name__ == "__main__":
    import jax
    _d = setup_inputs()
    print(jax.jit(kernel)(*tuple(_d.values())))

</pallas_src>

<mosaic_0001>
#map = affine_map<(d0, d1) -> (0)>
#map1 = affine_map<(d0, d1) -> (0, 0)>
module attributes {stable_mosaic.version = 14 : i64} {
  func.func @_edge_body(%arg0: i32, %arg1: i32, %arg2: memref<327680xi32, #tpu.memory_space<hbm>>, %arg3: memref<327680xi32, #tpu.memory_space<hbm>>, %arg4: memref<10240xf32, #tpu.memory_space<hbm>>, %arg5: memref<10240xf32, #tpu.memory_space<hbm>>, %arg6: memref<16xf32, #tpu.memory_space<hbm>>, %arg7: memref<327680xf32, #tpu.memory_space<hbm>>, %arg8: memref<327680xi32, #tpu.memory_space<hbm>>, %arg9: memref<32x10240xf32, #tpu.memory_space<hbm>>, %arg10: memref<10240xi32, #tpu.memory_space<vmem>>, %arg11: memref<10240xi32, #tpu.memory_space<vmem>>, %arg12: memref<10240xf32, #tpu.memory_space<vmem>>, %arg13: memref<10240xf32, #tpu.memory_space<vmem>>, %arg14: memref<10240xf32, #tpu.memory_space<vmem>>, %arg15: memref<10240xi32, #tpu.memory_space<vmem>>, %arg16: memref<10240xf32, #tpu.memory_space<vmem>>, %arg17: memref<16xf32, #tpu.memory_space<vmem>>) attributes {dimension_semantics = [#tpu.dimension_semantics<core_parallel>, #tpu.dimension_semantics<subcore_parallel>], iteration_bounds = array<i64: 2, 16>, scalar_prefetch = 0 : i64, scratch_operands = 8 : i64, tpu.core_type = #tpu.core_type<sc_vector_subcore>, window_params = [{transform_indices = #map}, {transform_indices = #map}, {transform_indices = #map}, {transform_indices = #map}, {transform_indices = #map}, {transform_indices = #map}, {transform_indices = #map}, {transform_indices = #map1}]} {
    %mul3A = arith.constant 2 : i32
    %mul3A_0 = arith.muli %arg1, %mul3A : i32
    %add3A = arith.addi %mul3A_0, %arg0 : i32
    %mul3A_1 = arith.constant 10240 : i32
    %mul3A_2 = arith.muli %add3A, %mul3A_1 : i32
    "tpu.region"() ({
      %run_scoped3A = tpu.sem_alloc : memref<!tpu.dma_semaphore, #tpu.memory_space<semaphore_mem>>
      %dma_start3A = tpu.memref_slice %arg2[%mul3A_2] : memref<327680xi32, #tpu.memory_space<hbm>> -> memref<10240xi32, #tpu.memory_space<hbm>>
      %dma_start3A_17 = tpu.memref_slice %arg2[%mul3A_2] : memref<327680xi32, #tpu.memory_space<hbm>> -> memref<10240xi32, #tpu.memory_space<hbm>>
      tpu.enqueue_dma source(%dma_start3A_17 : memref<10240xi32, #tpu.memory_space<hbm>>) target(%arg10 : memref<10240xi32, #tpu.memory_space<vmem>>) target_semaphore(%run_scoped3A : memref<!tpu.dma_semaphore, #tpu.memory_space<semaphore_mem>>)
      %dma_wait3A = tpu.memref_slice %arg2[%mul3A_2] : memref<327680xi32, #tpu.memory_space<hbm>> -> memref<10240xi32, #tpu.memory_space<hbm>>
      %dma_wait3A_18 = tpu.memref_slice %arg2[%mul3A_2] : memref<327680xi32, #tpu.memory_space<hbm>> -> memref<10240xi32, #tpu.memory_space<hbm>>
      tpu.wait_dma2 semaphore(%run_scoped3A : memref<!tpu.dma_semaphore, #tpu.memory_space<semaphore_mem>>) src(%dma_wait3A_18 : memref<10240xi32, #tpu.memory_space<hbm>>) dst(%arg10 : memref<10240xi32, #tpu.memory_space<vmem>>)
      tpu.yield
    }) : () -> ()
    "tpu.region"() ({
      %run_scoped3A = tpu.sem_alloc : memref<!tpu.dma_semaphore, #tpu.memory_space<semaphore_mem>>
      %dma_start3A = tpu.memref_slice %arg3[%mul3A_2] : memref<327680xi32, #tpu.memory_space<hbm>> -> memref<10240xi32, #tpu.memory_space<hbm>>
      %dma_start3A_17 = tpu.memref_slice %arg3[%mul3A_2] : memref<327680xi32, #tpu.memory_space<hbm>> -> memref<10240xi32, #tpu.memory_space<hbm>>
      tpu.enqueue_dma source(%dma_start3A_17 : memref<10240xi32, #tpu.memory_space<hbm>>) target(%arg11 : memref<10240xi32, #tpu.memory_space<vmem>>) target_semaphore(%run_scoped3A : memref<!tpu.dma_semaphore, #tpu.memory_space<semaphore_mem>>)
      %dma_wait3A = tpu.memref_slice %arg3[%mul3A_2] : memref<327680xi32, #tpu.memory_space<hbm>> -> memref<10240xi32, #tpu.memory_space<hbm>>
      %dma_wait3A_18 = tpu.memref_slice %arg3[%mul3A_2] : memref<327680xi32, #tpu.memory_space<hbm>> -> memref<10240xi32, #tpu.memory_space<hbm>>
      tpu.wait_dma2 semaphore(%run_scoped3A : memref<!tpu.dma_semaphore, #tpu.memory_space<semaphore_mem>>) src(%dma_wait3A_18 : memref<10240xi32, #tpu.memory_space<hbm>>) dst(%arg11 : memref<10240xi32, #tpu.memory_space<vmem>>)
      tpu.yield
    }) : () -> ()
    "tpu.region"() ({
      %run_scoped3A = tpu.sem_alloc : memref<!tpu.dma_semaphore, #tpu.memory_space<semaphore_mem>>
      tpu.enqueue_dma source(%arg4 : memref<10240xf32, #tpu.memory_space<hbm>>) target(%arg12 : memref<10240xf32, #tpu.memory_space<vmem>>) target_semaphore(%run_scoped3A : memref<!tpu.dma_semaphore, #tpu.memory_space<semaphore_mem>>)
      tpu.wait_dma2 semaphore(%run_scoped3A : memref<!tpu.dma_semaphore, #tpu.memory_space<semaphore_mem>>) src(%arg4 : memref<10240xf32, #tpu.memory_space<hbm>>) dst(%arg12 : memref<10240xf32, #tpu.memory_space<vmem>>)
      tpu.yield
    }) : () -> ()
    "tpu.region"() ({
      %run_scoped3A = tpu.sem_alloc : memref<!tpu.dma_semaphore, #tpu.memory_space<semaphore_mem>>
      tpu.enqueue_dma source(%arg5 : memref<10240xf32, #tpu.memory_space<hbm>>) target(%arg13 : memref<10240xf32, #tpu.memory_space<vmem>>) target_semaphore(%run_scoped3A : memref<!tpu.dma_semaphore, #tpu.memory_space<semaphore_mem>>)
      tpu.wait_dma2 semaphore(%run_scoped3A : memref<!tpu.dma_semaphore, #tpu.memory_space<semaphore_mem>>) src(%arg5 : memref<10240xf32, #tpu.memory_space<hbm>>) dst(%arg13 : memref<10240xf32, #tpu.memory_space<vmem>>)
      tpu.yield
    }) : () -> ()
    "tpu.region"() ({
      %run_scoped3A = tpu.sem_alloc : memref<!tpu.dma_semaphore, #tpu.memory_space<semaphore_mem>>
      tpu.enqueue_dma source(%arg6 : memref<16xf32, #tpu.memory_space<hbm>>) target(%arg17 : memref<16xf32, #tpu.memory_space<vmem>>) target_semaphore(%run_scoped3A : memref<!tpu.dma_semaphore, #tpu.memory_space<semaphore_mem>>)
      tpu.wait_dma2 semaphore(%run_scoped3A : memref<!tpu.dma_semaphore, #tpu.memory_space<semaphore_mem>>) src(%arg6 : memref<16xf32, #tpu.memory_space<hbm>>) dst(%arg17 : memref<16xf32, #tpu.memory_space<vmem>>)
      tpu.yield
    }) : () -> ()
    %get3A = arith.constant 0 : index
    %get3A_3 = tpu.vector_load %arg17[%get3A] {strides = array<i32>} : memref<16xf32, #tpu.memory_space<vmem>>, vector<16xf32>,
    %scan3A = arith.constant 0 : i32
    %scan3A_4 = arith.constant 0 : i32
    %scan3A_5 = arith.constant 640 : i32
    %scan3A_6 = arith.addi %scan3A_4, %scan3A_5 : i32
    %scan3A_7 = arith.constant 1 : i32
    %scan3A_8 = scf.for %scan3A_17 = %scan3A_4 to %scan3A_6 step %scan3A_7 iter_args(%scan3A_18 = %scan3A) -> (i32)  : i32 {
      %broadcast_in_dim3A = arith.constant 0.000000e+00 : f32
      %broadcast_in_dim3A_19 = vector.broadcast %broadcast_in_dim3A : f32 to vector<16xf32>
      %mul3A_20 = arith.constant 16 : i32
      %mul3A_21 = arith.muli %scan3A_17, %mul3A_20 : i32
      %swap3A = arith.index_cast %mul3A_21 : i32 to index
      %swap3A_22 = tpu.vector_load %arg16[%swap3A] {strides = array<i32>} : memref<10240xf32, #tpu.memory_space<vmem>>, vector<16xf32>,
      tpu.vector_store %arg16[%swap3A], %broadcast_in_dim3A_19 {strides = array<i32>} : memref<10240xf32, #tpu.memory_space<vmem>>, vector<16xf32>,
      %scan3A_23 = arith.constant 0 : i32
      scf.yield %scan3A_23 : i32
    }
    %scan3A_9 = arith.constant 640 : i32
    %scan3A_10 = arith.constant 0 : i32
    %scan3A_11 = arith.constant 0 : i32
    %scan3A_12 = arith.constant 640 : i32
    %scan3A_13 = arith.addi %scan3A_11, %scan3A_12 : i32
    %scan3A_14 = arith.constant 2 : i32
    %scan3A_15 = scf.for %scan3A_17 = %scan3A_11 to %scan3A_13 step %scan3A_14 iter_args(%scan3A_18 = %scan3A_10) -> (i32)  : i32 {
      %mul3A_19 = arith.constant 16 : i32
      %mul3A_20 = arith.muli %scan3A_17, %mul3A_19 : i32
      %get3A_21 = arith.index_cast %mul3A_20 : i32 to index
      %get3A_22 = tpu.vector_load %arg10[%get3A_21] {strides = array<i32>} : memref<10240xi32, #tpu.memory_space<vmem>>, vector<16xi32>,
      %get3A_23 = arith.index_cast %mul3A_20 : i32 to index
      %get3A_24 = tpu.vector_load %arg11[%get3A_23] {strides = array<i32>} : memref<10240xi32, #tpu.memory_space<vmem>>, vector<16xi32>,
      %gather3A = tpu.vector_load_idx %arg12[%get3A_22] : memref<10240xf32, #tpu.memory_space<vmem>>[vector<16xi32>], vector<16xf32>,
      %gather3A_25 = tpu.vector_load_idx %arg13[%get3A_24] : memref<10240xf32, #tpu.memory_space<vmem>>[vector<16xi32>], vector<16xf32>,
      %add3A_26 = arith.addf %gather3A, %gather3A_25 : vector<16xf32>
      %ge3A = arith.constant 0.000000e+00 : f32
      %ge3A_27 = vector.broadcast %ge3A : f32 to vector<16xf32>
      %ge3A_28 = arith.cmpf oge, %add3A_26, %ge3A_27 : vector<16xf32>
      %mul3A_29 = arith.constant 2.000000e-01 : f32
      %mul3A_30 = vector.broadcast %mul3A_29 : f32 to vector<16xf32>
      %mul3A_31 = arith.mulf %add3A_26, %mul3A_30 : vector<16xf32>
      %select_n3A = arith.select %ge3A_28, %add3A_26, %mul3A_31 : vector<16xi1>, vector<16xf32>
      %sub3A = arith.subf %select_n3A, %get3A_3 : vector<16xf32>
      %exp3A = math.exp %sub3A : vector<16xf32>
      %swap3A = arith.index_cast %mul3A_20 : i32 to index
      %swap3A_32 = tpu.vector_load %arg14[%swap3A] {strides = array<i32>} : memref<10240xf32, #tpu.memory_space<vmem>>, vector<16xf32>,
      tpu.vector_store %arg14[%swap3A], %exp3A {strides = array<i32>} : memref<10240xf32, #tpu.memory_space<vmem>>, vector<16xf32>,
      %shift_left3A = arith.constant 16 : i32
      %shift_left3A_33 = vector.broadcast %shift_left3A : i32 to vector<16xi32>
      %shift_left3A_34 = arith.shli %get3A_24, %shift_left3A_33 : vector<16xi32>
      %or3A = arith.ori %shift_left3A_34, %get3A_22 : vector<16xi32>
      %swap3A_35 = arith.index_cast %mul3A_20 : i32 to index
      %swap3A_36 = tpu.vector_load %arg15[%swap3A_35] {strides = array<i32>} : memref<10240xi32, #tpu.memory_space<vmem>>, vector<16xi32>,
      tpu.vector_store %arg15[%swap3A_35], %or3A {strides = array<i32>} : memref<10240xi32, #tpu.memory_space<vmem>>, vector<16xi32>,
      tpu.vector_store_idx %arg16[%get3A_24], %exp3A {add = true} : memref<10240xf32, #tpu.memory_space<vmem>>[vector<16xi32>], vector<16xf32>,
      %scan3A_37 = arith.constant 0 : i32
      %scan3A_38 = arith.constant 1 : i32
      %scan3A_39 = arith.addi %scan3A_17, %scan3A_38 : i32
      %mul3A_40 = arith.constant 16 : i32
      %mul3A_41 = arith.muli %scan3A_39, %mul3A_40 : i32
      %get3A_42 = arith.index_cast %mul3A_41 : i32 to index
      %get3A_43 = tpu.vector_load %arg10[%get3A_42] {strides = array<i32>} : memref<10240xi32, #tpu.memory_space<vmem>>, vector<16xi32>,
      %get3A_44 = arith.index_cast %mul3A_41 : i32 to index
      %get3A_45 = tpu.vector_load %arg11[%get3A_44] {strides = array<i32>} : memref<10240xi32, #tpu.memory_space<vmem>>, vector<16xi32>,
      %gather3A_46 = tpu.vector_load_idx %arg12[%get3A_43] : memref<10240xf32, #tpu.memory_space<vmem>>[vector<16xi32>], vector<16xf32>,
      %gather3A_47 = tpu.vector_load_idx %arg13[%get3A_45] : memref<10240xf32, #tpu.memory_space<vmem>>[vector<16xi32>], vector<16xf32>,
      %add3A_48 = arith.addf %gather3A_46, %gather3A_47 : vector<16xf32>
      %ge3A_49 = arith.constant 0.000000e+00 : f32
      %ge3A_50 = vector.broadcast %ge3A_49 : f32 to vector<16xf32>
      %ge3A_51 = arith.cmpf oge, %add3A_48, %ge3A_50 : vector<16xf32>
      %mul3A_52 = arith.constant 2.000000e-01 : f32
      %mul3A_53 = vector.broadcast %mul3A_52 : f32 to vector<16xf32>
      %mul3A_54 = arith.mulf %add3A_48, %mul3A_53 : vector<16xf32>
      %select_n3A_55 = arith.select %ge3A_51, %add3A_48, %mul3A_54 : vector<16xi1>, vector<16xf32>
      %sub3A_56 = arith.subf %select_n3A_55, %get3A_3 : vector<16xf32>
      %exp3A_57 = math.exp %sub3A_56 : vector<16xf32>
      %swap3A_58 = arith.index_cast %mul3A_41 : i32 to index
      %swap3A_59 = tpu.vector_load %arg14[%swap3A_58] {strides = array<i32>} : memref<10240xf32, #tpu.memory_space<vmem>>, vector<16xf32>,
      tpu.vector_store %arg14[%swap3A_58], %exp3A_57 {strides = array<i32>} : memref<10240xf32, #tpu.memory_space<vmem>>, vector<16xf32>,
      %shift_left3A_60 = arith.constant 16 : i32
      %shift_left3A_61 = vector.broadcast %shift_left3A_60 : i32 to vector<16xi32>
      %shift_left3A_62 = arith.shli %get3A_45, %shift_left3A_61 : vector<16xi32>
      %or3A_63 = arith.ori %shift_left3A_62, %get3A_43 : vector<16xi32>
      %swap3A_64 = arith.index_cast %mul3A_41 : i32 to index
      %swap3A_65 = tpu.vector_load %arg15[%swap3A_64] {strides = array<i32>} : memref<10240xi32, #tpu.memory_space<vmem>>, vector<16xi32>,
      tpu.vector_store %arg15[%swap3A_64], %or3A_63 {strides = array<i32>} : memref<10240xi32, #tpu.memory_space<vmem>>, vector<16xi32>,
      tpu.vector_store_idx %arg16[%get3A_45], %exp3A_57 {add = true} : memref<10240xf32, #tpu.memory_space<vmem>>[vector<16xi32>], vector<16xf32>,
      %scan3A_66 = arith.constant 0 : i32
      scf.yield %scan3A_66 : i32
    }
    %scan3A_16 = arith.constant 640 : i32
    "tpu.region"() ({
      %run_scoped3A = tpu.sem_alloc : memref<!tpu.dma_semaphore, #tpu.memory_space<semaphore_mem>>
      %dma_start3A = tpu.memref_slice %arg7[%mul3A_2] : memref<327680xf32, #tpu.memory_space<hbm>> -> memref<10240xf32, #tpu.memory_space<hbm>>
      %dma_start3A_17 = tpu.memref_slice %arg7[%mul3A_2] : memref<327680xf32, #tpu.memory_space<hbm>> -> memref<10240xf32, #tpu.memory_space<hbm>>
      tpu.enqueue_dma source(%arg14 : memref<10240xf32, #tpu.memory_space<vmem>>) target(%dma_start3A_17 : memref<10240xf32, #tpu.memory_space<hbm>>) target_semaphore(%run_scoped3A : memref<!tpu.dma_semaphore, #tpu.memory_space<semaphore_mem>>)
      %dma_wait3A = tpu.memref_slice %arg7[%mul3A_2] : memref<327680xf32, #tpu.memory_space<hbm>> -> memref<10240xf32, #tpu.memory_space<hbm>>
      %dma_wait3A_18 = tpu.memref_slice %arg7[%mul3A_2] : memref<327680xf32, #tpu.memory_space<hbm>> -> memref<10240xf32, #tpu.memory_space<hbm>>
      tpu.wait_dma2 semaphore(%run_scoped3A : memref<!tpu.dma_semaphore, #tpu.memory_space<semaphore_mem>>) src(%arg14 : memref<10240xf32, #tpu.memory_space<vmem>>) dst(%dma_wait3A_18 : memref<10240xf32, #tpu.memory_space<hbm>>)
      tpu.yield
    }) : () -> ()
    "tpu.region"() ({
      %run_scoped3A = tpu.sem_alloc : memref<!tpu.dma_semaphore, #tpu.memory_space<semaphore_mem>>
      %dma_start3A = tpu.memref_slice %arg8[%mul3A_2] : memref<327680xi32, #tpu.memory_space<hbm>> -> memref<10240xi32, #tpu.memory_space<hbm>>
      %dma_start3A_17 = tpu.memref_slice %arg8[%mul3A_2] : memref<327680xi32, #tpu.memory_space<hbm>> -> memref<10240xi32, #tpu.memory_space<hbm>>
      tpu.enqueue_dma source(%arg15 : memref<10240xi32, #tpu.memory_space<vmem>>) target(%dma_start3A_17 : memref<10240xi32, #tpu.memory_space<hbm>>) target_semaphore(%run_scoped3A : memref<!tpu.dma_semaphore, #tpu.memory_space<semaphore_mem>>)
      %dma_wait3A = tpu.memref_slice %arg8[%mul3A_2] : memref<327680xi32, #tpu.memory_space<hbm>> -> memref<10240xi32, #tpu.memory_space<hbm>>
      %dma_wait3A_18 = tpu.memref_slice %arg8[%mul3A_2] : memref<327680xi32, #tpu.memory_space<hbm>> -> memref<10240xi32, #tpu.memory_space<hbm>>
      tpu.wait_dma2 semaphore(%run_scoped3A : memref<!tpu.dma_semaphore, #tpu.memory_space<semaphore_mem>>) src(%arg15 : memref<10240xi32, #tpu.memory_space<vmem>>) dst(%dma_wait3A_18 : memref<10240xi32, #tpu.memory_space<hbm>>)
      tpu.yield
    }) : () -> ()
    "tpu.region"() ({
      %run_scoped3A = tpu.sem_alloc : memref<!tpu.dma_semaphore, #tpu.memory_space<semaphore_mem>>
      %dma_start3A = arith.constant 0 : i32
      %dma_start3A_17 = tpu.memref_slice %arg9[%add3A, %dma_start3A] : memref<32x10240xf32, #tpu.memory_space<hbm>> -> memref<1x10240xf32, #tpu.memory_space<hbm>>
      %dma_start3A_18 = tpu.memref_squeeze %dma_start3A_17 : memref<1x10240xf32, #tpu.memory_space<hbm>> -> memref<10240xf32, #tpu.memory_space<hbm>>
      %dma_start3A_19 = arith.constant 0 : i32
      %dma_start3A_20 = tpu.memref_slice %arg9[%add3A, %dma_start3A_19] : memref<32x10240xf32, #tpu.memory_space<hbm>> -> memref<1x10240xf32, #tpu.memory_space<hbm>>
      %dma_start3A_21 = tpu.memref_squeeze %dma_start3A_20 : memref<1x10240xf32, #tpu.memory_space<hbm>> -> memref<10240xf32, #tpu.memory_space<hbm>>
      tpu.enqueue_dma source(%arg16 : memref<10240xf32, #tpu.memory_space<vmem>>) target(%dma_start3A_21 : memref<10240xf32, #tpu.memory_space<hbm>>) target_semaphore(%run_scoped3A : memref<!tpu.dma_semaphore, #tpu.memory_space<semaphore_mem>>)
      %dma_wait3A = arith.constant 0 : i32
      %dma_wait3A_22 = tpu.memref_slice %arg9[%add3A, %dma_wait3A] : memref<32x10240xf32, #tpu.memory_space<hbm>> -> memref<1x10240xf32, #tpu.memory_space<hbm>>
      %dma_wait3A_23 = tpu.memref_squeeze %dma_wait3A_22 : memref<1x10240xf32, #tpu.memory_space<hbm>> -> memref<10240xf32, #tpu.memory_space<hbm>>
      %dma_wait3A_24 = arith.constant 0 : i32
      %dma_wait3A_25 = tpu.memref_slice %arg9[%add3A, %dma_wait3A_24] : memref<32x10240xf32, #tpu.memory_space<hbm>> -> memref<1x10240xf32, #tpu.memory_space<hbm>>
      %dma_wait3A_26 = tpu.memref_squeeze %dma_wait3A_25 : memref<1x10240xf32, #tpu.memory_space<hbm>> -> memref<10240xf32, #tpu.memory_space<hbm>>
      tpu.wait_dma2 semaphore(%run_scoped3A : memref<!tpu.dma_semaphore, #tpu.memory_space<semaphore_mem>>) src(%arg16 : memref<10240xf32, #tpu.memory_space<vmem>>) dst(%dma_wait3A_26 : memref<10240xf32, #tpu.memory_space<hbm>>)
      tpu.yield
    }) : () -> ()
    return
  }
}

#map = affine_map<(d0, d1) -> (0)>
#map1 = affine_map<(d0, d1) -> (0, 0, 0)>
module attributes {stable_mosaic.version = 14 : i64} {
  func.func @_agg_body(%arg0: i32, %arg1: i32, %arg2: memref<327680xi32, #tpu.memory_space<hbm>>, %arg3: memref<327680xf32, #tpu.memory_space<hbm>>, %arg4: memref<2x10000x64xbf16, #tpu.memory_space<hbm>>, %arg5: memref<2x10112x64xf32, #tpu.memory_space<hbm>>, %arg6: memref<20480xi32, #tpu.memory_space<vmem>>, %arg7: memref<20480xf32, #tpu.memory_space<vmem>>, %arg8: memref<128xi32, #tpu.memory_space<vmem>>, %arg9: memref<128xi32, #tpu.memory_space<vmem>>, %arg10: memref<128xi32, #tpu.memory_space<vmem>>, %arg11: memref<128xi32, #tpu.memory_space<vmem>>, %arg12: memref<128x64xbf16, #tpu.memory_space<vmem>>, %arg13: memref<128x64xbf16, #tpu.memory_space<vmem>>, %arg14: memref<128x64xf32, #tpu.memory_space<vmem>>, %arg15: memref<128x64xf32, #tpu.memory_space<vmem>>, %arg16: memref<!tpu.dma_semaphore, #tpu.memory_space<semaphore_mem>>, %arg17: memref<!tpu.dma_semaphore, #tpu.memory_space<semaphore_mem>>, %arg18: memref<!tpu.dma_semaphore, #tpu.memory_space<semaphore_mem>>, %arg19: memref<!tpu.dma_semaphore, #tpu.memory_space<semaphore_mem>>, %arg20: memref<10000x64xbf16, #tpu.memory_space<vmem_shared>>, %arg21: memref<10112x64xf32, #tpu.memory_space<vmem_shared>>) attributes {dimension_semantics = [#tpu.dimension_semantics<core_parallel>, #tpu.dimension_semantics<subcore_parallel>], iteration_bounds = array<i64: 2, 16>, scalar_prefetch = 0 : i64, scratch_operands = 16 : i64, tpu.core_type = #tpu.core_type<sc_vector_subcore>, window_params = [{transform_indices = #map}, {transform_indices = #map}, {transform_indices = #map1}, {transform_indices = #map1}]} {
    %mul3A = arith.constant 20480 : i32
    %mul3A_0 = arith.muli %arg1, %mul3A : i32
    "tpu.region"() ({
      %run_scoped3A = tpu.sem_alloc : memref<!tpu.dma_semaphore, #tpu.memory_space<semaphore_mem>>
      %dma_start3A_56 = tpu.memref_slice %arg2[%mul3A_0] : memref<327680xi32, #tpu.memory_space<hbm>> -> memref<20480xi32, #tpu.memory_space<hbm>>
      %dma_start3A_57 = tpu.memref_slice %arg2[%mul3A_0] : memref<327680xi32, #tpu.memory_space<hbm>> -> memref<20480xi32, #tpu.memory_space<hbm>>
      tpu.enqueue_dma source(%dma_start3A_57 : memref<20480xi32, #tpu.memory_space<hbm>>) target(%arg6 : memref<20480xi32, #tpu.memory_space<vmem>>) target_semaphore(%run_scoped3A : memref<!tpu.dma_semaphore, #tpu.memory_space<semaphore_mem>>)
      %dma_wait3A_58 = tpu.memref_slice %arg2[%mul3A_0] : memref<327680xi32, #tpu.memory_space<hbm>> -> memref<20480xi32, #tpu.memory_space<hbm>>
      %dma_wait3A_59 = tpu.memref_slice %arg2[%mul3A_0] : memref<327680xi32, #tpu.memory_space<hbm>> -> memref<20480xi32, #tpu.memory_space<hbm>>
      tpu.wait_dma2 semaphore(%run_scoped3A : memref<!tpu.dma_semaphore, #tpu.memory_space<semaphore_mem>>) src(%dma_wait3A_59 : memref<20480xi32, #tpu.memory_space<hbm>>) dst(%arg6 : memref<20480xi32, #tpu.memory_space<vmem>>)
      tpu.yield
    }) : () -> ()
    "tpu.region"() ({
      %run_scoped3A = tpu.sem_alloc : memref<!tpu.dma_semaphore, #tpu.memory_space<semaphore_mem>>
      %dma_start3A_56 = tpu.memref_slice %arg3[%mul3A_0] : memref<327680xf32, #tpu.memory_space<hbm>> -> memref<20480xf32, #tpu.memory_space<hbm>>
      %dma_start3A_57 = tpu.memref_slice %arg3[%mul3A_0] : memref<327680xf32, #tpu.memory_space<hbm>> -> memref<20480xf32, #tpu.memory_space<hbm>>
      tpu.enqueue_dma source(%dma_start3A_57 : memref<20480xf32, #tpu.memory_space<hbm>>) target(%arg7 : memref<20480xf32, #tpu.memory_space<vmem>>) target_semaphore(%run_scoped3A : memref<!tpu.dma_semaphore, #tpu.memory_space<semaphore_mem>>)
      %dma_wait3A_58 = tpu.memref_slice %arg3[%mul3A_0] : memref<327680xf32, #tpu.memory_space<hbm>> -> memref<20480xf32, #tpu.memory_space<hbm>>
      %dma_wait3A_59 = tpu.memref_slice %arg3[%mul3A_0] : memref<327680xf32, #tpu.memory_space<hbm>> -> memref<20480xf32, #tpu.memory_space<hbm>>
      tpu.wait_dma2 semaphore(%run_scoped3A : memref<!tpu.dma_semaphore, #tpu.memory_space<semaphore_mem>>) src(%dma_wait3A_59 : memref<20480xf32, #tpu.memory_space<hbm>>) dst(%arg7 : memref<20480xf32, #tpu.memory_space<vmem>>)
      tpu.yield
    }) : () -> ()
    %mul3A_1 = arith.constant 625 : i32
    %mul3A_2 = arith.muli %arg1, %mul3A_1 : i32
    %mul3A_3 = arith.constant 625 : i32
    %mul3A_4 = arith.muli %arg1, %mul3A_3 : i32
    "tpu.region"() ({
      %run_scoped3A = tpu.sem_alloc : memref<!tpu.dma_semaphore, #tpu.memory_space<semaphore_mem>>
      %dma_start3A_56 = arith.constant 0 : i32
      %dma_start3A_57 = tpu.memref_slice %arg20[%mul3A_4, %dma_start3A_56] : memref<10000x64xbf16, #tpu.memory_space<vmem_shared>> -> memref<625x64xbf16, #tpu.memory_space<vmem_shared>>
      %dma_start3A_58 = arith.constant 0 : i32
      %dma_start3A_59 = arith.constant 0 : i32
      %dma_start3A_60 = tpu.memref_slice %arg4[%arg0, %dma_start3A_58, %dma_start3A_59] : memref<2x10000x64xbf16, #tpu.memory_space<hbm>> -> memref<1x10000x64xbf16, #tpu.memory_space<hbm>>
      %dma_start3A_61 = tpu.memref_squeeze %dma_start3A_60 : memref<1x10000x64xbf16, #tpu.memory_space<hbm>> -> memref<10000x64xbf16, #tpu.memory_space<hbm>>
      %dma_start3A_62 = arith.constant 0 : i32
      %dma_start3A_63 = tpu.memref_slice %dma_start3A_61[%mul3A_2, %dma_start3A_62] : memref<10000x64xbf16, #tpu.memory_space<hbm>> -> memref<625x64xbf16, #tpu.memory_space<hbm>>
      tpu.enqueue_dma source(%dma_start3A_63 : memref<625x64xbf16, #tpu.memory_space<hbm>>) target(%dma_start3A_57 : memref<625x64xbf16, #tpu.memory_space<vmem_shared>>) target_semaphore(%run_scoped3A : memref<!tpu.dma_semaphore, #tpu.memory_space<semaphore_mem>>)
      %dma_wait3A_64 = arith.constant 0 : i32
      %dma_wait3A_65 = tpu.memref_slice %arg20[%mul3A_4, %dma_wait3A_64] : memref<10000x64xbf16, #tpu.memory_space<vmem_shared>> -> memref<625x64xbf16, #tpu.memory_space<vmem_shared>>
      %dma_wait3A_66 = arith.constant 0 : i32
      %dma_wait3A_67 = arith.constant 0 : i32
      %dma_wait3A_68 = tpu.memref_slice %arg4[%arg0, %dma_wait3A_66, %dma_wait3A_67] : memref<2x10000x64xbf16, #tpu.memory_space<hbm>> -> memref<1x10000x64xbf16, #tpu.memory_space<hbm>>
      %dma_wait3A_69 = tpu.memref_squeeze %dma_wait3A_68 : memref<1x10000x64xbf16, #tpu.memory_space<hbm>> -> memref<10000x64xbf16, #tpu.memory_space<hbm>>
      %dma_wait3A_70 = arith.constant 0 : i32
      %dma_wait3A_71 = tpu.memref_slice %dma_wait3A_69[%mul3A_2, %dma_wait3A_70] : memref<10000x64xbf16, #tpu.memory_space<hbm>> -> memref<625x64xbf16, #tpu.memory_space<hbm>>
      tpu.wait_dma2 semaphore(%run_scoped3A : memref<!tpu.dma_semaphore, #tpu.memory_space<semaphore_mem>>) src(%dma_wait3A_71 : memref<625x64xbf16, #tpu.memory_space<hbm>>) dst(%dma_wait3A_65 : memref<625x64xbf16, #tpu.memory_space<vmem_shared>>)
      tpu.yield
    }) : () -> ()
    %scan3A = arith.constant 0 : i32
    %scan3A_5 = arith.constant 0 : i32
    %scan3A_6 = arith.constant 128 : i32
    %scan3A_7 = arith.addi %scan3A_5, %scan3A_6 : i32
    %scan3A_8 = arith.constant 1 : i32
    %scan3A_9 = scf.for %scan3A_56 = %scan3A_5 to %scan3A_7 step %scan3A_8 iter_args(%scan3A_57 = %scan3A) -> (i32)  : i32 {
      %scan3A_58 = arith.constant 0 : i32
      %scan3A_59 = arith.constant 0 : i32
      %scan3A_60 = arith.constant 4 : i32
      %scan3A_61 = arith.addi %scan3A_59, %scan3A_60 : i32
      %scan3A_62 = arith.constant 1 : i32
      %scan3A_63 = scf.for %scan3A_66 = %scan3A_59 to %scan3A_61 step %scan3A_62 iter_args(%scan3A_67 = %scan3A_58) -> (i32)  : i32 {
        %broadcast_in_dim3A = arith.constant 0.000000e+00 : f32
        %broadcast_in_dim3A_68 = vector.broadcast %broadcast_in_dim3A : f32 to vector<16xf32>
        %mul3A_69 = arith.constant 16 : i32
        %mul3A_70 = arith.muli %scan3A_66, %mul3A_69 : i32
        %swap3A = arith.index_cast %scan3A_56 : i32 to index
        %swap3A_71 = arith.index_cast %mul3A_70 : i32 to index
        %swap3A_72 = tpu.vector_load %arg14[%swap3A, %swap3A_71] {strides = array<i32>} : memref<128x64xf32, #tpu.memory_space<vmem>>, vector<16xf32>,
        tpu.vector_store %arg14[%swap3A, %swap3A_71], %broadcast_in_dim3A_68 {strides = array<i32>} : memref<128x64xf32, #tpu.memory_space<vmem>>, vector<16xf32>,
        %scan3A_73 = arith.constant 0 : i32
        scf.yield %scan3A_73 : i32
      }
      %scan3A_64 = arith.constant 4 : i32
      %scan3A_65 = arith.constant 0 : i32
      scf.yield %scan3A_65 : i32
    }
    %scan3A_10 = arith.constant 128 : i32
    %mul3A_11 = arith.constant 632 : i32
    %mul3A_12 = arith.muli %arg1, %mul3A_11 : i32
    %add3A = arith.constant 0 : i32
    %add3A_13 = arith.addi %mul3A_12, %add3A : i32
    "tpu.region"() ({
      %run_scoped3A = tpu.sem_alloc : memref<!tpu.dma_semaphore, #tpu.memory_space<semaphore_mem>>
      %dma_start3A_56 = arith.constant 0 : i32
      %dma_start3A_57 = tpu.memref_slice %arg21[%add3A_13, %dma_start3A_56] : memref<10112x64xf32, #tpu.memory_space<vmem_shared>> -> memref<128x64xf32, #tpu.memory_space<vmem_shared>>
      %dma_start3A_58 = arith.constant 0 : i32
      %dma_start3A_59 = tpu.memref_slice %arg21[%add3A_13, %dma_start3A_58] : memref<10112x64xf32, #tpu.memory_space<vmem_shared>> -> memref<128x64xf32, #tpu.memory_space<vmem_shared>>
      tpu.enqueue_dma source(%arg14 : memref<128x64xf32, #tpu.memory_space<vmem>>) target(%dma_start3A_59 : memref<128x64xf32, #tpu.memory_space<vmem_shared>>) target_semaphore(%run_scoped3A : memref<!tpu.dma_semaphore, #tpu.memory_space<semaphore_mem>>)
      %dma_wait3A_60 = arith.constant 0 : i32
      %dma_wait3A_61 = tpu.memref_slice %arg21[%add3A_13, %dma_wait3A_60] : memref<10112x64xf32, #tpu.memory_space<vmem_shared>> -> memref<128x64xf32, #tpu.memory_space<vmem_shared>>
      %dma_wait3A_62 = arith.constant 0 : i32
      %dma_wait3A_63 = tpu.memref_slice %arg21[%add3A_13, %dma_wait3A_62] : memref<10112x64xf32, #tpu.memory_space<vmem_shared>> -> memref<128x64xf32, #tpu.memory_space<vmem_shared>>
      tpu.wait_dma2 semaphore(%run_scoped3A : memref<!tpu.dma_semaphore, #tpu.memory_space<semaphore_mem>>) src(%arg14 : memref<128x64xf32, #tpu.memory_space<vmem>>) dst(%dma_wait3A_63 : memref<128x64xf32, #tpu.memory_space<vmem_shared>>)
      tpu.yield
    }) : () -> ()
    %mul3A_14 = arith.constant 632 : i32
    %mul3A_15 = arith.muli %arg1, %mul3A_14 : i32
    %add3A_16 = arith.constant 128 : i32
    %add3A_17 = arith.addi %mul3A_15, %add3A_16 : i32
    "tpu.region"() ({
      %run_scoped3A = tpu.sem_alloc : memref<!tpu.dma_semaphore, #tpu.memory_space<semaphore_mem>>
      %dma_start3A_56 = arith.constant 0 : i32
      %dma_start3A_57 = tpu.memref_slice %arg21[%add3A_17, %dma_start3A_56] : memref<10112x64xf32, #tpu.memory_space<vmem_shared>> -> memref<128x64xf32, #tpu.memory_space<vmem_shared>>
      %dma_start3A_58 = arith.constant 0 : i32
      %dma_start3A_59 = tpu.memref_slice %arg21[%add3A_17, %dma_start3A_58] : memref<10112x64xf32, #tpu.memory_space<vmem_shared>> -> memref<128x64xf32, #tpu.memory_space<vmem_shared>>
      tpu.enqueue_dma source(%arg14 : memref<128x64xf32, #tpu.memory_space<vmem>>) target(%dma_start3A_59 : memref<128x64xf32, #tpu.memory_space<vmem_shared>>) target_semaphore(%run_scoped3A : memref<!tpu.dma_semaphore, #tpu.memory_space<semaphore_mem>>)
      %dma_wait3A_60 = arith.constant 0 : i32
      %dma_wait3A_61 = tpu.memref_slice %arg21[%add3A_17, %dma_wait3A_60] : memref<10112x64xf32, #tpu.memory_space<vmem_shared>> -> memref<128x64xf32, #tpu.memory_space<vmem_shared>>
      %dma_wait3A_62 = arith.constant 0 : i32
      %dma_wait3A_63 = tpu.memref_slice %arg21[%add3A_17, %dma_wait3A_62] : memref<10112x64xf32, #tpu.memory_space<vmem_shared>> -> memref<128x64xf32, #tpu.memory_space<vmem_shared>>
      tpu.wait_dma2 semaphore(%run_scoped3A : memref<!tpu.dma_semaphore, #tpu.memory_space<semaphore_mem>>) src(%arg14 : memref<128x64xf32, #tpu.memory_space<vmem>>) dst(%dma_wait3A_63 : memref<128x64xf32, #tpu.memory_space<vmem_shared>>)
      tpu.yield
    }) : () -> ()
    %mul3A_18 = arith.constant 632 : i32
    %mul3A_19 = arith.muli %arg1, %mul3A_18 : i32
    %add3A_20 = arith.constant 256 : i32
    %add3A_21 = arith.addi %mul3A_19, %add3A_20 : i32
    "tpu.region"() ({
      %run_scoped3A = tpu.sem_alloc : memref<!tpu.dma_semaphore, #tpu.memory_space<semaphore_mem>>
      %dma_start3A_56 = arith.constant 0 : i32
      %dma_start3A_57 = tpu.memref_slice %arg21[%add3A_21, %dma_start3A_56] : memref<10112x64xf32, #tpu.memory_space<vmem_shared>> -> memref<128x64xf32, #tpu.memory_space<vmem_shared>>
      %dma_start3A_58 = arith.constant 0 : i32
      %dma_start3A_59 = tpu.memref_slice %arg21[%add3A_21, %dma_start3A_58] : memref<10112x64xf32, #tpu.memory_space<vmem_shared>> -> memref<128x64xf32, #tpu.memory_space<vmem_shared>>
      tpu.enqueue_dma source(%arg14 : memref<128x64xf32, #tpu.memory_space<vmem>>) target(%dma_start3A_59 : memref<128x64xf32, #tpu.memory_space<vmem_shared>>) target_semaphore(%run_scoped3A : memref<!tpu.dma_semaphore, #tpu.memory_space<semaphore_mem>>)
      %dma_wait3A_60 = arith.constant 0 : i32
      %dma_wait3A_61 = tpu.memref_slice %arg21[%add3A_21, %dma_wait3A_60] : memref<10112x64xf32, #tpu.memory_space<vmem_shared>> -> memref<128x64xf32, #tpu.memory_space<vmem_shared>>
      %dma_wait3A_62 = arith.constant 0 : i32
      %dma_wait3A_63 = tpu.memref_slice %arg21[%add3A_21, %dma_wait3A_62] : memref<10112x64xf32, #tpu.memory_space<vmem_shared>> -> memref<128x64xf32, #tpu.memory_space<vmem_shared>>
      tpu.wait_dma2 semaphore(%run_scoped3A : memref<!tpu.dma_semaphore, #tpu.memory_space<semaphore_mem>>) src(%arg14 : memref<128x64xf32, #tpu.memory_space<vmem>>) dst(%dma_wait3A_63 : memref<128x64xf32, #tpu.memory_space<vmem_shared>>)
      tpu.yield
    }) : () -> ()
    %mul3A_22 = arith.constant 632 : i32
    %mul3A_23 = arith.muli %arg1, %mul3A_22 : i32
    %add3A_24 = arith.constant 384 : i32
    %add3A_25 = arith.addi %mul3A_23, %add3A_24 : i32
    "tpu.region"() ({
      %run_scoped3A = tpu.sem_alloc : memref<!tpu.dma_semaphore, #tpu.memory_space<semaphore_mem>>
      %dma_start3A_56 = arith.constant 0 : i32
      %dma_start3A_57 = tpu.memref_slice %arg21[%add3A_25, %dma_start3A_56] : memref<10112x64xf32, #tpu.memory_space<vmem_shared>> -> memref<128x64xf32, #tpu.memory_space<vmem_shared>>
      %dma_start3A_58 = arith.constant 0 : i32
      %dma_start3A_59 = tpu.memref_slice %arg21[%add3A_25, %dma_start3A_58] : memref<10112x64xf32, #tpu.memory_space<vmem_shared>> -> memref<128x64xf32, #tpu.memory_space<vmem_shared>>
      tpu.enqueue_dma source(%arg14 : memref<128x64xf32, #tpu.memory_space<vmem>>) target(%dma_start3A_59 : memref<128x64xf32, #tpu.memory_space<vmem_shared>>) target_semaphore(%run_scoped3A : memref<!tpu.dma_semaphore, #tpu.memory_space<semaphore_mem>>)
      %dma_wait3A_60 = arith.constant 0 : i32
      %dma_wait3A_61 = tpu.memref_slice %arg21[%add3A_25, %dma_wait3A_60] : memref<10112x64xf32, #tpu.memory_space<vmem_shared>> -> memref<128x64xf32, #tpu.memory_space<vmem_shared>>
      %dma_wait3A_62 = arith.constant 0 : i32
      %dma_wait3A_63 = tpu.memref_slice %arg21[%add3A_25, %dma_wait3A_62] : memref<10112x64xf32, #tpu.memory_space<vmem_shared>> -> memref<128x64xf32, #tpu.memory_space<vmem_shared>>
      tpu.wait_dma2 semaphore(%run_scoped3A : memref<!tpu.dma_semaphore, #tpu.memory_space<semaphore_mem>>) src(%arg14 : memref<128x64xf32, #tpu.memory_space<vmem>>) dst(%dma_wait3A_63 : memref<128x64xf32, #tpu.memory_space<vmem_shared>>)
      tpu.yield
    }) : () -> ()
    %mul3A_26 = arith.constant 632 : i32
    %mul3A_27 = arith.muli %arg1, %mul3A_26 : i32
    %add3A_28 = arith.constant 512 : i32
    %add3A_29 = arith.addi %mul3A_27, %add3A_28 : i32
    "tpu.region"() ({
      %run_scoped3A = tpu.sem_alloc : memref<!tpu.dma_semaphore, #tpu.memory_space<semaphore_mem>>
      %dma_start3A_56 = arith.constant 0 : i32
      %dma_start3A_57 = arith.constant 0 : i32
      %dma_start3A_58 = tpu.memref_slice %arg14[%dma_start3A_56, %dma_start3A_57] : memref<128x64xf32, #tpu.memory_space<vmem>> -> memref<120x64xf32, #tpu.memory_space<vmem>>
      %dma_start3A_59 = arith.constant 0 : i32
      %dma_start3A_60 = tpu.memref_slice %arg21[%add3A_29, %dma_start3A_59] : memref<10112x64xf32, #tpu.memory_space<vmem_shared>> -> memref<120x64xf32, #tpu.memory_space<vmem_shared>>
      %dma_start3A_61 = arith.constant 0 : i32
      %dma_start3A_62 = tpu.memref_slice %arg21[%add3A_29, %dma_start3A_61] : memref<10112x64xf32, #tpu.memory_space<vmem_shared>> -> memref<120x64xf32, #tpu.memory_space<vmem_shared>>
      %dma_start3A_63 = arith.constant 0 : i32
      %dma_start3A_64 = arith.constant 0 : i32
      %dma_start3A_65 = tpu.memref_slice %arg14[%dma_start3A_63, %dma_start3A_64] : memref<128x64xf32, #tpu.memory_space<vmem>> -> memref<120x64xf32, #tpu.memory_space<vmem>>
      tpu.enqueue_dma source(%dma_start3A_65 : memref<120x64xf32, #tpu.memory_space<vmem>>) target(%dma_start3A_62 : memref<120x64xf32, #tpu.memory_space<vmem_shared>>) target_semaphore(%run_scoped3A : memref<!tpu.dma_semaphore, #tpu.memory_space<semaphore_mem>>)
      %dma_wait3A_66 = arith.constant 0 : i32
      %dma_wait3A_67 = arith.constant 0 : i32
      %dma_wait3A_68 = tpu.memref_slice %arg14[%dma_wait3A_66, %dma_wait3A_67] : memref<128x64xf32, #tpu.memory_space<vmem>> -> memref<120x64xf32, #tpu.memory_space<vmem>>
      %dma_wait3A_69 = arith.constant 0 : i32
      %dma_wait3A_70 = tpu.memref_slice %arg21[%add3A_29, %dma_wait3A_69] : memref<10112x64xf32, #tpu.memory_space<vmem_shared>> -> memref<120x64xf32, #tpu.memory_space<vmem_shared>>
      %dma_wait3A_71 = arith.constant 0 : i32
      %dma_wait3A_72 = tpu.memref_slice %arg21[%add3A_29, %dma_wait3A_71] : memref<10112x64xf32, #tpu.memory_space<vmem_shared>> -> memref<120x64xf32, #tpu.memory_space<vmem_shared>>
      %dma_wait3A_73 = arith.constant 0 : i32
      %dma_wait3A_74 = arith.constant 0 : i32
      %dma_wait3A_75 = tpu.memref_slice %arg14[%dma_wait3A_73, %dma_wait3A_74] : memref<128x64xf32, #tpu.memory_space<vmem>> -> memref<120x64xf32, #tpu.memory_space<vmem>>
      tpu.wait_dma2 semaphore(%run_scoped3A : memref<!tpu.dma_semaphore, #tpu.memory_space<semaphore_mem>>) src(%dma_wait3A_75 : memref<120x64xf32, #tpu.memory_space<vmem>>) dst(%dma_wait3A_72 : memref<120x64xf32, #tpu.memory_space<vmem_shared>>)
      tpu.yield
    }) : () -> ()
    %barrier3A = arith.constant 0 : index
    tpu.barrier barrier_id(%barrier3A)
    %scan3A_30 = arith.constant 0 : i32
    %scan3A_31 = arith.constant 0 : i32
    %scan3A_32 = arith.constant 8 : i32
    %scan3A_33 = arith.addi %scan3A_31, %scan3A_32 : i32
    %scan3A_34 = arith.constant 1 : i32
    %scan3A_35 = scf.for %scan3A_56 = %scan3A_31 to %scan3A_33 step %scan3A_34 iter_args(%scan3A_57 = %scan3A_30) -> (i32)  : i32 {
      %mul3A_58 = arith.constant 16 : i32
      %mul3A_59 = arith.muli %scan3A_56, %mul3A_58 : i32
      %mul3A_60 = arith.constant 16 : i32
      %mul3A_61 = arith.muli %scan3A_56, %mul3A_60 : i32
      %add3A_62 = arith.constant 0 : i32
      %add3A_63 = arith.addi %add3A_62, %mul3A_61 : i32
      %get3A = arith.index_cast %add3A_63 : i32 to index
      %get3A_64 = tpu.vector_load %arg6[%get3A] {strides = array<i32>} : memref<20480xi32, #tpu.memory_space<vmem>>, vector<16xi32>,
      %and3A = arith.constant 65535 : i32
      %and3A_65 = vector.broadcast %and3A : i32 to vector<16xi32>
      %and3A_66 = arith.andi %get3A_64, %and3A_65 : vector<16xi32>
      %swap3A = arith.index_cast %mul3A_59 : i32 to index
      %swap3A_67 = tpu.vector_load %arg8[%swap3A] {strides = array<i32>} : memref<128xi32, #tpu.memory_space<vmem>>, vector<16xi32>,
      tpu.vector_store %arg8[%swap3A], %and3A_66 {strides = array<i32>} : memref<128xi32, #tpu.memory_space<vmem>>, vector<16xi32>,
      %shift_right_logical3A = arith.constant 16 : i32
      %shift_right_logical3A_68 = vector.broadcast %shift_right_logical3A : i32 to vector<16xi32>
      %shift_right_logical3A_69 = arith.shrui %get3A_64, %shift_right_logical3A_68 : vector<16xi32>
      %swap3A_70 = arith.index_cast %mul3A_59 : i32 to index
      %swap3A_71 = tpu.vector_load %arg10[%swap3A_70] {strides = array<i32>} : memref<128xi32, #tpu.memory_space<vmem>>, vector<16xi32>,
      tpu.vector_store %arg10[%swap3A_70], %shift_right_logical3A_69 {strides = array<i32>} : memref<128xi32, #tpu.memory_space<vmem>>, vector<16xi32>,
      %scan3A_72 = arith.constant 0 : i32
      scf.yield %scan3A_72 : i32
    }
    %scan3A_36 = arith.constant 8 : i32
    %dma_start3A = arith.constant 0 : i32
    %dma_start3A_37 = arith.constant 0 : i32
    %dma_start3A_38 = tpu.memref_slice %arg20[%dma_start3A, %dma_start3A_37] : memref<10000x64xbf16, #tpu.memory_space<vmem_shared>> -> memref<10000x64xbf16, #tpu.memory_space<vmem_shared>>
    tpu.enqueue_indirect_dma source(%dma_start3A_38 : memref<10000x64xbf16, #tpu.memory_space<vmem_shared>>) target(%arg12 : memref<128x64xbf16, #tpu.memory_space<vmem>>) offsets(%arg8 : memref<128xi32, #tpu.memory_space<vmem>>) semaphore(%arg16 : memref<!tpu.dma_semaphore, #tpu.memory_space<semaphore_mem>>)
    %scan3A_39 = arith.constant 0 : i32
    %scan3A_40 = arith.constant 0 : i32
    %scan3A_41 = arith.constant 80 : i32
    %scan3A_42 = arith.addi %scan3A_40, %scan3A_41 : i32
    %scan3A_43 = arith.constant 1 : i32
    %scan3A_44 = scf.for %scan3A_56 = %scan3A_40 to %scan3A_42 step %scan3A_43 iter_args(%scan3A_57 = %scan3A_39) -> (i32)  : i32 {
      %mul3A_58 = arith.constant 2 : i32
      %mul3A_59 = arith.muli %mul3A_58, %scan3A_56 : i32
      %add3A_60 = arith.constant 1 : i32
      %add3A_61 = arith.addi %mul3A_59, %add3A_60 : i32
      %gt3A = arith.constant 0 : i32
      %gt3A_62 = arith.cmpi sgt, %scan3A_56, %gt3A : i32
      %convert_element_type3A = arith.extui %gt3A_62 : i1 to i32
      %cond3A = arith.constant 0 : i32
      %cond3A_63 = arith.cmpi ne, %convert_element_type3A, %cond3A : i32
      scf.if %cond3A_63 {
        %dma_wait3A_105 = arith.constant 0 : i32
        %dma_wait3A_106 = arith.constant 0 : i32
        %dma_wait3A_107 = tpu.memref_slice %arg21[%dma_wait3A_105, %dma_wait3A_106] : memref<10112x64xf32, #tpu.memory_space<vmem_shared>> -> memref<10112x64xf32, #tpu.memory_space<vmem_shared>>
        tpu.wait_indirect_dma semaphore(%arg19 : memref<!tpu.dma_semaphore, #tpu.memory_space<semaphore_mem>>) src(%arg15 : memref<128x64xf32, #tpu.memory_space<vmem>>) dst(%dma_wait3A_107 : memref<10112x64xf32, #tpu.memory_space<vmem_shared>>)
      } else {
      }
      %scan3A_64 = arith.constant 0 : i32
      %scan3A_65 = arith.constant 0 : i32
      %scan3A_66 = arith.constant 8 : i32
      %scan3A_67 = arith.addi %scan3A_65, %scan3A_66 : i32
      %scan3A_68 = arith.constant 1 : i32
      %scan3A_69 = scf.for %scan3A_105 = %scan3A_65 to %scan3A_67 step %scan3A_68 iter_args(%scan3A_106 = %scan3A_64) -> (i32)  : i32 {
        %mul3A_107 = arith.constant 16 : i32
        %mul3A_108 = arith.muli %scan3A_105, %mul3A_107 : i32
        %mul3A_109 = arith.constant 128 : i32
        %mul3A_110 = arith.muli %add3A_61, %mul3A_109 : i32
        %mul3A_111 = arith.constant 16 : i32
        %mul3A_112 = arith.muli %scan3A_105, %mul3A_111 : i32
        %add3A_113 = arith.addi %mul3A_110, %mul3A_112 : i32
        %get3A = arith.index_cast %add3A_113 : i32 to index
        %get3A_114 = tpu.vector_load %arg6[%get3A] {strides = array<i32>} : memref<20480xi32, #tpu.memory_space<vmem>>, vector<16xi32>,
        %and3A = arith.constant 65535 : i32
        %and3A_115 = vector.broadcast %and3A : i32 to vector<16xi32>
        %and3A_116 = arith.andi %get3A_114, %and3A_115 : vector<16xi32>
        %swap3A = arith.index_cast %mul3A_108 : i32 to index
        %swap3A_117 = tpu.vector_load %arg9[%swap3A] {strides = array<i32>} : memref<128xi32, #tpu.memory_space<vmem>>, vector<16xi32>,
        tpu.vector_store %arg9[%swap3A], %and3A_116 {strides = array<i32>} : memref<128xi32, #tpu.memory_space<vmem>>, vector<16xi32>,
        %shift_right_logical3A = arith.constant 16 : i32
        %shift_right_logical3A_118 = vector.broadcast %shift_right_logical3A : i32 to vector<16xi32>
        %shift_right_logical3A_119 = arith.shrui %get3A_114, %shift_right_logical3A_118 : vector<16xi32>
        %swap3A_120 = arith.index_cast %mul3A_108 : i32 to index
        %swap3A_121 = tpu.vector_load %arg11[%swap3A_120] {strides = array<i32>} : memref<128xi32, #tpu.memory_space<vmem>>, vector<16xi32>,
        tpu.vector_store %arg11[%swap3A_120], %shift_right_logical3A_119 {strides = array<i32>} : memref<128xi32, #tpu.memory_space<vmem>>, vector<16xi32>,
        %scan3A_122 = arith.constant 0 : i32
        scf.yield %scan3A_122 : i32
      }
      %scan3A_70 = arith.constant 8 : i32
      %dma_start3A_71 = arith.constant 0 : i32
      %dma_start3A_72 = arith.constant 0 : i32
      %dma_start3A_73 = tpu.memref_slice %arg20[%dma_start3A_71, %dma_start3A_72] : memref<10000x64xbf16, #tpu.memory_space<vmem_shared>> -> memref<10000x64xbf16, #tpu.memory_space<vmem_shared>>
      tpu.enqueue_indirect_dma source(%dma_start3A_73 : memref<10000x64xbf16, #tpu.memory_space<vmem_shared>>) target(%arg13 : memref<128x64xbf16, #tpu.memory_space<vmem>>) offsets(%arg9 : memref<128xi32, #tpu.memory_space<vmem>>) semaphore(%arg17 : memref<!tpu.dma_semaphore, #tpu.memory_space<semaphore_mem>>)
      %dma_wait3A_74 = arith.constant 0 : i32
      %dma_wait3A_75 = arith.constant 0 : i32
      %dma_wait3A_76 = tpu.memref_slice %arg20[%dma_wait3A_74, %dma_wait3A_75] : memref<10000x64xbf16, #tpu.memory_space<vmem_shared>> -> memref<10000x64xbf16, #tpu.memory_space<vmem_shared>>
      tpu.wait_indirect_dma semaphore(%arg16 : memref<!tpu.dma_semaphore, #tpu.memory_space<semaphore_mem>>) src(%dma_wait3A_76 : memref<10000x64xbf16, #tpu.memory_space<vmem_shared>>) dst(%arg12 : memref<128x64xbf16, #tpu.memory_space<vmem>>)
      %scan3A_77 = arith.constant 0 : i32
      %scan3A_78 = arith.constant 0 : i32
      %scan3A_79 = arith.constant 8 : i32
      %scan3A_80 = arith.addi %scan3A_78, %scan3A_79 : i32
      %scan3A_81 = arith.constant 1 : i32
      %scan3A_82 = scf.for %scan3A_105 = %scan3A_78 to %scan3A_80 step %scan3A_81 iter_args(%scan3A_106 = %scan3A_77) -> (i32)  : i32 {
        %mul3A_107 = arith.constant 128 : i32
        %mul3A_108 = arith.muli %mul3A_59, %mul3A_107 : i32
        %mul3A_109 = arith.constant 16 : i32
        %mul3A_110 = arith.muli %scan3A_105, %mul3A_109 : i32
        %add3A_111 = arith.addi %mul3A_108, %mul3A_110 : i32
        %get3A = arith.index_cast %add3A_111 : i32 to index
        %get3A_112 = tpu.vector_load %arg7[%get3A] {strides = array<i32>} : memref<20480xf32, #tpu.memory_space<vmem>>, vector<16xf32>,
        %mul3A_113 = arith.constant 16 : i32
        %mul3A_114 = arith.muli %scan3A_105, %mul3A_113 : i32
        %add3A_115 = arith.constant 0 : i32
        %add3A_116 = arith.addi %mul3A_114, %add3A_115 : i32
        %slice3A = vector.extract_strided_slice %get3A_112 {offsets = [0], sizes = [1], strides = [1]} : vector<16xf32> to vector<1xf32>
        %squeeze3A = vector.extract %slice3A[0] : f32 from vector<1xf32>
        %get3A_117 = arith.index_cast %add3A_116 : i32 to index
        %get3A_118 = arith.constant 0 : index
        %get3A_119 = tpu.vector_load %arg12[%get3A_117, %get3A_118] {strides = array<i32>} : memref<128x64xbf16, #tpu.memory_space<vmem>>, vector<32xbf16>,
        %unpack3A = tpu.unpack_subelements %get3A_119, 0 {pack_format = #tpu.pack_format<interleaved>} : vector<32xbf16> -> vector<16xf32>
        %unpack3A_120 = tpu.unpack_subelements %get3A_119, 1 {pack_format = #tpu.pack_format<interleaved>} : vector<32xbf16> -> vector<16xf32>
        %mul3A_121 = vector.broadcast %squeeze3A : f32 to vector<16xf32>
        %mul3A_122 = arith.mulf %unpack3A, %mul3A_121 : vector<16xf32>
        %swap3A = arith.index_cast %add3A_116 : i32 to index
        %swap3A_123 = arith.constant 0 : index
        %swap3A_124 = tpu.vector_load %arg14[%swap3A, %swap3A_123] {strides = array<i32>} : memref<128x64xf32, #tpu.memory_space<vmem>>, vector<16xf32>,
        tpu.vector_store %arg14[%swap3A, %swap3A_123], %mul3A_122 {strides = array<i32>} : memref<128x64xf32, #tpu.memory_space<vmem>>, vector<16xf32>,
        %mul3A_125 = vector.broadcast %squeeze3A : f32 to vector<16xf32>
        %mul3A_126 = arith.mulf %unpack3A_120, %mul3A_125 : vector<16xf32>
        %swap3A_127 = arith.index_cast %add3A_116 : i32 to index
        %swap3A_128 = arith.constant 16 : index
        %swap3A_129 = tpu.vector_load %arg14[%swap3A_127, %swap3A_128] {strides = array<i32>} : memref<128x64xf32, #tpu.memory_space<vmem>>, vector<16xf32>,
        tpu.vector_store %arg14[%swap3A_127, %swap3A_128], %mul3A_126 {strides = array<i32>} : memref<128x64xf32, #tpu.memory_space<vmem>>, vector<16xf32>,
        %get3A_130 = arith.index_cast %add3A_116 : i32 to index
        %get3A_131 = arith.constant 32 : index
        %get3A_132 = tpu.vector_load %arg12[%get3A_130, %get3A_131] {strides = array<i32>} : memref<128x64xbf16, #tpu.memory_space<vmem>>, vector<32xbf16>,
        %unpack3A_133 = tpu.unpack_subelements %get3A_132, 0 {pack_format = #tpu.pack_format<interleaved>} : vector<32xbf16> -> vector<16xf32>
        %unpack3A_134 = tpu.unpack_subelements %get3A_132, 1 {pack_format = #tpu.pack_format<interleaved>} : vector<32xbf16> -> vector<16xf32>
        %mul3A_135 = vector.broadcast %squeeze3A : f32 to vector<16xf32>
        %mul3A_136 = arith.mulf %unpack3A_133, %mul3A_135 : vector<16xf32>
        %swap3A_137 = arith.index_cast %add3A_116 : i32 to index
        %swap3A_138 = arith.constant 32 : index
        %swap3A_139 = tpu.vector_load %arg14[%swap3A_137, %swap3A_138] {strides = array<i32>} : memref<128x64xf32, #tpu.memory_space<vmem>>, vector<16xf32>,
        tpu.vector_store %arg14[%swap3A_137, %swap3A_138], %mul3A_136 {strides = array<i32>} : memref<128x64xf32, #tpu.memory_space<vmem>>, vector<16xf32>,
        %mul3A_140 = vector.broadcast %squeeze3A : f32 to vector<16xf32>
        %mul3A_141 = arith.mulf %unpack3A_134, %mul3A_140 : vector<16xf32>
        %swap3A_142 = arith.index_cast %add3A_116 : i32 to index
        %swap3A_143 = arith.constant 48 : index
        %swap3A_144 = tpu.vector_load %arg14[%swap3A_142, %swap3A_143] {strides = array<i32>} : memref<128x64xf32, #tpu.memory_space<vmem>>, vector<16xf32>,
        tpu.vector_store %arg14[%swap3A_142, %swap3A_143], %mul3A_141 {strides = array<i32>} : memref<128x64xf32, #tpu.memory_space<vmem>>, vector<16xf32>,
        %mul3A_145 = arith.constant 16 : i32
        %mul3A_146 = arith.muli %scan3A_105, %mul3A_145 : i32
        %add3A_147 = arith.constant 1 : i32
        %add3A_148 = arith.addi %mul3A_146, %add3A_147 : i32
        %slice3A_149 = vector.extract_strided_slice %get3A_112 {offsets = [1], sizes = [1], strides = [1]} : vector<16xf32> to vector<1xf32>
        %squeeze3A_150 = vector.extract %slice3A_149[0] : f32 from vector<1xf32>
        %get3A_151 = arith.index_cast %add3A_148 : i32 to index
        %get3A_152 = arith.constant 0 : index
        %get3A_153 = tpu.vector_load %arg12[%get3A_151, %get3A_152] {strides = array<i32>} : memref<128x64xbf16, #tpu.memory_space<vmem>>, vector<32xbf16>,
        %unpack3A_154 = tpu.unpack_subelements %get3A_153, 0 {pack_format = #tpu.pack_format<interleaved>} : vector<32xbf16> -> vector<16xf32>
        %unpack3A_155 = tpu.unpack_subelements %get3A_153, 1 {pack_format = #tpu.pack_format<interleaved>} : vector<32xbf16> -> vector<16xf32>
        %mul3A_156 = vector.broadcast %squeeze3A_150 : f32 to vector<16xf32>
        %mul3A_157 = arith.mulf %unpack3A_154, %mul3A_156 : vector<16xf32>
        %swap3A_158 = arith.index_cast %add3A_148 : i32 to index
        %swap3A_159 = arith.constant 0 : index
        %swap3A_160 = tpu.vector_load %arg14[%swap3A_158, %swap3A_159] {strides = array<i32>} : memref<128x64xf32, #tpu.memory_space<vmem>>, vector<16xf32>,
        tpu.vector_store %arg14[%swap3A_158, %swap3A_159], %mul3A_157 {strides = array<i32>} : memref<128x64xf32, #tpu.memory_space<vmem>>, vector<16xf32>,
        %mul3A_161 = vector.broadcast %squeeze3A_150 : f32 to vector<16xf32>
        %mul3A_162 = arith.mulf %unpack3A_155, %mul3A_161 : vector<16xf32>
        %swap3A_163 = arith.index_cast %add3A_148 : i32 to index
        %swap3A_164 = arith.constant 16 : index
        %swap3A_165 = tpu.vector_load %arg14[%swap3A_163, %swap3A_164] {strides = array<i32>} : memref<128x64xf32, #tpu.memory_space<vmem>>, vector<16xf32>,
        tpu.vector_store %arg14[%swap3A_163, %swap3A_164], %mul3A_162 {strides = array<i32>} : memref<128x64xf32, #tpu.memory_space<vmem>>, vector<16xf32>,
        %get3A_166 = arith.index_cast %add3A_148 : i32 to index
        %get3A_167 = arith.constant 32 : index
        %get3A_168 = tpu.vector_load %arg12[%get3A_166, %get3A_167] {strides = array<i32>} : memref<128x64xbf16, #tpu.memory_space<vmem>>, vector<32xbf16>,
        %unpack3A_169 = tpu.unpack_subelements %get3A_168, 0 {pack_format = #tpu.pack_format<interleaved>} : vector<32xbf16> -> vector<16xf32>
        %unpack3A_170 = tpu.unpack_subelements %get3A_168, 1 {pack_format = #tpu.pack_format<interleaved>} : vector<32xbf16> -> vector<16xf32>
        %mul3A_171 = vector.broadcast %squeeze3A_150 : f32 to vector<16xf32>
        %mul3A_172 = arith.mulf %unpack3A_169, %mul3A_171 : vector<16xf32>
        %swap3A_173 = arith.index_cast %add3A_148 : i32 to index
        %swap3A_174 = arith.constant 32 : index
        %swap3A_175 = tpu.vector_load %arg14[%swap3A_173, %swap3A_174] {strides = array<i32>} : memref<128x64xf32, #tpu.memory_space<vmem>>, vector<16xf32>,
        tpu.vector_store %arg14[%swap3A_173, %swap3A_174], %mul3A_172 {strides = array<i32>} : memref<128x64xf32, #tpu.memory_space<vmem>>, vector<16xf32>,
        %mul3A_176 = vector.broadcast %squeeze3A_150 : f32 to vector<16xf32>
        %mul3A_177 = arith.mulf %unpack3A_170, %mul3A_176 : vector<16xf32>
        %swap3A_178 = arith.index_cast %add3A_148 : i32 to index
        %swap3A_179 = arith.constant 48 : index
        %swap3A_180 = tpu.vector_load %arg14[%swap3A_178, %swap3A_179] {strides = array<i32>} : memref<128x64xf32, #tpu.memory_space<vmem>>, vector<16xf32>,
        tpu.vector_store %arg14[%swap3A_178, %swap3A_179], %mul3A_177 {strides = array<i32>} : memref<128x64xf32, #tpu.memory_space<vmem>>, vector<16xf32>,
        %mul3A_181 = arith.constant 16 : i32
        %mul3A_182 = arith.muli %scan3A_105, %mul3A_181 : i32
        %add3A_183 = arith.constant 2 : i32
        %add3A_184 = arith.addi %mul3A_182, %add3A_183 : i32
        %slice3A_185 = vector.extract_strided_slice %get3A_112 {offsets = [2], sizes = [1], strides = [1]} : vector<16xf32> to vector<1xf32>
        %squeeze3A_186 = vector.extract %slice3A_185[0] : f32 from vector<1xf32>
        %get3A_187 = arith.index_cast %add3A_184 : i32 to index
        %get3A_188 = arith.constant 0 : index
        %get3A_189 = tpu.vector_load %arg12[%get3A_187, %get3A_188] {strides = array<i32>} : memref<128x64xbf16, #tpu.memory_space<vmem>>, vector<32xbf16>,
        %unpack3A_190 = tpu.unpack_subelements %get3A_189, 0 {pack_format = #tpu.pack_format<interleaved>} : vector<32xbf16> -> vector<16xf32>
        %unpack3A_191 = tpu.unpack_subelements %get3A_189, 1 {pack_format = #tpu.pack_format<interleaved>} : vector<32xbf16> -> vector<16xf32>
        %mul3A_192 = vector.broadcast %squeeze3A_186 : f32 to vector<16xf32>
        %mul3A_193 = arith.mulf %unpack3A_190, %mul3A_192 : vector<16xf32>
        %swap3A_194 = arith.index_cast %add3A_184 : i32 to index
        %swap3A_195 = arith.constant 0 : index
        %swap3A_196 = tpu.vector_load %arg14[%swap3A_194, %swap3A_195] {strides = array<i32>} : memref<128x64xf32, #tpu.memory_space<vmem>>, vector<16xf32>,
        tpu.vector_store %arg14[%swap3A_194, %swap3A_195], %mul3A_193 {strides = array<i32>} : memref<128x64xf32, #tpu.memory_space<vmem>>, vector<16xf32>,
        %mul3A_197 = vector.broadcast %squeeze3A_186 : f32 to vector<16xf32>
        %mul3A_198 = arith.mulf %unpack3A_191, %mul3A_197 : vector<16xf32>
        %swap3A_199 = arith.index_cast %add3A_184 : i32 to index
        %swap3A_200 = arith.constant 16 : index
        %swap3A_201 = tpu.vector_load %arg14[%swap3A_199, %swap3A_200] {strides = array<i32>} : memref<128x64xf32, #tpu.memory_space<vmem>>, vector<16xf32>,
        tpu.vector_store %arg14[%swap3A_199, %swap3A_200], %mul3A_198 {strides = array<i32>} : memref<128x64xf32, #tpu.memory_space<vmem>>, vector<16xf32>,
        %get3A_202 = arith.index_cast %add3A_184 : i32 to index
        %get3A_203 = arith.constant 32 : index
        %get3A_204 = tpu.vector_load %arg12[%get3A_202, %get3A_203] {strides = array<i32>} : memref<128x64xbf16, #tpu.memory_space<vmem>>, vector<32xbf16>,
        %unpack3A_205 = tpu.unpack_subelements %get3A_204, 0 {pack_format = #tpu.pack_format<interleaved>} : vector<32xbf16> -> vector<16xf32>
        %unpack3A_206 = tpu.unpack_subelements %get3A_204, 1 {pack_format = #tpu.pack_format<interleaved>} : vector<32xbf16> -> vector<16xf32>
        %mul3A_207 = vector.broadcast %squeeze3A_186 : f32 to vector<16xf32>
        %mul3A_208 = arith.mulf %unpack3A_205, %mul3A_207 : vector<16xf32>
        %swap3A_209 = arith.index_cast %add3A_184 : i32 to index
        %swap3A_210 = arith.constant 32 : index
        %swap3A_211 = tpu.vector_load %arg14[%swap3A_209, %swap3A_210] {strides = array<i32>} : memref<128x64xf32, #tpu.memory_space<vmem>>, vector<16xf32>,
        tpu.vector_store %arg14[%swap3A_209, %swap3A_210], %mul3A_208 {strides = array<i32>} : memref<128x64xf32, #tpu.memory_space<vmem>>, vector<16xf32>,
        %mul3A_212 = vector.broadcast %squeeze3A_186 : f32 to vector<16xf32>
        %mul3A_213 = arith.mulf %unpack3A_206, %mul3A_212 : vector<16xf32>
        %swap3A_214 = arith.index_cast %add3A_184 : i32 to index
        %swap3A_215 = arith.constant 48 : index
        %swap3A_216 = tpu.vector_load %arg14[%swap3A_214, %swap3A_215] {strides = array<i32>} : memref<128x64xf32, #tpu.memory_space<vmem>>, vector<16xf32>,
        tpu.vector_store %arg14[%swap3A_214, %swap3A_215], %mul3A_213 {strides = array<i32>} : memref<128x64xf32, #tpu.memory_space<vmem>>, vector<16xf32>,
        %mul3A_217 = arith.constant 16 : i32
        %mul3A_218 = arith.muli %scan3A_105, %mul3A_217 : i32
        %add3A_219 = arith.constant 3 : i32
        %add3A_220 = arith.addi %mul3A_218, %add3A_219 : i32
        %slice3A_221 = vector.extract_strided_slice %get3A_112 {offsets = [3], sizes = [1], strides = [1]} : vector<16xf32> to vector<1xf32>
        %squeeze3A_222 = vector.extract %slice3A_221[0] : f32 from vector<1xf32>
        %get3A_223 = arith.index_cast %add3A_220 : i32 to index
        %get3A_224 = arith.constant 0 : index
        %get3A_225 = tpu.vector_load %arg12[%get3A_223, %get3A_224] {strides = array<i32>} : memref<128x64xbf16, #tpu.memory_space<vmem>>, vector<32xbf16>,
        %unpack3A_226 = tpu.unpack_subelements %get3A_225, 0 {pack_format = #tpu.pack_format<interleaved>} : vector<32xbf16> -> vector<16xf32>
        %unpack3A_227 = tpu.unpack_subelements %get3A_225, 1 {pack_format = #tpu.pack_format<interleaved>} : vector<32xbf16> -> vector<16xf32>
        %mul3A_228 = vector.broadcast %squeeze3A_222 : f32 to vector<16xf32>
        %mul3A_229 = arith.mulf %unpack3A_226, %mul3A_228 : vector<16xf32>
        %swap3A_230 = arith.index_cast %add3A_220 : i32 to index
        %swap3A_231 = arith.constant 0 : index
        %swap3A_232 = tpu.vector_load %arg14[%swap3A_230, %swap3A_231] {strides = array<i32>} : memref<128x64xf32, #tpu.memory_space<vmem>>, vector<16xf32>,
        tpu.vector_store %arg14[%swap3A_230, %swap3A_231], %mul3A_229 {strides = array<i32>} : memref<128x64xf32, #tpu.memory_space<vmem>>, vector<16xf32>,
        %mul3A_233 = vector.broadcast %squeeze3A_222 : f32 to vector<16xf32>
        %mul3A_234 = arith.mulf %unpack3A_227, %mul3A_233 : vector<16xf32>
        %swap3A_235 = arith.index_cast %add3A_220 : i32 to index
        %swap3A_236 = arith.constant 16 : index
        %swap3A_237 = tpu.vector_load %arg14[%swap3A_235, %swap3A_236] {strides = array<i32>} : memref<128x64xf32, #tpu.memory_space<vmem>>, vector<16xf32>,
        tpu.vector_store %arg14[%swap3A_235, %swap3A_236], %mul3A_234 {strides = array<i32>} : memref<128x64xf32, #tpu.memory_space<vmem>>, vector<16xf32>,
        %get3A_238 = arith.index_cast %add3A_220 : i32 to index
        %get3A_239 = arith.constant 32 : index
        %get3A_240 = tpu.vector_load %arg12[%get3A_238, %get3A_239] {strides = array<i32>} : memref<128x64xbf16, #tpu.memory_space<vmem>>, vector<32xbf16>,
        %unpack3A_241 = tpu.unpack_subelements %get3A_240, 0 {pack_format = #tpu.pack_format<interleaved>} : vector<32xbf16> -> vector<16xf32>
        %unpack3A_242 = tpu.unpack_subelements %get3A_240, 1 {pack_format = #tpu.pack_format<interleaved>} : vector<32xbf16> -> vector<16xf32>
        %mul3A_243 = vector.broadcast %squeeze3A_222 : f32 to vector<16xf32>
        %mul3A_244 = arith.mulf %unpack3A_241, %mul3A_243 : vector<16xf32>
        %swap3A_245 = arith.index_cast %add3A_220 : i32 to index
        %swap3A_246 = arith.constant 32 : index
        %swap3A_247 = tpu.vector_load %arg14[%swap3A_245, %swap3A_246] {strides = array<i32>} : memref<128x64xf32, #tpu.memory_space<vmem>>, vector<16xf32>,
        tpu.vector_store %arg14[%swap3A_245, %swap3A_246], %mul3A_244 {strides = array<i32>} : memref<128x64xf32, #tpu.memory_space<vmem>>, vector<16xf32>,
        %mul3A_248 = vector.broadcast %squeeze3A_222 : f32 to vector<16xf32>
        %mul3A_249 = arith.mulf %unpack3A_242, %mul3A_248 : vector<16xf32>
        %swap3A_250 = arith.index_cast %add3A_220 : i32 to index
        %swap3A_251 = arith.constant 48 : index
        %swap3A_252 = tpu.vector_load %arg14[%swap3A_250, %swap3A_251] {strides = array<i32>} : memref<128x64xf32, #tpu.memory_space<vmem>>, vector<16xf32>,
        tpu.vector_store %arg14[%swap3A_250, %swap3A_251], %mul3A_249 {strides = array<i32>} : memref<128x64xf32, #tpu.memory_space<vmem>>, vector<16xf32>,
        %mul3A_253 = arith.constant 16 : i32
        %mul3A_254 = arith.muli %scan3A_105, %mul3A_253 : i32
        %add3A_255 = arith.constant 4 : i32
        %add3A_256 = arith.addi %mul3A_254, %add3A_255 : i32
        %slice3A_257 = vector.extract_strided_slice %get3A_112 {offsets = [4], sizes = [1], strides = [1]} : vector<16xf32> to vector<1xf32>
        %squeeze3A_258 = vector.extract %slice3A_257[0] : f32 from vector<1xf32>
        %get3A_259 = arith.index_cast %add3A_256 : i32 to index
        %get3A_260 = arith.constant 0 : index
        %get3A_261 = tpu.vector_load %arg12[%get3A_259, %get3A_260] {strides = array<i32>} : memref<128x64xbf16, #tpu.memory_space<vmem>>, vector<32xbf16>,
        %unpack3A_262 = tpu.unpack_subelements %get3A_261, 0 {pack_format = #tpu.pack_format<interleaved>} : vector<32xbf16> -> vector<16xf32>
        %unpack3A_263 = tpu.unpack_subelements %get3A_261, 1 {pack_format = #tpu.pack_format<interleaved>} : vector<32xbf16> -> vector<16xf32>
        %mul3A_264 = vector.broadcast %squeeze3A_258 : f32 to vector<16xf32>
        %mul3A_265 = arith.mulf %unpack3A_262, %mul3A_264 : vector<16xf32>
        %swap3A_266 = arith.index_cast %add3A_256 : i32 to index
        %swap3A_267 = arith.constant 0 : index
        %swap3A_268 = tpu.vector_load %arg14[%swap3A_266, %swap3A_267] {strides = array<i32>} : memref<128x64xf32, #tpu.memory_space<vmem>>, vector<16xf32>,
        tpu.vector_store %arg14[%swap3A_266, %swap3A_267], %mul3A_265 {strides = array<i32>} : memref<128x64xf32, #tpu.memory_space<vmem>>, vector<16xf32>,
        %mul3A_269 = vector.broadcast %squeeze3A_258 : f32 to vector<16xf32>
        %mul3A_270 = arith.mulf %unpack3A_263, %mul3A_269 : vector<16xf32>
        %swap3A_271 = arith.index_cast %add3A_256 : i32 to index
        %swap3A_272 = arith.constant 16 : index
        %swap3A_273 = tpu.vector_load %arg14[%swap3A_271, %swap3A_272] {strides = array<i32>} : memref<128x64xf32, #tpu.memory_space<vmem>>, vector<16xf32>,
        tpu.vector_store %arg14[%swap3A_271, %swap3A_272], %mul3A_270 {strides = array<i32>} : memref<128x64xf32, #tpu.memory_space<vmem>>, vector<16xf32>,
        %get3A_274 = arith.index_cast %add3A_256 : i32 to index
        %get3A_275 = arith.constant 32 : index
        %get3A_276 = tpu.vector_load %arg12[%get3A_274, %get3A_275] {strides = array<i32>} : memref<128x64xbf16, #tpu.memory_space<vmem>>, vector<32xbf16>,
        %unpack3A_277 = tpu.unpack_subelements %get3A_276, 0 {pack_format = #tpu.pack_format<interleaved>} : vector<32xbf16> -> vector<16xf32>
        %unpack3A_278 = tpu.unpack_subelements %get3A_276, 1 {pack_format = #tpu.pack_format<interleaved>} : vector<32xbf16> -> vector<16xf32>
        %mul3A_279 = vector.broadcast %squeeze3A_258 : f32 to vector<16xf32>
        %mul3A_280 = arith.mulf %unpack3A_277, %mul3A_279 : vector<16xf32>
        %swap3A_281 = arith.index_cast %add3A_256 : i32 to index
        %swap3A_282 = arith.constant 32 : index
        %swap3A_283 = tpu.vector_load %arg14[%swap3A_281, %swap3A_282] {strides = array<i32>} : memref<128x64xf32, #tpu.memory_space<vmem>>, vector<16xf32>,
        tpu.vector_store %arg14[%swap3A_281, %swap3A_282], %mul3A_280 {strides = array<i32>} : memref<128x64xf32, #tpu.memory_space<vmem>>, vector<16xf32>,
        %mul3A_284 = vector.broadcast %squeeze3A_258 : f32 to vector<16xf32>
        %mul3A_285 = arith.mulf %unpack3A_278, %mul3A_284 : vector<16xf32>
        %swap3A_286 = arith.index_cast %add3A_256 : i32 to index
        %swap3A_287 = arith.constant 48 : index
        %swap3A_288 = tpu.vector_load %arg14[%swap3A_286, %swap3A_287] {strides = array<i32>} : memref<128x64xf32, #tpu.memory_space<vmem>>, vector<16xf32>,
        tpu.vector_store %arg14[%swap3A_286, %swap3A_287], %mul3A_285 {strides = array<i32>} : memref<128x64xf32, #tpu.memory_space<vmem>>, vector<16xf32>,
        %mul3A_289 = arith.constant 16 : i32
        %mul3A_290 = arith.muli %scan3A_105, %mul3A_289 : i32
        %add3A_291 = arith.constant 5 : i32
        %add3A_292 = arith.addi %mul3A_290, %add3A_291 : i32
        %slice3A_293 = vector.extract_strided_slice %get3A_112 {offsets = [5], sizes = [1], strides = [1]} : vector<16xf32> to vector<1xf32>
        %squeeze3A_294 = vector.extract %slice3A_293[0] : f32 from vector<1xf32>
        %get3A_295 = arith.index_cast %add3A_292 : i32 to index
        %get3A_296 = arith.constant 0 : index
        %get3A_297 = tpu.vector_load %arg12[%get3A_295, %get3A_296] {strides = array<i32>} : memref<128x64xbf16, #tpu.memory_space<vmem>>, vector<32xbf16>,
        %unpack3A_298 = tpu.unpack_subelements %get3A_297, 0 {pack_format = #tpu.pack_format<interleaved>} : vector<32xbf16> -> vector<16xf32>
        %unpack3A_299 = tpu.unpack_subelements %get3A_297, 1 {pack_format = #tpu.pack_format<interleaved>} : vector<32xbf16> -> vector<16xf32>
        %mul3A_300 = vector.broadcast %squeeze3A_294 : f32 to vector<16xf32>
        %mul3A_301 = arith.mulf %unpack3A_298, %mul3A_300 : vector<16xf32>
        %swap3A_302 = arith.index_cast %add3A_292 : i32 to index
        %swap3A_303 = arith.constant 0 : index
        %swap3A_304 = tpu.vector_load %arg14[%swap3A_302, %swap3A_303] {strides = array<i32>} : memref<128x64xf32, #tpu.memory_space<vmem>>, vector<16xf32>,
        tpu.vector_store %arg14[%swap3A_302, %swap3A_303], %mul3A_301 {strides = array<i32>} : memref<128x64xf32, #tpu.memory_space<vmem>>, vector<16xf32>,
        %mul3A_305 = vector.broadcast %squeeze3A_294 : f32 to vector<16xf32>
        %mul3A_306 = arith.mulf %unpack3A_299, %mul3A_305 : vector<16xf32>
        %swap3A_307 = arith.index_cast %add3A_292 : i32 to index
        %swap3A_308 = arith.constant 16 : index
        %swap3A_309 = tpu.vector_load %arg14[%swap3A_307, %swap3A_308] {strides = array<i32>} : memref<128x64xf32, #tpu.memory_space<vmem>>, vector<16xf32>,
        tpu.vector_store %arg14[%swap3A_307, %swap3A_308], %mul3A_306 {strides = array<i32>} : memref<128x64xf32, #tpu.memory_space<vmem>>, vector<16xf32>,
        %get3A_310 = arith.index_cast %add3A_292 : i32 to index
        %get3A_311 = arith.constant 32 : index
        %get3A_312 = tpu.vector_load %arg12[%get3A_310, %get3A_311] {strides = array<i32>} : memref<128x64xbf16, #tpu.memory_space<vmem>>, vector<32xbf16>,
        %unpack3A_313 = tpu.unpack_subelements %get3A_312, 0 {pack_format = #tpu.pack_format<interleaved>} : vector<32xbf16> -> vector<16xf32>
        %unpack3A_314 = tpu.unpack_subelements %get3A_312, 1 {pack_format = #tpu.pack_format<interleaved>} : vector<32xbf16> -> vector<16xf32>
        %mul3A_315 = vector.broadcast %squeeze3A_294 : f32 to vector<16xf32>
        %mul3A_316 = arith.mulf %unpack3A_313, %mul3A_315 : vector<16xf32>
        %swap3A_317 = arith.index_cast %add3A_292 : i32 to index
        %swap3A_318 = arith.constant 32 : index
        %swap3A_319 = tpu.vector_load %arg14[%swap3A_317, %swap3A_318] {strides = array<i32>} : memref<128x64xf32, #tpu.memory_space<vmem>>, vector<16xf32>,
        tpu.vector_store %arg14[%swap3A_317, %swap3A_318], %mul3A_316 {strides = array<i32>} : memref<128x64xf32, #tpu.memory_space<vmem>>, vector<16xf32>,
        %mul3A_320 = vector.broadcast %squeeze3A_294 : f32 to vector<16xf32>
        %mul3A_321 = arith.mulf %unpack3A_314, %mul3A_320 : vector<16xf32>
        %swap3A_322 = arith.index_cast %add3A_292 : i32 to index
        %swap3A_323 = arith.constant 48 : index
        %swap3A_324 = tpu.vector_load %arg14[%swap3A_322, %swap3A_323] {strides = array<i32>} : memref<128x64xf32, #tpu.memory_space<vmem>>, vector<16xf32>,
        tpu.vector_store %arg14[%swap3A_322, %swap3A_323], %mul3A_321 {strides = array<i32>} : memref<128x64xf32, #tpu.memory_space<vmem>>, vector<16xf32>,
        %mul3A_325 = arith.constant 16 : i32
        %mul3A_326 = arith.muli %scan3A_105, %mul3A_325 : i32
        %add3A_327 = arith.constant 6 : i32
        %add3A_328 = arith.addi %mul3A_326, %add3A_327 : i32
        %slice3A_329 = vector.extract_strided_slice %get3A_112 {offsets = [6], sizes = [1], strides = [1]} : vector<16xf32> to vector<1xf32>
        %squeeze3A_330 = vector.extract %slice3A_329[0] : f32 from vector<1xf32>
        %get3A_331 = arith.index_cast %add3A_328 : i32 to index
        %get3A_332 = arith.constant 0 : index
        %get3A_333 = tpu.vector_load %arg12[%get3A_331, %get3A_332] {strides = array<i32>} : memref<128x64xbf16, #tpu.memory_space<vmem>>, vector<32xbf16>,
        %unpack3A_334 = tpu.unpack_subelements %get3A_333, 0 {pack_format = #tpu.pack_format<interleaved>} : vector<32xbf16> -> vector<16xf32>
        %unpack3A_335 = tpu.unpack_subelements %get3A_333, 1 {pack_format = #tpu.pack_format<interleaved>} : vector<32xbf16> -> vector<16xf32>
        %mul3A_336 = vector.broadcast %squeeze3A_330 : f32 to vector<16xf32>
        %mul3A_337 = arith.mulf %unpack3A_334, %mul3A_336 : vector<16xf32>
        %swap3A_338 = arith.index_cast %add3A_328 : i32 to index
        %swap3A_339 = arith.constant 0 : index
        %swap3A_340 = tpu.vector_load %arg14[%swap3A_338, %swap3A_339] {strides = array<i32>} : memref<128x64xf32, #tpu.memory_space<vmem>>, vector<16xf32>,
        tpu.vector_store %arg14[%swap3A_338, %swap3A_339], %mul3A_337 {strides = array<i32>} : memref<128x64xf32, #tpu.memory_space<vmem>>, vector<16xf32>,
        %mul3A_341 = vector.broadcast %squeeze3A_330 : f32 to vector<16xf32>
        %mul3A_342 = arith.mulf %unpack3A_335, %mul3A_341 : vector<16xf32>
        %swap3A_343 = arith.index_cast %add3A_328 : i32 to index
        %swap3A_344 = arith.constant 16 : index
        %swap3A_345 = tpu.vector_load %arg14[%swap3A_343, %swap3A_344] {strides = array<i32>} : memref<128x64xf32, #tpu.memory_space<vmem>>, vector<16xf32>,
        tpu.vector_store %arg14[%swap3A_343, %swap3A_344], %mul3A_342 {strides = array<i32>} : memref<128x64xf32, #tpu.memory_space<vmem>>, vector<16xf32>,
        %get3A_346 = arith.index_cast %add3A_328 : i32 to index
        %get3A_347 = arith.constant 32 : index
        %get3A_348 = tpu.vector_load %arg12[%get3A_346, %get3A_347] {strides = array<i32>} : memref<128x64xbf16, #tpu.memory_space<vmem>>, vector<32xbf16>,
        %unpack3A_349 = tpu.unpack_subelements %get3A_348, 0 {pack_format = #tpu.pack_format<interleaved>} : vector<32xbf16> -> vector<16xf32>
        %unpack3A_350 = tpu.unpack_subelements %get3A_348, 1 {pack_format = #tpu.pack_format<interleaved>} : vector<32xbf16> -> vector<16xf32>
        %mul3A_351 = vector.broadcast %squeeze3A_330 : f32 to vector<16xf32>
        %mul3A_352 = arith.mulf %unpack3A_349, %mul3A_351 : vector<16xf32>
        %swap3A_353 = arith.index_cast %add3A_328 : i32 to index
        %swap3A_354 = arith.constant 32 : index
        %swap3A_355 = tpu.vector_load %arg14[%swap3A_353, %swap3A_354] {strides = array<i32>} : memref<128x64xf32, #tpu.memory_space<vmem>>, vector<16xf32>,
        tpu.vector_store %arg14[%swap3A_353, %swap3A_354], %mul3A_352 {strides = array<i32>} : memref<128x64xf32, #tpu.memory_space<vmem>>, vector<16xf32>,
        %mul3A_356 = vector.broadcast %squeeze3A_330 : f32 to vector<16xf32>
        %mul3A_357 = arith.mulf %unpack3A_350, %mul3A_356 : vector<16xf32>
        %swap3A_358 = arith.index_cast %add3A_328 : i32 to index
        %swap3A_359 = arith.constant 48 : index
        %swap3A_360 = tpu.vector_load %arg14[%swap3A_358, %swap3A_359] {strides = array<i32>} : memref<128x64xf32, #tpu.memory_space<vmem>>, vector<16xf32>,
        tpu.vector_store %arg14[%swap3A_358, %swap3A_359], %mul3A_357 {strides = array<i32>} : memref<128x64xf32, #tpu.memory_space<vmem>>, vector<16xf32>,
        %mul3A_361 = arith.constant 16 : i32
        %mul3A_362 = arith.muli %scan3A_105, %mul3A_361 : i32
        %add3A_363 = arith.constant 7 : i32
        %add3A_364 = arith.addi %mul3A_362, %add3A_363 : i32
        %slice3A_365 = vector.extract_strided_slice %get3A_112 {offsets = [7], sizes = [1], strides = [1]} : vector<16xf32> to vector<1xf32>
        %squeeze3A_366 = vector.extract %slice3A_365[0] : f32 from vector<1xf32>
        %get3A_367 = arith.index_cast %add3A_364 : i32 to index
        %get3A_368 = arith.constant 0 : index
        %get3A_369 = tpu.vector_load %arg12[%get3A_367, %get3A_368] {strides = array<i32>} : memref<128x64xbf16, #tpu.memory_space<vmem>>, vector<32xbf16>,
        %unpack3A_370 = tpu.unpack_subelements %get3A_369, 0 {pack_format = #tpu.pack_format<interleaved>} : vector<32xbf16> -> vector<16xf32>
        %unpack3A_371 = tpu.unpack_subelements %get3A_369, 1 {pack_format = #tpu.pack_format<interleaved>} : vector<32xbf16> -> vector<16xf32>
        %mul3A_372 = vector.broadcast %squeeze3A_366 : f32 to vector<16xf32>
        %mul3A_373 = arith.mulf %unpack3A_370, %mul3A_372 : vector<16xf32>
        %swap3A_374 = arith.index_cast %add3A_364 : i32 to index
        %swap3A_375 = arith.constant 0 : index
        %swap3A_376 = tpu.vector_load %arg14[%swap3A_374, %swap3A_375] {strides = array<i32>} : memref<128x64xf32, #tpu.memory_space<vmem>>, vector<16xf32>,
        tpu.vector_store %arg14[%swap3A_374, %swap3A_375], %mul3A_373 {strides = array<i32>} : memref<128x64xf32, #tpu.memory_space<vmem>>, vector<16xf32>,
        %mul3A_377 = vector.broadcast %squeeze3A_366 : f32 to vector<16xf32>
        %mul3A_378 = arith.mulf %unpack3A_371, %mul3A_377 : vector<16xf32>
        %swap3A_379 = arith.index_cast %add3A_364 : i32 to index
        %swap3A_380 = arith.constant 16 : index
        %swap3A_381 = tpu.vector_load %arg14[%swap3A_379, %swap3A_380] {strides = array<i32>} : memref<128x64xf32, #tpu.memory_space<vmem>>, vector<16xf32>,
        tpu.vector_store %arg14[%swap3A_379, %swap3A_380], %mul3A_378 {strides = array<i32>} : memref<128x64xf32, #tpu.memory_space<vmem>>, vector<16xf32>,
        %get3A_382 = arith.index_cast %add3A_364 : i32 to index
        %get3A_383 = arith.constant 32 : index
        %get3A_384 = tpu.vector_load %arg12[%get3A_382, %get3A_383] {strides = array<i32>} : memref<128x64xbf16, #tpu.memory_space<vmem>>, vector<32xbf16>,
        %unpack3A_385 = tpu.unpack_subelements %get3A_384, 0 {pack_format = #tpu.pack_format<interleaved>} : vector<32xbf16> -> vector<16xf32>
        %unpack3A_386 = tpu.unpack_subelements %get3A_384, 1 {pack_format = #tpu.pack_format<interleaved>} : vector<32xbf16> -> vector<16xf32>
        %mul3A_387 = vector.broadcast %squeeze3A_366 : f32 to vector<16xf32>
        %mul3A_388 = arith.mulf %unpack3A_385, %mul3A_387 : vector<16xf32>
        %swap3A_389 = arith.index_cast %add3A_364 : i32 to index
        %swap3A_390 = arith.constant 32 : index
        %swap3A_391 = tpu.vector_load %arg14[%swap3A_389, %swap3A_390] {strides = array<i32>} : memref<128x64xf32, #tpu.memory_space<vmem>>, vector<16xf32>,
        tpu.vector_store %arg14[%swap3A_389, %swap3A_390], %mul3A_388 {strides = array<i32>} : memref<128x64xf32, #tpu.memory_space<vmem>>, vector<16xf32>,
        %mul3A_392 = vector.broadcast %squeeze3A_366 : f32 to vector<16xf32>
        %mul3A_393 = arith.mulf %unpack3A_386, %mul3A_392 : vector<16xf32>
        %swap3A_394 = arith.index_cast %add3A_364 : i32 to index
        %swap3A_395 = arith.constant 48 : index
        %swap3A_396 = tpu.vector_load %arg14[%swap3A_394, %swap3A_395] {strides = array<i32>} : memref<128x64xf32, #tpu.memory_space<vmem>>, vector<16xf32>,
        tpu.vector_store %arg14[%swap3A_394, %swap3A_395], %mul3A_393 {strides = array<i32>} : memref<128x64xf32, #tpu.memory_space<vmem>>, vector<16xf32>,
        %mul3A_397 = arith.constant 16 : i32
        %mul3A_398 = arith.muli %scan3A_105, %mul3A_397 : i32
        %add3A_399 = arith.constant 8 : i32
        %add3A_400 = arith.addi %mul3A_398, %add3A_399 : i32
        %slice3A_401 = vector.extract_strided_slice %get3A_112 {offsets = [8], sizes = [1], strides = [1]} : vector<16xf32> to vector<1xf32>
        %squeeze3A_402 = vector.extract %slice3A_401[0] : f32 from vector<1xf32>
        %get3A_403 = arith.index_cast %add3A_400 : i32 to index
        %get3A_404 = arith.constant 0 : index
        %get3A_405 = tpu.vector_load %arg12[%get3A_403, %get3A_404] {strides = array<i32>} : memref<128x64xbf16, #tpu.memory_space<vmem>>, vector<32xbf16>,
        %unpack3A_406 = tpu.unpack_subelements %get3A_405, 0 {pack_format = #tpu.pack_format<interleaved>} : vector<32xbf16> -> vector<16xf32>
        %unpack3A_407 = tpu.unpack_subelements %get3A_405, 1 {pack_format = #tpu.pack_format<interleaved>} : vector<32xbf16> -> vector<16xf32>
        %mul3A_408 = vector.broadcast %squeeze3A_402 : f32 to vector<16xf32>
        %mul3A_409 = arith.mulf %unpack3A_406, %mul3A_408 : vector<16xf32>
        %swap3A_410 = arith.index_cast %add3A_400 : i32 to index
        %swap3A_411 = arith.constant 0 : index
        %swap3A_412 = tpu.vector_load %arg14[%swap3A_410, %swap3A_411] {strides = array<i32>} : memref<128x64xf32, #tpu.memory_space<vmem>>, vector<16xf32>,
        tpu.vector_store %arg14[%swap3A_410, %swap3A_411], %mul3A_409 {strides = array<i32>} : memref<128x64xf32, #tpu.memory_space<vmem>>, vector<16xf32>,
        %mul3A_413 = vector.broadcast %squeeze3A_402 : f32 to vector<16xf32>
        %mul3A_414 = arith.mulf %unpack3A_407, %mul3A_413 : vector<16xf32>
        %swap3A_415 = arith.index_cast %add3A_400 : i32 to index
        %swap3A_416 = arith.constant 16 : index
        %swap3A_417 = tpu.vector_load %arg14[%swap3A_415, %swap3A_416] {strides = array<i32>} : memref<128x64xf32, #tpu.memory_space<vmem>>, vector<16xf32>,
        tpu.vector_store %arg14[%swap3A_415, %swap3A_416], %mul3A_414 {strides = array<i32>} : memref<128x64xf32, #tpu.memory_space<vmem>>, vector<16xf32>,
        %get3A_418 = arith.index_cast %add3A_400 : i32 to index
        %get3A_419 = arith.constant 32 : index
        %get3A_420 = tpu.vector_load %arg12[%get3A_418, %get3A_419] {strides = array<i32>} : memref<128x64xbf16, #tpu.memory_space<vmem>>, vector<32xbf16>,
        %unpack3A_421 = tpu.unpack_subelements %get3A_420, 0 {pack_format = #tpu.pack_format<interleaved>} : vector<32xbf16> -> vector<16xf32>
        %unpack3A_422 = tpu.unpack_subelements %get3A_420, 1 {pack_format = #tpu.pack_format<interleaved>} : vector<32xbf16> -> vector<16xf32>
        %mul3A_423 = vector.broadcast %squeeze3A_402 : f32 to vector<16xf32>
        %mul3A_424 = arith.mulf %unpack3A_421, %mul3A_423 : vector<16xf32>
        %swap3A_425 = arith.index_cast %add3A_400 : i32 to index
        %swap3A_426 = arith.constant 32 : index
        %swap3A_427 = tpu.vector_load %arg14[%swap3A_425, %swap3A_426] {strides = array<i32>} : memref<128x64xf32, #tpu.memory_space<vmem>>, vector<16xf32>,
        tpu.vector_store %arg14[%swap3A_425, %swap3A_426], %mul3A_424 {strides = array<i32>} : memref<128x64xf32, #tpu.memory_space<vmem>>, vector<16xf32>,
        %mul3A_428 = vector.broadcast %squeeze3A_402 : f32 to vector<16xf32>
        %mul3A_429 = arith.mulf %unpack3A_422, %mul3A_428 : vector<16xf32>
        %swap3A_430 = arith.index_cast %add3A_400 : i32 to index
        %swap3A_431 = arith.constant 48 : index
        %swap3A_432 = tpu.vector_load %arg14[%swap3A_430, %swap3A_431] {strides = array<i32>} : memref<128x64xf32, #tpu.memory_space<vmem>>, vector<16xf32>,
        tpu.vector_store %arg14[%swap3A_430, %swap3A_431], %mul3A_429 {strides = array<i32>} : memref<128x64xf32, #tpu.memory_space<vmem>>, vector<16xf32>,
        %mul3A_433 = arith.constant 16 : i32
        %mul3A_434 = arith.muli %scan3A_105, %mul3A_433 : i32
        %add3A_435 = arith.constant 9 : i32
        %add3A_436 = arith.addi %mul3A_434, %add3A_435 : i32
        %slice3A_437 = vector.extract_strided_slice %get3A_112 {offsets = [9], sizes = [1], strides = [1]} : vector<16xf32> to vector<1xf32>
        %squeeze3A_438 = vector.extract %slice3A_437[0] : f32 from vector<1xf32>
        %get3A_439 = arith.index_cast %add3A_436 : i32 to index
        %get3A_440 = arith.constant 0 : index
        %get3A_441 = tpu.vector_load %arg12[%get3A_439, %get3A_440] {strides = array<i32>} : memref<128x64xbf16, #tpu.memory_space<vmem>>, vector<32xbf16>,
        %unpack3A_442 = tpu.unpack_subelements %get3A_441, 0 {pack_format = #tpu.pack_format<interleaved>} : vector<32xbf16> -> vector<16xf32>
        %unpack3A_443 = tpu.unpack_subelements %get3A_441, 1 {pack_format = #tpu.pack_format<interleaved>} : vector<32xbf16> -> vector<16xf32>
        %mul3A_444 = vector.broadcast %squeeze3A_438 : f32 to vector<16xf32>
        %mul3A_445 = arith.mulf %unpack3A_442, %mul3A_444 : vector<16xf32>
        %swap3A_446 = arith.index_cast %add3A_436 : i32 to index
        %swap3A_447 = arith.constant 0 : index
        %swap3A_448 = tpu.vector_load %arg14[%swap3A_446, %swap3A_447] {strides = array<i32>} : memref<128x64xf32, #tpu.memory_space<vmem>>, vector<16xf32>,
        tpu.vector_store %arg14[%swap3A_446, %swap3A_447], %mul3A_445 {strides = array<i32>} : memref<128x64xf32, #tpu.memory_space<vmem>>, vector<16xf32>,
        %mul3A_449 = vector.broadcast %squeeze3A_438 : f32 to vector<16xf32>
        %mul3A_450 = arith.mulf %unpack3A_443, %mul3A_449 : vector<16xf32>
        %swap3A_451 = arith.index_cast %add3A_436 : i32 to index
        %swap3A_452 = arith.constant 16 : index
        %swap3A_453 = tpu.vector_load %arg14[%swap3A_451, %swap3A_452] {strides = array<i32>} : memref<128x64xf32, #tpu.memory_space<vmem>>, vector<16xf32>,
        tpu.vector_store %arg14[%swap3A_451, %swap3A_452], %mul3A_450 {strides = array<i32>} : memref<128x64xf32, #tpu.memory_space<vmem>>, vector<16xf32>,
        %get3A_454 = arith.index_cast %add3A_436 : i32 to index
        %get3A_455 = arith.constant 32 : index
        %get3A_456 = tpu.vector_load %arg12[%get3A_454, %get3A_455] {strides = array<i32>} : memref<128x64xbf16, #tpu.memory_space<vmem>>, vector<32xbf16>,
        %unpack3A_457 = tpu.unpack_subelements %get3A_456, 0 {pack_format = #tpu.pack_format<interleaved>} : vector<32xbf16> -> vector<16xf32>
        %unpack3A_458 = tpu.unpack_subelements %get3A_456, 1 {pack_format = #tpu.pack_format<interleaved>} : vector<32xbf16> -> vector<16xf32>
        %mul3A_459 = vector.broadcast %squeeze3A_438 : f32 to vector<16xf32>
        %mul3A_460 = arith.mulf %unpack3A_457, %mul3A_459 : vector<16xf32>
        %swap3A_461 = arith.index_cast %add3A_436 : i32 to index
        %swap3A_462 = arith.constant 32 : index
        %swap3A_463 = tpu.vector_load %arg14[%swap3A_461, %swap3A_462] {strides = array<i32>} : memref<128x64xf32, #tpu.memory_space<vmem>>, vector<16xf32>,
        tpu.vector_store %arg14[%swap3A_461, %swap3A_462], %mul3A_460 {strides = array<i32>} : memref<128x64xf32, #tpu.memory_space<vmem>>, vector<16xf32>,
        %mul3A_464 = vector.broadcast %squeeze3A_438 : f32 to vector<16xf32>
        %mul3A_465 = arith.mulf %unpack3A_458, %mul3A_464 : vector<16xf32>
        %swap3A_466 = arith.index_cast %add3A_436 : i32 to index
        %swap3A_467 = arith.constant 48 : index
        %swap3A_468 = tpu.vector_load %arg14[%swap3A_466, %swap3A_467] {strides = array<i32>} : memref<128x64xf32, #tpu.memory_space<vmem>>, vector<16xf32>,
        tpu.vector_store %arg14[%swap3A_466, %swap3A_467], %mul3A_465 {strides = array<i32>} : memref<128x64xf32, #tpu.memory_space<vmem>>, vector<16xf32>,
        %mul3A_469 = arith.constant 16 : i32
        %mul3A_470 = arith.muli %scan3A_105, %mul3A_469 : i32
        %add3A_471 = arith.constant 10 : i32
        %add3A_472 = arith.addi %mul3A_470, %add3A_471 : i32
        %slice3A_473 = vector.extract_strided_slice %get3A_112 {offsets = [10], sizes = [1], strides = [1]} : vector<16xf32> to vector<1xf32>
        %squeeze3A_474 = vector.extract %slice3A_473[0] : f32 from vector<1xf32>
        %get3A_475 = arith.index_cast %add3A_472 : i32 to index
        %get3A_476 = arith.constant 0 : index
        %get3A_477 = tpu.vector_load %arg12[%get3A_475, %get3A_476] {strides = array<i32>} : memref<128x64xbf16, #tpu.memory_space<vmem>>, vector<32xbf16>,
        %unpack3A_478 = tpu.unpack_subelements %get3A_477, 0 {pack_format = #tpu.pack_format<interleaved>} : vector<32xbf16> -> vector<16xf32>
        %unpack3A_479 = tpu.unpack_subelements %get3A_477, 1 {pack_format = #tpu.pack_format<interleaved>} : vector<32xbf16> -> vector<16xf32>
        %mul3A_480 = vector.broadcast %squeeze3A_474 : f32 to vector<16xf32>
        %mul3A_481 = arith.mulf %unpack3A_478, %mul3A_480 : vector<16xf32>
        %swap3A_482 = arith.index_cast %add3A_472 : i32 to index
        %swap3A_483 = arith.constant 0 : index
        %swap3A_484 = tpu.vector_load %arg14[%swap3A_482, %swap3A_483] {strides = array<i32>} : memref<128x64xf32, #tpu.memory_space<vmem>>, vector<16xf32>,
        tpu.vector_store %arg14[%swap3A_482, %swap3A_483], %mul3A_481 {strides = array<i32>} : memref<128x64xf32, #tpu.memory_space<vmem>>, vector<16xf32>,
        %mul3A_485 = vector.broadcast %squeeze3A_474 : f32 to vector<16xf32>
        %mul3A_486 = arith.mulf %unpack3A_479, %mul3A_485 : vector<16xf32>
        %swap3A_487 = arith.index_cast %add3A_472 : i32 to index
        %swap3A_488 = arith.constant 16 : index
        %swap3A_489 = tpu.vector_load %arg14[%swap3A_487, %swap3A_488] {strides = array<i32>} : memref<128x64xf32, #tpu.memory_space<vmem>>, vector<16xf32>,
        tpu.vector_store %arg14[%swap3A_487, %swap3A_488], %mul3A_486 {strides = array<i32>} : memref<128x64xf32, #tpu.memory_space<vmem>>, vector<16xf32>,
        %get3A_490 = arith.index_cast %add3A_472 : i32 to index
        %get3A_491 = arith.constant 32 : index
        %get3A_492 = tpu.vector_load %arg12[%get3A_490, %get3A_491] {strides = array<i32>} : memref<128x64xbf16, #tpu.memory_space<vmem>>, vector<32xbf16>,
        %unpack3A_493 = tpu.unpack_subelements %get3A_492, 0 {pack_format = #tpu.pack_format<interleaved>} : vector<32xbf16> -> vector<16xf32>
        %unpack3A_494 = tpu.unpack_subelements %get3A_492, 1 {pack_format = #tpu.pack_format<interleaved>} : vector<32xbf16> -> vector<16xf32>
        %mul3A_495 = vector.broadcast %squeeze3A_474 : f32 to vector<16xf32>
        %mul3A_496 = arith.mulf %unpack3A_493, %mul3A_495 : vector<16xf32>
        %swap3A_497 = arith.index_cast %add3A_472 : i32 to index
        %swap3A_498 = arith.constant 32 : index
        %swap3A_499 = tpu.vector_load %arg14[%swap3A_497, %swap3A_498] {strides = array<i32>} : memref<128x64xf32, #tpu.memory_space<vmem>>, vector<16xf32>,
        tpu.vector_store %arg14[%swap3A_497, %swap3A_498], %mul3A_496 {strides = array<i32>} : memref<128x64xf32, #tpu.memory_space<vmem>>, vector<16xf32>,
        %mul3A_500 = vector.broadcast %squeeze3A_474 : f32 to vector<16xf32>
        %mul3A_501 = arith.mulf %unpack3A_494, %mul3A_500 : vector<16xf32>
        %swap3A_502 = arith.index_cast %add3A_472 : i32 to index
        %swap3A_503 = arith.constant 48 : index
        %swap3A_504 = tpu.vector_load %arg14[%swap3A_502, %swap3A_503] {strides = array<i32>} : memref<128x64xf32, #tpu.memory_space<vmem>>, vector<16xf32>,
        tpu.vector_store %arg14[%swap3A_502, %swap3A_503], %mul3A_501 {strides = array<i32>} : memref<128x64xf32, #tpu.memory_space<vmem>>, vector<16xf32>,
        %mul3A_505 = arith.constant 16 : i32
        %mul3A_506 = arith.muli %scan3A_105, %mul3A_505 : i32
        %add3A_507 = arith.constant 11 : i32
        %add3A_508 = arith.addi %mul3A_506, %add3A_507 : i32
        %slice3A_509 = vector.extract_strided_slice %get3A_112 {offsets = [11], sizes = [1], strides = [1]} : vector<16xf32> to vector<1xf32>
        %squeeze3A_510 = vector.extract %slice3A_509[0] : f32 from vector<1xf32>
        %get3A_511 = arith.index_cast %add3A_508 : i32 to index
        %get3A_512 = arith.constant 0 : index
        %get3A_513 = tpu.vector_load %arg12[%get3A_511, %get3A_512] {strides = array<i32>} : memref<128x64xbf16, #tpu.memory_space<vmem>>, vector<32xbf16>,
        %unpack3A_514 = tpu.unpack_subelements %get3A_513, 0 {pack_format = #tpu.pack_format<interleaved>} : vector<32xbf16> -> vector<16xf32>
        %unpack3A_515 = tpu.unpack_subelements %get3A_513, 1 {pack_format = #tpu.pack_format<interleaved>} : vector<32xbf16> -> vector<16xf32>
        %mul3A_516 = vector.broadcast %squeeze3A_510 : f32 to vector<16xf32>
        %mul3A_517 = arith.mulf %unpack3A_514, %mul3A_516 : vector<16xf32>
        %swap3A_518 = arith.index_cast %add3A_508 : i32 to index
        %swap3A_519 = arith.constant 0 : index
        %swap3A_520 = tpu.vector_load %arg14[%swap3A_518, %swap3A_519] {strides = array<i32>} : memref<128x64xf32, #tpu.memory_space<vmem>>, vector<16xf32>,
        tpu.vector_store %arg14[%swap3A_518, %swap3A_519], %mul3A_517 {strides = array<i32>} : memref<128x64xf32, #tpu.memory_space<vmem>>, vector<16xf32>,
        %mul3A_521 = vector.broadcast %squeeze3A_510 : f32 to vector<16xf32>
        %mul3A_522 = arith.mulf %unpack3A_515, %mul3A_521 : vector<16xf32>
        %swap3A_523 = arith.index_cast %add3A_508 : i32 to index
        %swap3A_524 = arith.constant 16 : index
        %swap3A_525 = tpu.vector_load %arg14[%swap3A_523, %swap3A_524] {strides = array<i32>} : memref<128x64xf32, #tpu.memory_space<vmem>>, vector<16xf32>,
        tpu.vector_store %arg14[%swap3A_523, %swap3A_524], %mul3A_522 {strides = array<i32>} : memref<128x64xf32, #tpu.memory_space<vmem>>, vector<16xf32>,
        %get3A_526 = arith.index_cast %add3A_508 : i32 to index
        %get3A_527 = arith.constant 32 : index
        %get3A_528 = tpu.vector_load %arg12[%get3A_526, %get3A_527] {strides = array<i32>} : memref<128x64xbf16, #tpu.memory_space<vmem>>, vector<32xbf16>,
        %unpack3A_529 = tpu.unpack_subelements %get3A_528, 0 {pack_format = #tpu.pack_format<interleaved>} : vector<32xbf16> -> vector<16xf32>
        %unpack3A_530 = tpu.unpack_subelements %get3A_528, 1 {pack_format = #tpu.pack_format<interleaved>} : vector<32xbf16> -> vector<16xf32>
        %mul3A_531 = vector.broadcast %squeeze3A_510 : f32 to vector<16xf32>
        %mul3A_532 = arith.mulf %unpack3A_529, %mul3A_531 : vector<16xf32>
        %swap3A_533 = arith.index_cast %add3A_508 : i32 to index
        %swap3A_534 = arith.constant 32 : index
        %swap3A_535 = tpu.vector_load %arg14[%swap3A_533, %swap3A_534] {strides = array<i32>} : memref<128x64xf32, #tpu.memory_space<vmem>>, vector<16xf32>,
        tpu.vector_store %arg14[%swap3A_533, %swap3A_534], %mul3A_532 {strides = array<i32>} : memref<128x64xf32, #tpu.memory_space<vmem>>, vector<16xf32>,
        %mul3A_536 = vector.broadcast %squeeze3A_510 : f32 to vector<16xf32>
        %mul3A_537 = arith.mulf %unpack3A_530, %mul3A_536 : vector<16xf32>
        %swap3A_538 = arith.index_cast %add3A_508 : i32 to index
        %swap3A_539 = arith.constant 48 : index
        %swap3A_540 = tpu.vector_load %arg14[%swap3A_538, %swap3A_539] {strides = array<i32>} : memref<128x64xf32, #tpu.memory_space<vmem>>, vector<16xf32>,
        tpu.vector_store %arg14[%swap3A_538, %swap3A_539], %mul3A_537 {strides = array<i32>} : memref<128x64xf32, #tpu.memory_space<vmem>>, vector<16xf32>,
        %mul3A_541 = arith.constant 16 : i32
        %mul3A_542 = arith.muli %scan3A_105, %mul3A_541 : i32
        %add3A_543 = arith.constant 12 : i32
        %add3A_544 = arith.addi %mul3A_542, %add3A_543 : i32
        %slice3A_545 = vector.extract_strided_slice %get3A_112 {offsets = [12], sizes = [1], strides = [1]} : vector<16xf32> to vector<1xf32>
        %squeeze3A_546 = vector.extract %slice3A_545[0] : f32 from vector<1xf32>
        %get3A_547 = arith.index_cast %add3A_544 : i32 to index
        %get3A_548 = arith.constant 0 : index
        %get3A_549 = tpu.vector_load %arg12[%get3A_547, %get3A_548] {strides = array<i32>} : memref<128x64xbf16, #tpu.memory_space<vmem>>, vector<32xbf16>,
        %unpack3A_550 = tpu.unpack_subelements %get3A_549, 0 {pack_format = #tpu.pack_format<interleaved>} : vector<32xbf16> -> vector<16xf32>
        %unpack3A_551 = tpu.unpack_subelements %get3A_549, 1 {pack_format = #tpu.pack_format<interleaved>} : vector<32xbf16> -> vector<16xf32>
        %mul3A_552 = vector.broadcast %squeeze3A_546 : f32 to vector<16xf32>
        %mul3A_553 = arith.mulf %unpack3A_550, %mul3A_552 : vector<16xf32>
        %swap3A_554 = arith.index_cast %add3A_544 : i32 to index
        %swap3A_555 = arith.constant 0 : index
        %swap3A_556 = tpu.vector_load %arg14[%swap3A_554, %swap3A_555] {strides = array<i32>} : memref<128x64xf32, #tpu.memory_space<vmem>>, vector<16xf32>,
        tpu.vector_store %arg14[%swap3A_554, %swap3A_555], %mul3A_553 {strides = array<i32>} : memref<128x64xf32, #tpu.memory_space<vmem>>, vector<16xf32>,
        %mul3A_557 = vector.broadcast %squeeze3A_546 : f32 to vector<16xf32>
        %mul3A_558 = arith.mulf %unpack3A_551, %mul3A_557 : vector<16xf32>
        %swap3A_559 = arith.index_cast %add3A_544 : i32 to index
        %swap3A_560 = arith.constant 16 : index
        %swap3A_561 = tpu.vector_load %arg14[%swap3A_559, %swap3A_560] {strides = array<i32>} : memref<128x64xf32, #tpu.memory_space<vmem>>, vector<16xf32>,
        tpu.vector_store %arg14[%swap3A_559, %swap3A_560], %mul3A_558 {strides = array<i32>} : memref<128x64xf32, #tpu.memory_space<vmem>>, vector<16xf32>,
        %get3A_562 = arith.index_cast %add3A_544 : i32 to index
        %get3A_563 = arith.constant 32 : index
        %get3A_564 = tpu.vector_load %arg12[%get3A_562, %get3A_563] {strides = array<i32>} : memref<128x64xbf16, #tpu.memory_space<vmem>>, vector<32xbf16>,
        %unpack3A_565 = tpu.unpack_subelements %get3A_564, 0 {pack_format = #tpu.pack_format<interleaved>} : vector<32xbf16> -> vector<16xf32>
        %unpack3A_566 = tpu.unpack_subelements %get3A_564, 1 {pack_format = #tpu.pack_format<interleaved>} : vector<32xbf16> -> vector<16xf32>
        %mul3A_567 = vector.broadcast %squeeze3A_546 : f32 to vector<16xf32>
        %mul3A_568 = arith.mulf %unpack3A_565, %mul3A_567 : vector<16xf32>
        %swap3A_569 = arith.index_cast %add3A_544 : i32 to index
        %swap3A_570 = arith.constant 32 : index
        %swap3A_571 = tpu.vector_load %arg14[%swap3A_569, %swap3A_570] {strides = array<i32>} : memref<128x64xf32, #tpu.memory_space<vmem>>, vector<16xf32>,
        tpu.vector_store %arg14[%swap3A_569, %swap3A_570], %mul3A_568 {strides = array<i32>} : memref<128x64xf32, #tpu.memory_space<vmem>>, vector<16xf32>,
        %mul3A_572 = vector.broadcast %squeeze3A_546 : f32 to vector<16xf32>
        %mul3A_573 = arith.mulf %unpack3A_566, %mul3A_572 : vector<16xf32>
        %swap3A_574 = arith.index_cast %add3A_544 : i32 to index
        %swap3A_575 = arith.constant 48 : index
        %swap3A_576 = tpu.vector_load %arg14[%swap3A_574, %swap3A_575] {strides = array<i32>} : memref<128x64xf32, #tpu.memory_space<vmem>>, vector<16xf32>,
        tpu.vector_store %arg14[%swap3A_574, %swap3A_575], %mul3A_573 {strides = array<i32>} : memref<128x64xf32, #tpu.memory_space<vmem>>, vector<16xf32>,
        %mul3A_577 = arith.constant 16 : i32
        %mul3A_578 = arith.muli %scan3A_105, %mul3A_577 : i32
        %add3A_579 = arith.constant 13 : i32
        %add3A_580 = arith.addi %mul3A_578, %add3A_579 : i32
        %slice3A_581 = vector.extract_strided_slice %get3A_112 {offsets = [13], sizes = [1], strides = [1]} : vector<16xf32> to vector<1xf32>
        %squeeze3A_582 = vector.extract %slice3A_581[0] : f32 from vector<1xf32>
        %get3A_583 = arith.index_cast %add3A_580 : i32 to index
        %get3A_584 = arith.constant 0 : index
        %get3A_585 = tpu.vector_load %arg12[%get3A_583, %get3A_584] {strides = array<i32>} : memref<128x64xbf16, #tpu.memory_space<vmem>>, vector<32xbf16>,
        %unpack3A_586 = tpu.unpack_subelements %get3A_585, 0 {pack_format = #tpu.pack_format<interleaved>} : vector<32xbf16> -> vector<16xf32>
        %unpack3A_587 = tpu.unpack_subelements %get3A_585, 1 {pack_format = #tpu.pack_format<interleaved>} : vector<32xbf16> -> vector<16xf32>
        %mul3A_588 = vector.broadcast %squeeze3A_582 : f32 to vector<16xf32>
        %mul3A_589 = arith.mulf %unpack3A_586, %mul3A_588 : vector<16xf32>
        %swap3A_590 = arith.index_cast %add3A_580 : i32 to index
        %swap3A_591 = arith.constant 0 : index
        %swap3A_592 = tpu.vector_load %arg14[%swap3A_590, %swap3A_591] {strides = array<i32>} : memref<128x64xf32, #tpu.memory_space<vmem>>, vector<16xf32>,
        tpu.vector_store %arg14[%swap3A_590, %swap3A_591], %mul3A_589 {strides = array<i32>} : memref<128x64xf32, #tpu.memory_space<vmem>>, vector<16xf32>,
        %mul3A_593 = vector.broadcast %squeeze3A_582 : f32 to vector<16xf32>
        %mul3A_594 = arith.mulf %unpack3A_587, %mul3A_593 : vector<16xf32>
        %swap3A_595 = arith.index_cast %add3A_580 : i32 to index
        %swap3A_596 = arith.constant 16 : index
        %swap3A_597 = tpu.vector_load %arg14[%swap3A_595, %swap3A_596] {strides = array<i32>} : memref<128x64xf32, #tpu.memory_space<vmem>>, vector<16xf32>,
        tpu.vector_store %arg14[%swap3A_595, %swap3A_596], %mul3A_594 {strides = array<i32>} : memref<128x64xf32, #tpu.memory_space<vmem>>, vector<16xf32>,
        %get3A_598 = arith.index_cast %add3A_580 : i32 to index
        %get3A_599 = arith.constant 32 : index
        %get3A_600 = tpu.vector_load %arg12[%get3A_598, %get3A_599] {strides = array<i32>} : memref<128x64xbf16, #tpu.memory_space<vmem>>, vector<32xbf16>,
        %unpack3A_601 = tpu.unpack_subelements %get3A_600, 0 {pack_format = #tpu.pack_format<interleaved>} : vector<32xbf16> -> vector<16xf32>
        %unpack3A_602 = tpu.unpack_subelements %get3A_600, 1 {pack_format = #tpu.pack_format<interleaved>} : vector<32xbf16> -> vector<16xf32>
        %mul3A_603 = vector.broadcast %squeeze3A_582 : f32 to vector<16xf32>
        %mul3A_604 = arith.mulf %unpack3A_601, %mul3A_603 : vector<16xf32>
        %swap3A_605 = arith.index_cast %add3A_580 : i32 to index
        %swap3A_606 = arith.constant 32 : index
        %swap3A_607 = tpu.vector_load %arg14[%swap3A_605, %swap3A_606] {strides = array<i32>} : memref<128x64xf32, #tpu.memory_space<vmem>>, vector<16xf32>,
        tpu.vector_store %arg14[%swap3A_605, %swap3A_606], %mul3A_604 {strides = array<i32>} : memref<128x64xf32, #tpu.memory_space<vmem>>, vector<16xf32>,
        %mul3A_608 = vector.broadcast %squeeze3A_582 : f32 to vector<16xf32>
        %mul3A_609 = arith.mulf %unpack3A_602, %mul3A_608 : vector<16xf32>
        %swap3A_610 = arith.index_cast %add3A_580 : i32 to index
        %swap3A_611 = arith.constant 48 : index
        %swap3A_612 = tpu.vector_load %arg14[%swap3A_610, %swap3A_611] {strides = array<i32>} : memref<128x64xf32, #tpu.memory_space<vmem>>, vector<16xf32>,
        tpu.vector_store %arg14[%swap3A_610, %swap3A_611], %mul3A_609 {strides = array<i32>} : memref<128x64xf32, #tpu.memory_space<vmem>>, vector<16xf32>,
        %mul3A_613 = arith.constant 16 : i32
        %mul3A_614 = arith.muli %scan3A_105, %mul3A_613 : i32
        %add3A_615 = arith.constant 14 : i32
        %add3A_616 = arith.addi %mul3A_614, %add3A_615 : i32
        %slice3A_617 = vector.extract_strided_slice %get3A_112 {offsets = [14], sizes = [1], strides = [1]} : vector<16xf32> to vector<1xf32>
        %squeeze3A_618 = vector.extract %slice3A_617[0] : f32 from vector<1xf32>
        %get3A_619 = arith.index_cast %add3A_616 : i32 to index
        %get3A_620 = arith.constant 0 : index
        %get3A_621 = tpu.vector_load %arg12[%get3A_619, %get3A_620] {strides = array<i32>} : memref<128x64xbf16, #tpu.memory_space<vmem>>, vector<32xbf16>,
        %unpack3A_622 = tpu.unpack_subelements %get3A_621, 0 {pack_format = #tpu.pack_format<interleaved>} : vector<32xbf16> -> vector<16xf32>
        %unpack3A_623 = tpu.unpack_subelements %get3A_621, 1 {pack_format = #tpu.pack_format<interleaved>} : vector<32xbf16> -> vector<16xf32>
        %mul3A_624 = vector.broadcast %squeeze3A_618 : f32 to vector<16xf32>
        %mul3A_625 = arith.mulf %unpack3A_622, %mul3A_624 : vector<16xf32>
        %swap3A_626 = arith.index_cast %add3A_616 : i32 to index
        %swap3A_627 = arith.constant 0 : index
        %swap3A_628 = tpu.vector_load %arg14[%swap3A_626, %swap3A_627] {strides = array<i32>} : memref<128x64xf32, #tpu.memory_space<vmem>>, vector<16xf32>,
        tpu.vector_store %arg14[%swap3A_626, %swap3A_627], %mul3A_625 {strides = array<i32>} : memref<128x64xf32, #tpu.memory_space<vmem>>, vector<16xf32>,
        %mul3A_629 = vector.broadcast %squeeze3A_618 : f32 to vector<16xf32>
        %mul3A_630 = arith.mulf %unpack3A_623, %mul3A_629 : vector<16xf32>
        %swap3A_631 = arith.index_cast %add3A_616 : i32 to index
        %swap3A_632 = arith.constant 16 : index
        %swap3A_633 = tpu.vector_load %arg14[%swap3A_631, %swap3A_632] {strides = array<i32>} : memref<128x64xf32, #tpu.memory_space<vmem>>, vector<16xf32>,
        tpu.vector_store %arg14[%swap3A_631, %swap3A_632], %mul3A_630 {strides = array<i32>} : memref<128x64xf32, #tpu.memory_space<vmem>>, vector<16xf32>,
        %get3A_634 = arith.index_cast %add3A_616 : i32 to index
        %get3A_635 = arith.constant 32 : index
        %get3A_636 = tpu.vector_load %arg12[%get3A_634, %get3A_635] {strides = array<i32>} : memref<128x64xbf16, #tpu.memory_space<vmem>>, vector<32xbf16>,
        %unpack3A_637 = tpu.unpack_subelements %get3A_636, 0 {pack_format = #tpu.pack_format<interleaved>} : vector<32xbf16> -> vector<16xf32>
        %unpack3A_638 = tpu.unpack_subelements %get3A_636, 1 {pack_format = #tpu.pack_format<interleaved>} : vector<32xbf16> -> vector<16xf32>
        %mul3A_639 = vector.broadcast %squeeze3A_618 : f32 to vector<16xf32>
        %mul3A_640 = arith.mulf %unpack3A_637, %mul3A_639 : vector<16xf32>
        %swap3A_641 = arith.index_cast %add3A_616 : i32 to index
        %swap3A_642 = arith.constant 32 : index
        %swap3A_643 = tpu.vector_load %arg14[%swap3A_641, %swap3A_642] {strides = array<i32>} : memref<128x64xf32, #tpu.memory_space<vmem>>, vector<16xf32>,
        tpu.vector_store %arg14[%swap3A_641, %swap3A_642], %mul3A_640 {strides = array<i32>} : memref<128x64xf32, #tpu.memory_space<vmem>>, vector<16xf32>,
        %mul3A_644 = vector.broadcast %squeeze3A_618 : f32 to vector<16xf32>
        %mul3A_645 = arith.mulf %unpack3A_638, %mul3A_644 : vector<16xf32>
        %swap3A_646 = arith.index_cast %add3A_616 : i32 to index
        %swap3A_647 = arith.constant 48 : index
        %swap3A_648 = tpu.vector_load %arg14[%swap3A_646, %swap3A_647] {strides = array<i32>} : memref<128x64xf32, #tpu.memory_space<vmem>>, vector<16xf32>,
        tpu.vector_store %arg14[%swap3A_646, %swap3A_647], %mul3A_645 {strides = array<i32>} : memref<128x64xf32, #tpu.memory_space<vmem>>, vector<16xf32>,
        %mul3A_649 = arith.constant 16 : i32
        %mul3A_650 = arith.muli %scan3A_105, %mul3A_649 : i32
        %add3A_651 = arith.constant 15 : i32
        %add3A_652 = arith.addi %mul3A_650, %add3A_651 : i32
        %slice3A_653 = vector.extract_strided_slice %get3A_112 {offsets = [15], sizes = [1], strides = [1]} : vector<16xf32> to vector<1xf32>
        %squeeze3A_654 = vector.extract %slice3A_653[0] : f32 from vector<1xf32>
        %get3A_655 = arith.index_cast %add3A_652 : i32 to index
        %get3A_656 = arith.constant 0 : index
        %get3A_657 = tpu.vector_load %arg12[%get3A_655, %get3A_656] {strides = array<i32>} : memref<128x64xbf16, #tpu.memory_space<vmem>>, vector<32xbf16>,
        %unpack3A_658 = tpu.unpack_subelements %get3A_657, 0 {pack_format = #tpu.pack_format<interleaved>} : vector<32xbf16> -> vector<16xf32>
        %unpack3A_659 = tpu.unpack_subelements %get3A_657, 1 {pack_format = #tpu.pack_format<interleaved>} : vector<32xbf16> -> vector<16xf32>
        %mul3A_660 = vector.broadcast %squeeze3A_654 : f32 to vector<16xf32>
        %mul3A_661 = arith.mulf %unpack3A_658, %mul3A_660 : vector<16xf32>
        %swap3A_662 = arith.index_cast %add3A_652 : i32 to index
        %swap3A_663 = arith.constant 0 : index
        %swap3A_664 = tpu.vector_load %arg14[%swap3A_662, %swap3A_663] {strides = array<i32>} : memref<128x64xf32, #tpu.memory_space<vmem>>, vector<16xf32>,
        tpu.vector_store %arg14[%swap3A_662, %swap3A_663], %mul3A_661 {strides = array<i32>} : memref<128x64xf32, #tpu.memory_space<vmem>>, vector<16xf32>,
        %mul3A_665 = vector.broadcast %squeeze3A_654 : f32 to vector<16xf32>
        %mul3A_666 = arith.mulf %unpack3A_659, %mul3A_665 : vector<16xf32>
        %swap3A_667 = arith.index_cast %add3A_652 : i32 to index
        %swap3A_668 = arith.constant 16 : index
        %swap3A_669 = tpu.vector_load %arg14[%swap3A_667, %swap3A_668] {strides = array<i32>} : memref<128x64xf32, #tpu.memory_space<vmem>>, vector<16xf32>,
        tpu.vector_store %arg14[%swap3A_667, %swap3A_668], %mul3A_666 {strides = array<i32>} : memref<128x64xf32, #tpu.memory_space<vmem>>, vector<16xf32>,
        %get3A_670 = arith.index_cast %add3A_652 : i32 to index
        %get3A_671 = arith.constant 32 : index
        %get3A_672 = tpu.vector_load %arg12[%get3A_670, %get3A_671] {strides = array<i32>} : memref<128x64xbf16, #tpu.memory_space<vmem>>, vector<32xbf16>,
        %unpack3A_673 = tpu.unpack_subelements %get3A_672, 0 {pack_format = #tpu.pack_format<interleaved>} : vector<32xbf16> -> vector<16xf32>
        %unpack3A_674 = tpu.unpack_subelements %get3A_672, 1 {pack_format = #tpu.pack_format<interleaved>} : vector<32xbf16> -> vector<16xf32>
        %mul3A_675 = vector.broadcast %squeeze3A_654 : f32 to vector<16xf32>
        %mul3A_676 = arith.mulf %unpack3A_673, %mul3A_675 : vector<16xf32>
        %swap3A_677 = arith.index_cast %add3A_652 : i32 to index
        %swap3A_678 = arith.constant 32 : index
        %swap3A_679 = tpu.vector_load %arg14[%swap3A_677, %swap3A_678] {strides = array<i32>} : memref<128x64xf32, #tpu.memory_space<vmem>>, vector<16xf32>,
        tpu.vector_store %arg14[%swap3A_677, %swap3A_678], %mul3A_676 {strides = array<i32>} : memref<128x64xf32, #tpu.memory_space<vmem>>, vector<16xf32>,
        %mul3A_680 = vector.broadcast %squeeze3A_654 : f32 to vector<16xf32>
        %mul3A_681 = arith.mulf %unpack3A_674, %mul3A_680 : vector<16xf32>
        %swap3A_682 = arith.index_cast %add3A_652 : i32 to index
        %swap3A_683 = arith.constant 48 : index
        %swap3A_684 = tpu.vector_load %arg14[%swap3A_682, %swap3A_683] {strides = array<i32>} : memref<128x64xf32, #tpu.memory_space<vmem>>, vector<16xf32>,
        tpu.vector_store %arg14[%swap3A_682, %swap3A_683], %mul3A_681 {strides = array<i32>} : memref<128x64xf32, #tpu.memory_space<vmem>>, vector<16xf32>,
        %scan3A_685 = arith.constant 0 : i32
        scf.yield %scan3A_685 : i32
      }
      %scan3A_83 = arith.constant 8 : i32
      %dma_start3A_84 = arith.constant 0 : i32
      %dma_start3A_85 = arith.constant 0 : i32
      %dma_start3A_86 = tpu.memref_slice %arg21[%dma_start3A_84, %dma_start3A_85] : memref<10112x64xf32, #tpu.memory_space<vmem_shared>> -> memref<10112x64xf32, #tpu.memory_space<vmem_shared>>
      tpu.enqueue_indirect_dma source(%arg14 : memref<128x64xf32, #tpu.memory_space<vmem>>) target(%dma_start3A_86 : memref<10112x64xf32, #tpu.memory_space<vmem_shared>>) offsets(%arg10 : memref<128xi32, #tpu.memory_space<vmem>>) semaphore(%arg18 : memref<!tpu.dma_semaphore, #tpu.memory_space<semaphore_mem>>) {add = true}
      %lt3A = arith.constant 79 : i32
      %lt3A_87 = arith.cmpi slt, %scan3A_56, %lt3A : i32
      %convert_element_type3A_88 = arith.extui %lt3A_87 : i1 to i32
      %cond3A_89 = arith.constant 0 : i32
      %cond3A_90 = arith.cmpi ne, %convert_element_type3A_88, %cond3A_89 : i32
      scf.if %cond3A_90 {
        %dma_wait3A_105 = arith.constant 0 : i32
        %dma_wait3A_106 = arith.constant 0 : i32
        %dma_wait3A_107 = tpu.memref_slice %arg21[%dma_wait3A_105, %dma_wait3A_106] : memref<10112x64xf32, #tpu.memory_space<vmem_shared>> -> memref<10112x64xf32, #tpu.memory_space<vmem_shared>>
        tpu.wait_indirect_dma semaphore(%arg18 : memref<!tpu.dma_semaphore, #tpu.memory_space<semaphore_mem>>) src(%arg14 : memref<128x64xf32, #tpu.memory_space<vmem>>) dst(%dma_wait3A_107 : memref<10112x64xf32, #tpu.memory_space<vmem_shared>>)
        %add3A_108 = arith.constant 2 : i32
        %add3A_109 = arith.addi %mul3A_59, %add3A_108 : i32
        %scan3A_110 = arith.constant 0 : i32
        %scan3A_111 = arith.constant 0 : i32
        %scan3A_112 = arith.constant 8 : i32
        %scan3A_113 = arith.addi %scan3A_111, %scan3A_112 : i32
        %scan3A_114 = arith.constant 1 : i32
        %scan3A_115 = scf.for %scan3A_120 = %scan3A_111 to %scan3A_113 step %scan3A_114 iter_args(%scan3A_121 = %scan3A_110) -> (i32)  : i32 {
          %mul3A_122 = arith.constant 16 : i32
          %mul3A_123 = arith.muli %scan3A_120, %mul3A_122 : i32
          %mul3A_124 = arith.constant 128 : i32
          %mul3A_125 = arith.muli %add3A_109, %mul3A_124 : i32
          %mul3A_126 = arith.constant 16 : i32
          %mul3A_127 = arith.muli %scan3A_120, %mul3A_126 : i32
          %add3A_128 = arith.addi %mul3A_125, %mul3A_127 : i32
          %get3A = arith.index_cast %add3A_128 : i32 to index
          %get3A_129 = tpu.vector_load %arg6[%get3A] {strides = array<i32>} : memref<20480xi32, #tpu.memory_space<vmem>>, vector<16xi32>,
          %and3A = arith.constant 65535 : i32
          %and3A_130 = vector.broadcast %and3A : i32 to vector<16xi32>
          %and3A_131 = arith.andi %get3A_129, %and3A_130 : vector<16xi32>
          %swap3A = arith.index_cast %mul3A_123 : i32 to index
          %swap3A_132 = tpu.vector_load %arg8[%swap3A] {strides = array<i32>} : memref<128xi32, #tpu.memory_space<vmem>>, vector<16xi32>,
          tpu.vector_store %arg8[%swap3A], %and3A_131 {strides = array<i32>} : memref<128xi32, #tpu.memory_space<vmem>>, vector<16xi32>,
          %shift_right_logical3A = arith.constant 16 : i32
          %shift_right_logical3A_133 = vector.broadcast %shift_right_logical3A : i32 to vector<16xi32>
          %shift_right_logical3A_134 = arith.shrui %get3A_129, %shift_right_logical3A_133 : vector<16xi32>
          %swap3A_135 = arith.index_cast %mul3A_123 : i32 to index
          %swap3A_136 = tpu.vector_load %arg10[%swap3A_135] {strides = array<i32>} : memref<128xi32, #tpu.memory_space<vmem>>, vector<16xi32>,
          tpu.vector_store %arg10[%swap3A_135], %shift_right_logical3A_134 {strides = array<i32>} : memref<128xi32, #tpu.memory_space<vmem>>, vector<16xi32>,
          %scan3A_137 = arith.constant 0 : i32
          scf.yield %scan3A_137 : i32
        }
        %scan3A_116 = arith.constant 8 : i32
        %dma_start3A_117 = arith.constant 0 : i32
        %dma_start3A_118 = arith.constant 0 : i32
        %dma_start3A_119 = tpu.memref_slice %arg20[%dma_start3A_117, %dma_start3A_118] : memref<10000x64xbf16, #tpu.memory_space<vmem_shared>> -> memref<10000x64xbf16, #tpu.memory_space<vmem_shared>>
        tpu.enqueue_indirect_dma source(%dma_start3A_119 : memref<10000x64xbf16, #tpu.memory_space<vmem_shared>>) target(%arg12 : memref<128x64xbf16, #tpu.memory_space<vmem>>) offsets(%arg8 : memref<128xi32, #tpu.memory_space<vmem>>) semaphore(%arg16 : memref<!tpu.dma_semaphore, #tpu.memory_space<semaphore_mem>>)
      } else {
      }
      %dma_wait3A_91 = arith.constant 0 : i32
      %dma_wait3A_92 = arith.constant 0 : i32
      %dma_wait3A_93 = tpu.memref_slice %arg20[%dma_wait3A_91, %dma_wait3A_92] : memref<10000x64xbf16, #tpu.memory_space<vmem_shared>> -> memref<10000x64xbf16, #tpu.memory_space<vmem_shared>>
      tpu.wait_indirect_dma semaphore(%arg17 : memref<!tpu.dma_semaphore, #tpu.memory_space<semaphore_mem>>) src(%dma_wait3A_93 : memref<10000x64xbf16, #tpu.memory_space<vmem_shared>>) dst(%arg13 : memref<128x64xbf16, #tpu.memory_space<vmem>>)
      %scan3A_94 = arith.constant 0 : i32
      %scan3A_95 = arith.constant 0 : i32
      %scan3A_96 = arith.constant 8 : i32
      %scan3A_97 = arith.addi %scan3A_95, %scan3A_96 : i32
      %scan3A_98 = arith.constant 1 : i32
      %scan3A_99 = scf.for %scan3A_105 = %scan3A_95 to %scan3A_97 step %scan3A_98 iter_args(%scan3A_106 = %scan3A_94) -> (i32)  : i32 {
        %mul3A_107 = arith.constant 128 : i32
        %mul3A_108 = arith.muli %add3A_61, %mul3A_107 : i32
        %mul3A_109 = arith.constant 16 : i32
        %mul3A_110 = arith.muli %scan3A_105, %mul3A_109 : i32
        %add3A_111 = arith.addi %mul3A_108, %mul3A_110 : i32
        %get3A = arith.index_cast %add3A_111 : i32 to index
        %get3A_112 = tpu.vector_load %arg7[%get3A] {strides = array<i32>} : memref<20480xf32, #tpu.memory_space<vmem>>, vector<16xf32>,
        %mul3A_113 = arith.constant 16 : i32
        %mul3A_114 = arith.muli %scan3A_105, %mul3A_113 : i32
        %add3A_115 = arith.constant 0 : i32
        %add3A_116 = arith.addi %mul3A_114, %add3A_115 : i32
        %slice3A = vector.extract_strided_slice %get3A_112 {offsets = [0], sizes = [1], strides = [1]} : vector<16xf32> to vector<1xf32>
        %squeeze3A = vector.extract %slice3A[0] : f32 from vector<1xf32>
        %get3A_117 = arith.index_cast %add3A_116 : i32 to index
        %get3A_118 = arith.constant 0 : index
        %get3A_119 = tpu.vector_load %arg13[%get3A_117, %get3A_118] {strides = array<i32>} : memref<128x64xbf16, #tpu.memory_space<vmem>>, vector<32xbf16>,
        %unpack3A = tpu.unpack_subelements %get3A_119, 0 {pack_format = #tpu.pack_format<interleaved>} : vector<32xbf16> -> vector<16xf32>
        %unpack3A_120 = tpu.unpack_subelements %get3A_119, 1 {pack_format = #tpu.pack_format<interleaved>} : vector<32xbf16> -> vector<16xf32>
        %mul3A_121 = vector.broadcast %squeeze3A : f32 to vector<16xf32>
        %mul3A_122 = arith.mulf %unpack3A, %mul3A_121 : vector<16xf32>
        %swap3A = arith.index_cast %add3A_116 : i32 to index
        %swap3A_123 = arith.constant 0 : index
        %swap3A_124 = tpu.vector_load %arg15[%swap3A, %swap3A_123] {strides = array<i32>} : memref<128x64xf32, #tpu.memory_space<vmem>>, vector<16xf32>,
        tpu.vector_store %arg15[%swap3A, %swap3A_123], %mul3A_122 {strides = array<i32>} : memref<128x64xf32, #tpu.memory_space<vmem>>, vector<16xf32>,
        %mul3A_125 = vector.broadcast %squeeze3A : f32 to vector<16xf32>
        %mul3A_126 = arith.mulf %unpack3A_120, %mul3A_125 : vector<16xf32>
        %swap3A_127 = arith.index_cast %add3A_116 : i32 to index
        %swap3A_128 = arith.constant 16 : index
        %swap3A_129 = tpu.vector_load %arg15[%swap3A_127, %swap3A_128] {strides = array<i32>} : memref<128x64xf32, #tpu.memory_space<vmem>>, vector<16xf32>,
        tpu.vector_store %arg15[%swap3A_127, %swap3A_128], %mul3A_126 {strides = array<i32>} : memref<128x64xf32, #tpu.memory_space<vmem>>, vector<16xf32>,
        %get3A_130 = arith.index_cast %add3A_116 : i32 to index
        %get3A_131 = arith.constant 32 : index
        %get3A_132 = tpu.vector_load %arg13[%get3A_130, %get3A_131] {strides = array<i32>} : memref<128x64xbf16, #tpu.memory_space<vmem>>, vector<32xbf16>,
        %unpack3A_133 = tpu.unpack_subelements %get3A_132, 0 {pack_format = #tpu.pack_format<interleaved>} : vector<32xbf16> -> vector<16xf32>
        %unpack3A_134 = tpu.unpack_subelements %get3A_132, 1 {pack_format = #tpu.pack_format<interleaved>} : vector<32xbf16> -> vector<16xf32>
        %mul3A_135 = vector.broadcast %squeeze3A : f32 to vector<16xf32>
        %mul3A_136 = arith.mulf %unpack3A_133, %mul3A_135 : vector<16xf32>
        %swap3A_137 = arith.index_cast %add3A_116 : i32 to index
        %swap3A_138 = arith.constant 32 : index
        %swap3A_139 = tpu.vector_load %arg15[%swap3A_137, %swap3A_138] {strides = array<i32>} : memref<128x64xf32, #tpu.memory_space<vmem>>, vector<16xf32>,
        tpu.vector_store %arg15[%swap3A_137, %swap3A_138], %mul3A_136 {strides = array<i32>} : memref<128x64xf32, #tpu.memory_space<vmem>>, vector<16xf32>,
        %mul3A_140 = vector.broadcast %squeeze3A : f32 to vector<16xf32>
        %mul3A_141 = arith.mulf %unpack3A_134, %mul3A_140 : vector<16xf32>
        %swap3A_142 = arith.index_cast %add3A_116 : i32 to index
        %swap3A_143 = arith.constant 48 : index
        %swap3A_144 = tpu.vector_load %arg15[%swap3A_142, %swap3A_143] {strides = array<i32>} : memref<128x64xf32, #tpu.memory_space<vmem>>, vector<16xf32>,
        tpu.vector_store %arg15[%swap3A_142, %swap3A_143], %mul3A_141 {strides = array<i32>} : memref<128x64xf32, #tpu.memory_space<vmem>>, vector<16xf32>,
        %mul3A_145 = arith.constant 16 : i32
        %mul3A_146 = arith.muli %scan3A_105, %mul3A_145 : i32
        %add3A_147 = arith.constant 1 : i32
        %add3A_148 = arith.addi %mul3A_146, %add3A_147 : i32
        %slice3A_149 = vector.extract_strided_slice %get3A_112 {offsets = [1], sizes = [1], strides = [1]} : vector<16xf32> to vector<1xf32>
        %squeeze3A_150 = vector.extract %slice3A_149[0] : f32 from vector<1xf32>
        %get3A_151 = arith.index_cast %add3A_148 : i32 to index
        %get3A_152 = arith.constant 0 : index
        %get3A_153 = tpu.vector_load %arg13[%get3A_151, %get3A_152] {strides = array<i32>} : memref<128x64xbf16, #tpu.memory_space<vmem>>, vector<32xbf16>,
        %unpack3A_154 = tpu.unpack_subelements %get3A_153, 0 {pack_format = #tpu.pack_format<interleaved>} : vector<32xbf16> -> vector<16xf32>
        %unpack3A_155 = tpu.unpack_subelements %get3A_153, 1 {pack_format = #tpu.pack_format<interleaved>} : vector<32xbf16> -> vector<16xf32>
        %mul3A_156 = vector.broadcast %squeeze3A_150 : f32 to vector<16xf32>
        %mul3A_157 = arith.mulf %unpack3A_154, %mul3A_156 : vector<16xf32>
        %swap3A_158 = arith.index_cast %add3A_148 : i32 to index
        %swap3A_159 = arith.constant 0 : index
        %swap3A_160 = tpu.vector_load %arg15[%swap3A_158, %swap3A_159] {strides = array<i32>} : memref<128x64xf32, #tpu.memory_space<vmem>>, vector<16xf32>,
        tpu.vector_store %arg15[%swap3A_158, %swap3A_159], %mul3A_157 {strides = array<i32>} : memref<128x64xf32, #tpu.memory_space<vmem>>, vector<16xf32>,
        %mul3A_161 = vector.broadcast %squeeze3A_150 : f32 to vector<16xf32>
        %mul3A_162 = arith.mulf %unpack3A_155, %mul3A_161 : vector<16xf32>
        %swap3A_163 = arith.index_cast %add3A_148 : i32 to index
        %swap3A_164 = arith.constant 16 : index
        %swap3A_165 = tpu.vector_load %arg15[%swap3A_163, %swap3A_164] {strides = array<i32>} : memref<128x64xf32, #tpu.memory_space<vmem>>, vector<16xf32>,
        tpu.vector_store %arg15[%swap3A_163, %swap3A_164], %mul3A_162 {strides = array<i32>} : memref<128x64xf32, #tpu.memory_space<vmem>>, vector<16xf32>,
        %get3A_166 = arith.index_cast %add3A_148 : i32 to index
        %get3A_167 = arith.constant 32 : index
        %get3A_168 = tpu.vector_load %arg13[%get3A_166, %get3A_167] {strides = array<i32>} : memref<128x64xbf16, #tpu.memory_space<vmem>>, vector<32xbf16>,
        %unpack3A_169 = tpu.unpack_subelements %get3A_168, 0 {pack_format = #tpu.pack_format<interleaved>} : vector<32xbf16> -> vector<16xf32>
        %unpack3A_170 = tpu.unpack_subelements %get3A_168, 1 {pack_format = #tpu.pack_format<interleaved>} : vector<32xbf16> -> vector<16xf32>
        %mul3A_171 = vector.broadcast %squeeze3A_150 : f32 to vector<16xf32>
        %mul3A_172 = arith.mulf %unpack3A_169, %mul3A_171 : vector<16xf32>
        %swap3A_173 = arith.index_cast %add3A_148 : i32 to index
        %swap3A_174 = arith.constant 32 : index
        %swap3A_175 = tpu.vector_load %arg15[%swap3A_173, %swap3A_174] {strides = array<i32>} : memref<128x64xf32, #tpu.memory_space<vmem>>, vector<16xf32>,
        tpu.vector_store %arg15[%swap3A_173, %swap3A_174], %mul3A_172 {strides = array<i32>} : memref<128x64xf32, #tpu.memory_space<vmem>>, vector<16xf32>,
        %mul3A_176 = vector.broadcast %squeeze3A_150 : f32 to vector<16xf32>
        %mul3A_177 = arith.mulf %unpack3A_170, %mul3A_176 : vector<16xf32>
        %swap3A_178 = arith.index_cast %add3A_148 : i32 to index
        %swap3A_179 = arith.constant 48 : index
        %swap3A_180 = tpu.vector_load %arg15[%swap3A_178, %swap3A_179] {strides = array<i32>} : memref<128x64xf32, #tpu.memory_space<vmem>>, vector<16xf32>,
        tpu.vector_store %arg15[%swap3A_178, %swap3A_179], %mul3A_177 {strides = array<i32>} : memref<128x64xf32, #tpu.memory_space<vmem>>, vector<16xf32>,
        %mul3A_181 = arith.constant 16 : i32
        %mul3A_182 = arith.muli %scan3A_105, %mul3A_181 : i32
        %add3A_183 = arith.constant 2 : i32
        %add3A_184 = arith.addi %mul3A_182, %add3A_183 : i32
        %slice3A_185 = vector.extract_strided_slice %get3A_112 {offsets = [2], sizes = [1], strides = [1]} : vector<16xf32> to vector<1xf32>
        %squeeze3A_186 = vector.extract %slice3A_185[0] : f32 from vector<1xf32>
        %get3A_187 = arith.index_cast %add3A_184 : i32 to index
        %get3A_188 = arith.constant 0 : index
        %get3A_189 = tpu.vector_load %arg13[%get3A_187, %get3A_188] {strides = array<i32>} : memref<128x64xbf16, #tpu.memory_space<vmem>>, vector<32xbf16>,
        %unpack3A_190 = tpu.unpack_subelements %get3A_189, 0 {pack_format = #tpu.pack_format<interleaved>} : vector<32xbf16> -> vector<16xf32>
        %unpack3A_191 = tpu.unpack_subelements %get3A_189, 1 {pack_format = #tpu.pack_format<interleaved>} : vector<32xbf16> -> vector<16xf32>
        %mul3A_192 = vector.broadcast %squeeze3A_186 : f32 to vector<16xf32>
        %mul3A_193 = arith.mulf %unpack3A_190, %mul3A_192 : vector<16xf32>
        %swap3A_194 = arith.index_cast %add3A_184 : i32 to index
        %swap3A_195 = arith.constant 0 : index
        %swap3A_196 = tpu.vector_load %arg15[%swap3A_194, %swap3A_195] {strides = array<i32>} : memref<128x64xf32, #tpu.memory_space<vmem>>, vector<16xf32>,
        tpu.vector_store %arg15[%swap3A_194, %swap3A_195], %mul3A_193 {strides = array<i32>} : memref<128x64xf32, #tpu.memory_space<vmem>>, vector<16xf32>,
        %mul3A_197 = vector.broadcast %squeeze3A_186 : f32 to vector<16xf32>
        %mul3A_198 = arith.mulf %unpack3A_191, %mul3A_197 : vector<16xf32>
        %swap3A_199 = arith.index_cast %add3A_184 : i32 to index
        %swap3A_200 = arith.constant 16 : index
        %swap3A_201 = tpu.vector_load %arg15[%swap3A_199, %swap3A_200] {strides = array<i32>} : memref<128x64xf32, #tpu.memory_space<vmem>>, vector<16xf32>,
        tpu.vector_store %arg15[%swap3A_199, %swap3A_200], %mul3A_198 {strides = array<i32>} : memref<128x64xf32, #tpu.memory_space<vmem>>, vector<16xf32>,
        %get3A_202 = arith.index_cast %add3A_184 : i32 to index
        %get3A_203 = arith.constant 32 : index
        %get3A_204 = tpu.vector_load %arg13[%get3A_202, %get3A_203] {strides = array<i32>} : memref<128x64xbf16, #tpu.memory_space<vmem>>, vector<32xbf16>,
        %unpack3A_205 = tpu.unpack_subelements %get3A_204, 0 {pack_format = #tpu.pack_format<interleaved>} : vector<32xbf16> -> vector<16xf32>
        %unpack3A_206 = tpu.unpack_subelements %get3A_204, 1 {pack_format = #tpu.pack_format<interleaved>} : vector<32xbf16> -> vector<16xf32>
        %mul3A_207 = vector.broadcast %squeeze3A_186 : f32 to vector<16xf32>
        %mul3A_208 = arith.mulf %unpack3A_205, %mul3A_207 : vector<16xf32>
        %swap3A_209 = arith.index_cast %add3A_184 : i32 to index
        %swap3A_210 = arith.constant 32 : index
        %swap3A_211 = tpu.vector_load %arg15[%swap3A_209, %swap3A_210] {strides = array<i32>} : memref<128x64xf32, #tpu.memory_space<vmem>>, vector<16xf32>,
        tpu.vector_store %arg15[%swap3A_209, %swap3A_210], %mul3A_208 {strides = array<i32>} : memref<128x64xf32, #tpu.memory_space<vmem>>, vector<16xf32>,
        %mul3A_212 = vector.broadcast %squeeze3A_186 : f32 to vector<16xf32>
        %mul3A_213 = arith.mulf %unpack3A_206, %mul3A_212 : vector<16xf32>
        %swap3A_214 = arith.index_cast %add3A_184 : i32 to index
        %swap3A_215 = arith.constant 48 : index
        %swap3A_216 = tpu.vector_load %arg15[%swap3A_214, %swap3A_215] {strides = array<i32>} : memref<128x64xf32, #tpu.memory_space<vmem>>, vector<16xf32>,
        tpu.vector_store %arg15[%swap3A_214, %swap3A_215], %mul3A_213 {strides = array<i32>} : memref<128x64xf32, #tpu.memory_space<vmem>>, vector<16xf32>,
        %mul3A_217 = arith.constant 16 : i32
        %mul3A_218 = arith.muli %scan3A_105, %mul3A_217 : i32
        %add3A_219 = arith.constant 3 : i32
        %add3A_220 = arith.addi %mul3A_218, %add3A_219 : i32
        %slice3A_221 = vector.extract_strided_slice %get3A_112 {offsets = [3], sizes = [1], strides = [1]} : vector<16xf32> to vector<1xf32>
        %squeeze3A_222 = vector.extract %slice3A_221[0] : f32 from vector<1xf32>
        %get3A_223 = arith.index_cast %add3A_220 : i32 to index
        %get3A_224 = arith.constant 0 : index
        %get3A_225 = tpu.vector_load %arg13[%get3A_223, %get3A_224] {strides = array<i32>} : memref<128x64xbf16, #tpu.memory_space<vmem>>, vector<32xbf16>,
        %unpack3A_226 = tpu.unpack_subelements %get3A_225, 0 {pack_format = #tpu.pack_format<interleaved>} : vector<32xbf16> -> vector<16xf32>
        %unpack3A_227 = tpu.unpack_subelements %get3A_225, 1 {pack_format = #tpu.pack_format<interleaved>} : vector<32xbf16> -> vector<16xf32>
        %mul3A_228 = vector.broadcast %squeeze3A_222 : f32 to vector<16xf32>
        %mul3A_229 = arith.mulf %unpack3A_226, %mul3A_228 : vector<16xf32>
        %swap3A_230 = arith.index_cast %add3A_220 : i32 to index
        %swap3A_231 = arith.constant 0 : index
        %swap3A_232 = tpu.vector_load %arg15[%swap3A_230, %swap3A_231] {strides = array<i32>} : memref<128x64xf32, #tpu.memory_space<vmem>>, vector<16xf32>,
        tpu.vector_store %arg15[%swap3A_230, %swap3A_231], %mul3A_229 {strides = array<i32>} : memref<128x64xf32, #tpu.memory_space<vmem>>, vector<16xf32>,
        %mul3A_233 = vector.broadcast %squeeze3A_222 : f32 to vector<16xf32>
        %mul3A_234 = arith.mulf %unpack3A_227, %mul3A_233 : vector<16xf32>
        %swap3A_235 = arith.index_cast %add3A_220 : i32 to index
        %swap3A_236 = arith.constant 16 : index
        %swap3A_237 = tpu.vector_load %arg15[%swap3A_235, %swap3A_236] {strides = array<i32>} : memref<128x64xf32, #tpu.memory_space<vmem>>, vector<16xf32>,
        tpu.vector_store %arg15[%swap3A_235, %swap3A_236], %mul3A_234 {strides = array<i32>} : memref<128x64xf32, #tpu.memory_space<vmem>>, vector<16xf32>,
        %get3A_238 = arith.index_cast %add3A_220 : i32 to index
        %get3A_239 = arith.constant 32 : index
        %get3A_240 = tpu.vector_load %arg13[%get3A_238, %get3A_239] {strides = array<i32>} : memref<128x64xbf16, #tpu.memory_space<vmem>>, vector<32xbf16>,
        %unpack3A_241 = tpu.unpack_subelements %get3A_240, 0 {pack_format = #tpu.pack_format<interleaved>} : vector<32xbf16> -> vector<16xf32>
        %unpack3A_242 = tpu.unpack_subelements %get3A_240, 1 {pack_format = #tpu.pack_format<interleaved>} : vector<32xbf16> -> vector<16xf32>
        %mul3A_243 = vector.broadcast %squeeze3A_222 : f32 to vector<16xf32>
        %mul3A_244 = arith.mulf %unpack3A_241, %mul3A_243 : vector<16xf32>
        %swap3A_245 = arith.index_cast %add3A_220 : i32 to index
        %swap3A_246 = arith.constant 32 : index
        %swap3A_247 = tpu.vector_load %arg15[%swap3A_245, %swap3A_246] {strides = array<i32>} : memref<128x64xf32, #tpu.memory_space<vmem>>, vector<16xf32>,
        tpu.vector_store %arg15[%swap3A_245, %swap3A_246], %mul3A_244 {strides = array<i32>} : memref<128x64xf32, #tpu.memory_space<vmem>>, vector<16xf32>,
        %mul3A_248 = vector.broadcast %squeeze3A_222 : f32 to vector<16xf32>
        %mul3A_249 = arith.mulf %unpack3A_242, %mul3A_248 : vector<16xf32>
        %swap3A_250 = arith.index_cast %add3A_220 : i32 to index
        %swap3A_251 = arith.constant 48 : index
        %swap3A_252 = tpu.vector_load %arg15[%swap3A_250, %swap3A_251] {strides = array<i32>} : memref<128x64xf32, #tpu.memory_space<vmem>>, vector<16xf32>,
        tpu.vector_store %arg15[%swap3A_250, %swap3A_251], %mul3A_249 {strides = array<i32>} : memref<128x64xf32, #tpu.memory_space<vmem>>, vector<16xf32>,
        %mul3A_253 = arith.constant 16 : i32
        %mul3A_254 = arith.muli %scan3A_105, %mul3A_253 : i32
        %add3A_255 = arith.constant 4 : i32
        %add3A_256 = arith.addi %mul3A_254, %add3A_255 : i32
        %slice3A_257 = vector.extract_strided_slice %get3A_112 {offsets = [4], sizes = [1], strides = [1]} : vector<16xf32> to vector<1xf32>
        %squeeze3A_258 = vector.extract %slice3A_257[0] : f32 from vector<1xf32>
        %get3A_259 = arith.index_cast %add3A_256 : i32 to index
        %get3A_260 = arith.constant 0 : index
        %get3A_261 = tpu.vector_load %arg13[%get3A_259, %get3A_260] {strides = array<i32>} : memref<128x64xbf16, #tpu.memory_space<vmem>>, vector<32xbf16>,
        %unpack3A_262 = tpu.unpack_subelements %get3A_261, 0 {pack_format = #tpu.pack_format<interleaved>} : vector<32xbf16> -> vector<16xf32>
        %unpack3A_263 = tpu.unpack_subelements %get3A_261, 1 {pack_format = #tpu.pack_format<interleaved>} : vector<32xbf16> -> vector<16xf32>
        %mul3A_264 = vector.broadcast %squeeze3A_258 : f32 to vector<16xf32>
        %mul3A_265 = arith.mulf %unpack3A_262, %mul3A_264 : vector<16xf32>
        %swap3A_266 = arith.index_cast %add3A_256 : i32 to index
        %swap3A_267 = arith.constant 0 : index
        %swap3A_268 = tpu.vector_load %arg15[%swap3A_266, %swap3A_267] {strides = array<i32>} : memref<128x64xf32, #tpu.memory_space<vmem>>, vector<16xf32>,
        tpu.vector_store %arg15[%swap3A_266, %swap3A_267], %mul3A_265 {strides = array<i32>} : memref<128x64xf32, #tpu.memory_space<vmem>>, vector<16xf32>,
        %mul3A_269 = vector.broadcast %squeeze3A_258 : f32 to vector<16xf32>
        %mul3A_270 = arith.mulf %unpack3A_263, %mul3A_269 : vector<16xf32>
        %swap3A_271 = arith.index_cast %add3A_256 : i32 to index
        %swap3A_272 = arith.constant 16 : index
        %swap3A_273 = tpu.vector_load %arg15[%swap3A_271, %swap3A_272] {strides = array<i32>} : memref<128x64xf32, #tpu.memory_space<vmem>>, vector<16xf32>,
        tpu.vector_store %arg15[%swap3A_271, %swap3A_272], %mul3A_270 {strides = array<i32>} : memref<128x64xf32, #tpu.memory_space<vmem>>, vector<16xf32>,
        %get3A_274 = arith.index_cast %add3A_256 : i32 to index
        %get3A_275 = arith.constant 32 : index
        %get3A_276 = tpu.vector_load %arg13[%get3A_274, %get3A_275] {strides = array<i32>} : memref<128x64xbf16, #tpu.memory_space<vmem>>, vector<32xbf16>,
        %unpack3A_277 = tpu.unpack_subelements %get3A_276, 0 {pack_format = #tpu.pack_format<interleaved>} : vector<32xbf16> -> vector<16xf32>
        %unpack3A_278 = tpu.unpack_subelements %get3A_276, 1 {pack_format = #tpu.pack_format<interleaved>} : vector<32xbf16> -> vector<16xf32>
        %mul3A_279 = vector.broadcast %squeeze3A_258 : f32 to vector<16xf32>
        %mul3A_280 = arith.mulf %unpack3A_277, %mul3A_279 : vector<16xf32>
        %swap3A_281 = arith.index_cast %add3A_256 : i32 to index
        %swap3A_282 = arith.constant 32 : index
        %swap3A_283 = tpu.vector_load %arg15[%swap3A_281, %swap3A_282] {strides = array<i32>} : memref<128x64xf32, #tpu.memory_space<vmem>>, vector<16xf32>,
        tpu.vector_store %arg15[%swap3A_281, %swap3A_282], %mul3A_280 {strides = array<i32>} : memref<128x64xf32, #tpu.memory_space<vmem>>, vector<16xf32>,
        %mul3A_284 = vector.broadcast %squeeze3A_258 : f32 to vector<16xf32>
        %mul3A_285 = arith.mulf %unpack3A_278, %mul3A_284 : vector<16xf32>
        %swap3A_286 = arith.index_cast %add3A_256 : i32 to index
        %swap3A_287 = arith.constant 48 : index
        %swap3A_288 = tpu.vector_load %arg15[%swap3A_286, %swap3A_287] {strides = array<i32>} : memref<128x64xf32, #tpu.memory_space<vmem>>, vector<16xf32>,
        tpu.vector_store %arg15[%swap3A_286, %swap3A_287], %mul3A_285 {strides = array<i32>} : memref<128x64xf32, #tpu.memory_space<vmem>>, vector<16xf32>,
        %mul3A_289 = arith.constant 16 : i32
        %mul3A_290 = arith.muli %scan3A_105, %mul3A_289 : i32
        %add3A_291 = arith.constant 5 : i32
        %add3A_292 = arith.addi %mul3A_290, %add3A_291 : i32
        %slice3A_293 = vector.extract_strided_slice %get3A_112 {offsets = [5], sizes = [1], strides = [1]} : vector<16xf32> to vector<1xf32>
        %squeeze3A_294 = vector.extract %slice3A_293[0] : f32 from vector<1xf32>
        %get3A_295 = arith.index_cast %add3A_292 : i32 to index
        %get3A_296 = arith.constant 0 : index
        %get3A_297 = tpu.vector_load %arg13[%get3A_295, %get3A_296] {strides = array<i32>} : memref<128x64xbf16, #tpu.memory_space<vmem>>, vector<32xbf16>,
        %unpack3A_298 = tpu.unpack_subelements %get3A_297, 0 {pack_format = #tpu.pack_format<interleaved>} : vector<32xbf16> -> vector<16xf32>
        %unpack3A_299 = tpu.unpack_subelements %get3A_297, 1 {pack_format = #tpu.pack_format<interleaved>} : vector<32xbf16> -> vector<16xf32>
        %mul3A_300 = vector.broadcast %squeeze3A_294 : f32 to vector<16xf32>
        %mul3A_301 = arith.mulf %unpack3A_298, %mul3A_300 : vector<16xf32>
        %swap3A_302 = arith.index_cast %add3A_292 : i32 to index
        %swap3A_303 = arith.constant 0 : index
        %swap3A_304 = tpu.vector_load %arg15[%swap3A_302, %swap3A_303] {strides = array<i32>} : memref<128x64xf32, #tpu.memory_space<vmem>>, vector<16xf32>,
        tpu.vector_store %arg15[%swap3A_302, %swap3A_303], %mul3A_301 {strides = array<i32>} : memref<128x64xf32, #tpu.memory_space<vmem>>, vector<16xf32>,
        %mul3A_305 = vector.broadcast %squeeze3A_294 : f32 to vector<16xf32>
        %mul3A_306 = arith.mulf %unpack3A_299, %mul3A_305 : vector<16xf32>
        %swap3A_307 = arith.index_cast %add3A_292 : i32 to index
        %swap3A_308 = arith.constant 16 : index
        %swap3A_309 = tpu.vector_load %arg15[%swap3A_307, %swap3A_308] {strides = array<i32>} : memref<128x64xf32, #tpu.memory_space<vmem>>, vector<16xf32>,
        tpu.vector_store %arg15[%swap3A_307, %swap3A_308], %mul3A_306 {strides = array<i32>} : memref<128x64xf32, #tpu.memory_space<vmem>>, vector<16xf32>,
        %get3A_310 = arith.index_cast %add3A_292 : i32 to index
        %get3A_311 = arith.constant 32 : index
        %get3A_312 = tpu.vector_load %arg13[%get3A_310, %get3A_311] {strides = array<i32>} : memref<128x64xbf16, #tpu.memory_space<vmem>>, vector<32xbf16>,
        %unpack3A_313 = tpu.unpack_subelements %get3A_312, 0 {pack_format = #tpu.pack_format<interleaved>} : vector<32xbf16> -> vector<16xf32>
        %unpack3A_314 = tpu.unpack_subelements %get3A_312, 1 {pack_format = #tpu.pack_format<interleaved>} : vector<32xbf16> -> vector<16xf32>
        %mul3A_315 = vector.broadcast %squeeze3A_294 : f32 to vector<16xf32>
        %mul3A_316 = arith.mulf %unpack3A_313, %mul3A_315 : vector<16xf32>
        %swap3A_317 = arith.index_cast %add3A_292 : i32 to index
        %swap3A_318 = arith.constant 32 : index
        %swap3A_319 = tpu.vector_load %arg15[%swap3A_317, %swap3A_318] {strides = array<i32>} : memref<128x64xf32, #tpu.memory_space<vmem>>, vector<16xf32>,
        tpu.vector_store %arg15[%swap3A_317, %swap3A_318], %mul3A_316 {strides = array<i32>} : memref<128x64xf32, #tpu.memory_space<vmem>>, vector<16xf32>,
        %mul3A_320 = vector.broadcast %squeeze3A_294 : f32 to vector<16xf32>
        %mul3A_321 = arith.mulf %unpack3A_314, %mul3A_320 : vector<16xf32>
        %swap3A_322 = arith.index_cast %add3A_292 : i32 to index
        %swap3A_323 = arith.constant 48 : index
        %swap3A_324 = tpu.vector_load %arg15[%swap3A_322, %swap3A_323] {strides = array<i32>} : memref<128x64xf32, #tpu.memory_space<vmem>>, vector<16xf32>,
        tpu.vector_store %arg15[%swap3A_322, %swap3A_323], %mul3A_321 {strides = array<i32>} : memref<128x64xf32, #tpu.memory_space<vmem>>, vector<16xf32>,
        %mul3A_325 = arith.constant 16 : i32
        %mul3A_326 = arith.muli %scan3A_105, %mul3A_325 : i32
        %add3A_327 = arith.constant 6 : i32
        %add3A_328 = arith.addi %mul3A_326, %add3A_327 : i32
        %slice3A_329 = vector.extract_strided_slice %get3A_112 {offsets = [6], sizes = [1], strides = [1]} : vector<16xf32> to vector<1xf32>
        %squeeze3A_330 = vector.extract %slice3A_329[0] : f32 from vector<1xf32>
        %get3A_331 = arith.index_cast %add3A_328 : i32 to index
        %get3A_332 = arith.constant 0 : index
        %get3A_333 = tpu.vector_load %arg13[%get3A_331, %get3A_332] {strides = array<i32>} : memref<128x64xbf16, #tpu.memory_space<vmem>>, vector<32xbf16>,
        %unpack3A_334 = tpu.unpack_subelements %get3A_333, 0 {pack_format = #tpu.pack_format<interleaved>} : vector<32xbf16> -> vector<16xf32>
        %unpack3A_335 = tpu.unpack_subelements %get3A_333, 1 {pack_format = #tpu.pack_format<interleaved>} : vector<32xbf16> -> vector<16xf32>
        %mul3A_336 = vector.broadcast %squeeze3A_330 : f32 to vector<16xf32>
        %mul3A_337 = arith.mulf %unpack3A_334, %mul3A_336 : vector<16xf32>
        %swap3A_338 = arith.index_cast %add3A_328 : i32 to index
        %swap3A_339 = arith.constant 0 : index
        %swap3A_340 = tpu.vector_load %arg15[%swap3A_338, %swap3A_339] {strides = array<i32>} : memref<128x64xf32, #tpu.memory_space<vmem>>, vector<16xf32>,
        tpu.vector_store %arg15[%swap3A_338, %swap3A_339], %mul3A_337 {strides = array<i32>} : memref<128x64xf32, #tpu.memory_space<vmem>>, vector<16xf32>,
        %mul3A_341 = vector.broadcast %squeeze3A_330 : f32 to vector<16xf32>
        %mul3A_342 = arith.mulf %unpack3A_335, %mul3A_341 : vector<16xf32>
        %swap3A_343 = arith.index_cast %add3A_328 : i32 to index
        %swap3A_344 = arith.constant 16 : index
        %swap3A_345 = tpu.vector_load %arg15[%swap3A_343, %swap3A_344] {strides = array<i32>} : memref<128x64xf32, #tpu.memory_space<vmem>>, vector<16xf32>,
        tpu.vector_store %arg15[%swap3A_343, %swap3A_344], %mul3A_342 {strides = array<i32>} : memref<128x64xf32, #tpu.memory_space<vmem>>, vector<16xf32>,
        %get3A_346 = arith.index_cast %add3A_328 : i32 to index
        %get3A_347 = arith.constant 32 : index
        %get3A_348 = tpu.vector_load %arg13[%get3A_346, %get3A_347] {strides = array<i32>} : memref<128x64xbf16, #tpu.memory_space<vmem>>, vector<32xbf16>,
        %unpack3A_349 = tpu.unpack_subelements %get3A_348, 0 {pack_format = #tpu.pack_format<interleaved>} : vector<32xbf16> -> vector<16xf32>
        %unpack3A_350 = tpu.unpack_subelements %get3A_348, 1 {pack_format = #tpu.pack_format<interleaved>} : vector<32xbf16> -> vector<16xf32>
        %mul3A_351 = vector.broadcast %squeeze3A_330 : f32 to vector<16xf32>
        %mul3A_352 = arith.mulf %unpack3A_349, %mul3A_351 : vector<16xf32>
        %swap3A_353 = arith.index_cast %add3A_328 : i32 to index
        %swap3A_354 = arith.constant 32 : index
        %swap3A_355 = tpu.vector_load %arg15[%swap3A_353, %swap3A_354] {strides = array<i32>} : memref<128x64xf32, #tpu.memory_space<vmem>>, vector<16xf32>,
        tpu.vector_store %arg15[%swap3A_353, %swap3A_354], %mul3A_352 {strides = array<i32>} : memref<128x64xf32, #tpu.memory_space<vmem>>, vector<16xf32>,
        %mul3A_356 = vector.broadcast %squeeze3A_330 : f32 to vector<16xf32>
        %mul3A_357 = arith.mulf %unpack3A_350, %mul3A_356 : vector<16xf32>
        %swap3A_358 = arith.index_cast %add3A_328 : i32 to index
        %swap3A_359 = arith.constant 48 : index
        %swap3A_360 = tpu.vector_load %arg15[%swap3A_358, %swap3A_359] {strides = array<i32>} : memref<128x64xf32, #tpu.memory_space<vmem>>, vector<16xf32>,
        tpu.vector_store %arg15[%swap3A_358, %swap3A_359], %mul3A_357 {strides = array<i32>} : memref<128x64xf32, #tpu.memory_space<vmem>>, vector<16xf32>,
        %mul3A_361 = arith.constant 16 : i32
        %mul3A_362 = arith.muli %scan3A_105, %mul3A_361 : i32
        %add3A_363 = arith.constant 7 : i32
        %add3A_364 = arith.addi %mul3A_362, %add3A_363 : i32
        %slice3A_365 = vector.extract_strided_slice %get3A_112 {offsets = [7], sizes = [1], strides = [1]} : vector<16xf32> to vector<1xf32>
        %squeeze3A_366 = vector.extract %slice3A_365[0] : f32 from vector<1xf32>
        %get3A_367 = arith.index_cast %add3A_364 : i32 to index
        %get3A_368 = arith.constant 0 : index
        %get3A_369 = tpu.vector_load %arg13[%get3A_367, %get3A_368] {strides = array<i32>} : memref<128x64xbf16, #tpu.memory_space<vmem>>, vector<32xbf16>,
        %unpack3A_370 = tpu.unpack_subelements %get3A_369, 0 {pack_format = #tpu.pack_format<interleaved>} : vector<32xbf16> -> vector<16xf32>
        %unpack3A_371 = tpu.unpack_subelements %get3A_369, 1 {pack_format = #tpu.pack_format<interleaved>} : vector<32xbf16> -> vector<16xf32>
        %mul3A_372 = vector.broadcast %squeeze3A_366 : f32 to vector<16xf32>
        %mul3A_373 = arith.mulf %unpack3A_370, %mul3A_372 : vector<16xf32>
        %swap3A_374 = arith.index_cast %add3A_364 : i32 to index
        %swap3A_375 = arith.constant 0 : index
        %swap3A_376 = tpu.vector_load %arg15[%swap3A_374, %swap3A_375] {strides = array<i32>} : memref<128x64xf32, #tpu.memory_space<vmem>>, vector<16xf32>,
        tpu.vector_store %arg15[%swap3A_374, %swap3A_375], %mul3A_373 {strides = array<i32>} : memref<128x64xf32, #tpu.memory_space<vmem>>, vector<16xf32>,
        %mul3A_377 = vector.broadcast %squeeze3A_366 : f32 to vector<16xf32>
        %mul3A_378 = arith.mulf %unpack3A_371, %mul3A_377 : vector<16xf32>
        %swap3A_379 = arith.index_cast %add3A_364 : i32 to index
        %swap3A_380 = arith.constant 16 : index
        %swap3A_381 = tpu.vector_load %arg15[%swap3A_379, %swap3A_380] {strides = array<i32>} : memref<128x64xf32, #tpu.memory_space<vmem>>, vector<16xf32>,
        tpu.vector_store %arg15[%swap3A_379, %swap3A_380], %mul3A_378 {strides = array<i32>} : memref<128x64xf32, #tpu.memory_space<vmem>>, vector<16xf32>,
        %get3A_382 = arith.index_cast %add3A_364 : i32 to index
        %get3A_383 = arith.constant 32 : index
        %get3A_384 = tpu.vector_load %arg13[%get3A_382, %get3A_383] {strides = array<i32>} : memref<128x64xbf16, #tpu.memory_space<vmem>>, vector<32xbf16>,
        %unpack3A_385 = tpu.unpack_subelements %get3A_384, 0 {pack_format = #tpu.pack_format<interleaved>} : vector<32xbf16> -> vector<16xf32>
        %unpack3A_386 = tpu.unpack_subelements %get3A_384, 1 {pack_format = #tpu.pack_format<interleaved>} : vector<32xbf16> -> vector<16xf32>
        %mul3A_387 = vector.broadcast %squeeze3A_366 : f32 to vector<16xf32>
        %mul3A_388 = arith.mulf %unpack3A_385, %mul3A_387 : vector<16xf32>
        %swap3A_389 = arith.index_cast %add3A_364 : i32 to index
        %swap3A_390 = arith.constant 32 : index
        %swap3A_391 = tpu.vector_load %arg15[%swap3A_389, %swap3A_390] {strides = array<i32>} : memref<128x64xf32, #tpu.memory_space<vmem>>, vector<16xf32>,
        tpu.vector_store %arg15[%swap3A_389, %swap3A_390], %mul3A_388 {strides = array<i32>} : memref<128x64xf32, #tpu.memory_space<vmem>>, vector<16xf32>,
        %mul3A_392 = vector.broadcast %squeeze3A_366 : f32 to vector<16xf32>
        %mul3A_393 = arith.mulf %unpack3A_386, %mul3A_392 : vector<16xf32>
        %swap3A_394 = arith.index_cast %add3A_364 : i32 to index
        %swap3A_395 = arith.constant 48 : index
        %swap3A_396 = tpu.vector_load %arg15[%swap3A_394, %swap3A_395] {strides = array<i32>} : memref<128x64xf32, #tpu.memory_space<vmem>>, vector<16xf32>,
        tpu.vector_store %arg15[%swap3A_394, %swap3A_395], %mul3A_393 {strides = array<i32>} : memref<128x64xf32, #tpu.memory_space<vmem>>, vector<16xf32>,
        %mul3A_397 = arith.constant 16 : i32
        %mul3A_398 = arith.muli %scan3A_105, %mul3A_397 : i32
        %add3A_399 = arith.constant 8 : i32
        %add3A_400 = arith.addi %mul3A_398, %add3A_399 : i32
        %slice3A_401 = vector.extract_strided_slice %get3A_112 {offsets = [8], sizes = [1], strides = [1]} : vector<16xf32> to vector<1xf32>
        %squeeze3A_402 = vector.extract %slice3A_401[0] : f32 from vector<1xf32>
        %get3A_403 = arith.index_cast %add3A_400 : i32 to index
        %get3A_404 = arith.constant 0 : index
        %get3A_405 = tpu.vector_load %arg13[%get3A_403, %get3A_404] {strides = array<i32>} : memref<128x64xbf16, #tpu.memory_space<vmem>>, vector<32xbf16>,
        %unpack3A_406 = tpu.unpack_subelements %get3A_405, 0 {pack_format = #tpu.pack_format<interleaved>} : vector<32xbf16> -> vector<16xf32>
        %unpack3A_407 = tpu.unpack_subelements %get3A_405, 1 {pack_format = #tpu.pack_format<interleaved>} : vector<32xbf16> -> vector<16xf32>
        %mul3A_408 = vector.broadcast %squeeze3A_402 : f32 to vector<16xf32>
        %mul3A_409 = arith.mulf %unpack3A_406, %mul3A_408 : vector<16xf32>
        %swap3A_410 = arith.index_cast %add3A_400 : i32 to index
        %swap3A_411 = arith.constant 0 : index
        %swap3A_412 = tpu.vector_load %arg15[%swap3A_410, %swap3A_411] {strides = array<i32>} : memref<128x64xf32, #tpu.memory_space<vmem>>, vector<16xf32>,
        tpu.vector_store %arg15[%swap3A_410, %swap3A_411], %mul3A_409 {strides = array<i32>} : memref<128x64xf32, #tpu.memory_space<vmem>>, vector<16xf32>,
        %mul3A_413 = vector.broadcast %squeeze3A_402 : f32 to vector<16xf32>
        %mul3A_414 = arith.mulf %unpack3A_407, %mul3A_413 : vector<16xf32>
        %swap3A_415 = arith.index_cast %add3A_400 : i32 to index
        %swap3A_416 = arith.constant 16 : index
        %swap3A_417 = tpu.vector_load %arg15[%swap3A_415, %swap3A_416] {strides = array<i32>} : memref<128x64xf32, #tpu.memory_space<vmem>>, vector<16xf32>,
        tpu.vector_store %arg15[%swap3A_415, %swap3A_416], %mul3A_414 {strides = array<i32>} : memref<128x64xf32, #tpu.memory_space<vmem>>, vector<16xf32>,
        %get3A_418 = arith.index_cast %add3A_400 : i32 to index
        %get3A_419 = arith.constant 32 : index
        %get3A_420 = tpu.vector_load %arg13[%get3A_418, %get3A_419] {strides = array<i32>} : memref<128x64xbf16, #tpu.memory_space<vmem>>, vector<32xbf16>,
        %unpack3A_421 = tpu.unpack_subelements %get3A_420, 0 {pack_format = #tpu.pack_format<interleaved>} : vector<32xbf16> -> vector<16xf32>
        %unpack3A_422 = tpu.unpack_subelements %get3A_420, 1 {pack_format = #tpu.pack_format<interleaved>} : vector<32xbf16> -> vector<16xf32>
        %mul3A_423 = vector.broadcast %squeeze3A_402 : f32 to vector<16xf32>
        %mul3A_424 = arith.mulf %unpack3A_421, %mul3A_423 : vector<16xf32>
        %swap3A_425 = arith.index_cast %add3A_400 : i32 to index
        %swap3A_426 = arith.constant 32 : index
        %swap3A_427 = tpu.vector_load %arg15[%swap3A_425, %swap3A_426] {strides = array<i32>} : memref<128x64xf32, #tpu.memory_space<vmem>>, vector<16xf32>,
        tpu.vector_store %arg15[%swap3A_425, %swap3A_426], %mul3A_424 {strides = array<i32>} : memref<128x64xf32, #tpu.memory_space<vmem>>, vector<16xf32>,
        %mul3A_428 = vector.broadcast %squeeze3A_402 : f32 to vector<16xf32>
        %mul3A_429 = arith.mulf %unpack3A_422, %mul3A_428 : vector<16xf32>
        %swap3A_430 = arith.index_cast %add3A_400 : i32 to index
        %swap3A_431 = arith.constant 48 : index
        %swap3A_432 = tpu.vector_load %arg15[%swap3A_430, %swap3A_431] {strides = array<i32>} : memref<128x64xf32, #tpu.memory_space<vmem>>, vector<16xf32>,
        tpu.vector_store %arg15[%swap3A_430, %swap3A_431], %mul3A_429 {strides = array<i32>} : memref<128x64xf32, #tpu.memory_space<vmem>>, vector<16xf32>,
        %mul3A_433 = arith.constant 16 : i32
        %mul3A_434 = arith.muli %scan3A_105, %mul3A_433 : i32
        %add3A_435 = arith.constant 9 : i32
        %add3A_436 = arith.addi %mul3A_434, %add3A_435 : i32
        %slice3A_437 = vector.extract_strided_slice %get3A_112 {offsets = [9], sizes = [1], strides = [1]} : vector<16xf32> to vector<1xf32>
        %squeeze3A_438 = vector.extract %slice3A_437[0] : f32 from vector<1xf32>
        %get3A_439 = arith.index_cast %add3A_436 : i32 to index
        %get3A_440 = arith.constant 0 : index
        %get3A_441 = tpu.vector_load %arg13[%get3A_439, %get3A_440] {strides = array<i32>} : memref<128x64xbf16, #tpu.memory_space<vmem>>, vector<32xbf16>,
        %unpack3A_442 = tpu.unpack_subelements %get3A_441, 0 {pack_format = #tpu.pack_format<interleaved>} : vector<32xbf16> -> vector<16xf32>
        %unpack3A_443 = tpu.unpack_subelements %get3A_441, 1 {pack_format = #tpu.pack_format<interleaved>} : vector<32xbf16> -> vector<16xf32>
        %mul3A_444 = vector.broadcast %squeeze3A_438 : f32 to vector<16xf32>
        %mul3A_445 = arith.mulf %unpack3A_442, %mul3A_444 : vector<16xf32>
        %swap3A_446 = arith.index_cast %add3A_436 : i32 to index
        %swap3A_447 = arith.constant 0 : index
        %swap3A_448 = tpu.vector_load %arg15[%swap3A_446, %swap3A_447] {strides = array<i32>} : memref<128x64xf32, #tpu.memory_space<vmem>>, vector<16xf32>,
        tpu.vector_store %arg15[%swap3A_446, %swap3A_447], %mul3A_445 {strides = array<i32>} : memref<128x64xf32, #tpu.memory_space<vmem>>, vector<16xf32>,
        %mul3A_449 = vector.broadcast %squeeze3A_438 : f32 to vector<16xf32>
        %mul3A_450 = arith.mulf %unpack3A_443, %mul3A_449 : vector<16xf32>
        %swap3A_451 = arith.index_cast %add3A_436 : i32 to index
        %swap3A_452 = arith.constant 16 : index
        %swap3A_453 = tpu.vector_load %arg15[%swap3A_451, %swap3A_452] {strides = array<i32>} : memref<128x64xf32, #tpu.memory_space<vmem>>, vector<16xf32>,
        tpu.vector_store %arg15[%swap3A_451, %swap3A_452], %mul3A_450 {strides = array<i32>} : memref<128x64xf32, #tpu.memory_space<vmem>>, vector<16xf32>,
        %get3A_454 = arith.index_cast %add3A_436 : i32 to index
        %get3A_455 = arith.constant 32 : index
        %get3A_456 = tpu.vector_load %arg13[%get3A_454, %get3A_455] {strides = array<i32>} : memref<128x64xbf16, #tpu.memory_space<vmem>>, vector<32xbf16>,
        %unpack3A_457 = tpu.unpack_subelements %get3A_456, 0 {pack_format = #tpu.pack_format<interleaved>} : vector<32xbf16> -> vector<16xf32>
        %unpack3A_458 = tpu.unpack_subelements %get3A_456, 1 {pack_format = #tpu.pack_format<interleaved>} : vector<32xbf16> -> vector<16xf32>
        %mul3A_459 = vector.broadcast %squeeze3A_438 : f32 to vector<16xf32>
        %mul3A_460 = arith.mulf %unpack3A_457, %mul3A_459 : vector<16xf32>
        %swap3A_461 = arith.index_cast %add3A_436 : i32 to index
        %swap3A_462 = arith.constant 32 : index
        %swap3A_463 = tpu.vector_load %arg15[%swap3A_461, %swap3A_462] {strides = array<i32>} : memref<128x64xf32, #tpu.memory_space<vmem>>, vector<16xf32>,
        tpu.vector_store %arg15[%swap3A_461, %swap3A_462], %mul3A_460 {strides = array<i32>} : memref<128x64xf32, #tpu.memory_space<vmem>>, vector<16xf32>,
        %mul3A_464 = vector.broadcast %squeeze3A_438 : f32 to vector<16xf32>
        %mul3A_465 = arith.mulf %unpack3A_458, %mul3A_464 : vector<16xf32>
        %swap3A_466 = arith.index_cast %add3A_436 : i32 to index
        %swap3A_467 = arith.constant 48 : index
        %swap3A_468 = tpu.vector_load %arg15[%swap3A_466, %swap3A_467] {strides = array<i32>} : memref<128x64xf32, #tpu.memory_space<vmem>>, vector<16xf32>,
        tpu.vector_store %arg15[%swap3A_466, %swap3A_467], %mul3A_465 {strides = array<i32>} : memref<128x64xf32, #tpu.memory_space<vmem>>, vector<16xf32>,
        %mul3A_469 = arith.constant 16 : i32
        %mul3A_470 = arith.muli %scan3A_105, %mul3A_469 : i32
        %add3A_471 = arith.constant 10 : i32
        %add3A_472 = arith.addi %mul3A_470, %add3A_471 : i32
        %slice3A_473 = vector.extract_strided_slice %get3A_112 {offsets = [10], sizes = [1], strides = [1]} : vector<16xf32> to vector<1xf32>
        %squeeze3A_474 = vector.extract %slice3A_473[0] : f32 from vector<1xf32>
        %get3A_475 = arith.index_cast %add3A_472 : i32 to index
        %get3A_476 = arith.constant 0 : index
        %get3A_477 = tpu.vector_load %arg13[%get3A_475, %get3A_476] {strides = array<i32>} : memref<128x64xbf16, #tpu.memory_space<vmem>>, vector<32xbf16>,
        %unpack3A_478 = tpu.unpack_subelements %get3A_477, 0 {pack_format = #tpu.pack_format<interleaved>} : vector<32xbf16> -> vector<16xf32>
        %unpack3A_479 = tpu.unpack_subelements %get3A_477, 1 {pack_format = #tpu.pack_format<interleaved>} : vector<32xbf16> -> vector<16xf32>
        %mul3A_480 = vector.broadcast %squeeze3A_474 : f32 to vector<16xf32>
        %mul3A_481 = arith.mulf %unpack3A_478, %mul3A_480 : vector<16xf32>
        %swap3A_482 = arith.index_cast %add3A_472 : i32 to index
        %swap3A_483 = arith.constant 0 : index
        %swap3A_484 = tpu.vector_load %arg15[%swap3A_482, %swap3A_483] {strides = array<i32>} : memref<128x64xf32, #tpu.memory_space<vmem>>, vector<16xf32>,
        tpu.vector_store %arg15[%swap3A_482, %swap3A_483], %mul3A_481 {strides = array<i32>} : memref<128x64xf32, #tpu.memory_space<vmem>>, vector<16xf32>,
        %mul3A_485 = vector.broadcast %squeeze3A_474 : f32 to vector<16xf32>
        %mul3A_486 = arith.mulf %unpack3A_479, %mul3A_485 : vector<16xf32>
        %swap3A_487 = arith.index_cast %add3A_472 : i32 to index
        %swap3A_488 = arith.constant 16 : index
        %swap3A_489 = tpu.vector_load %arg15[%swap3A_487, %swap3A_488] {strides = array<i32>} : memref<128x64xf32, #tpu.memory_space<vmem>>, vector<16xf32>,
        tpu.vector_store %arg15[%swap3A_487, %swap3A_488], %mul3A_486 {strides = array<i32>} : memref<128x64xf32, #tpu.memory_space<vmem>>, vector<16xf32>,
        %get3A_490 = arith.index_cast %add3A_472 : i32 to index
        %get3A_491 = arith.constant 32 : index
        %get3A_492 = tpu.vector_load %arg13[%get3A_490, %get3A_491] {strides = array<i32>} : memref<128x64xbf16, #tpu.memory_space<vmem>>, vector<32xbf16>,
        %unpack3A_493 = tpu.unpack_subelements %get3A_492, 0 {pack_format = #tpu.pack_format<interleaved>} : vector<32xbf16> -> vector<16xf32>
        %unpack3A_494 = tpu.unpack_subelements %get3A_492, 1 {pack_format = #tpu.pack_format<interleaved>} : vector<32xbf16> -> vector<16xf32>
        %mul3A_495 = vector.broadcast %squeeze3A_474 : f32 to vector<16xf32>
        %mul3A_496 = arith.mulf %unpack3A_493, %mul3A_495 : vector<16xf32>
        %swap3A_497 = arith.index_cast %add3A_472 : i32 to index
        %swap3A_498 = arith.constant 32 : index
        %swap3A_499 = tpu.vector_load %arg15[%swap3A_497, %swap3A_498] {strides = array<i32>} : memref<128x64xf32, #tpu.memory_space<vmem>>, vector<16xf32>,
        tpu.vector_store %arg15[%swap3A_497, %swap3A_498], %mul3A_496 {strides = array<i32>} : memref<128x64xf32, #tpu.memory_space<vmem>>, vector<16xf32>,
        %mul3A_500 = vector.broadcast %squeeze3A_474 : f32 to vector<16xf32>
        %mul3A_501 = arith.mulf %unpack3A_494, %mul3A_500 : vector<16xf32>
        %swap3A_502 = arith.index_cast %add3A_472 : i32 to index
        %swap3A_503 = arith.constant 48 : index
        %swap3A_504 = tpu.vector_load %arg15[%swap3A_502, %swap3A_503] {strides = array<i32>} : memref<128x64xf32, #tpu.memory_space<vmem>>, vector<16xf32>,
        tpu.vector_store %arg15[%swap3A_502, %swap3A_503], %mul3A_501 {strides = array<i32>} : memref<128x64xf32, #tpu.memory_space<vmem>>, vector<16xf32>,
        %mul3A_505 = arith.constant 16 : i32
        %mul3A_506 = arith.muli %scan3A_105, %mul3A_505 : i32
        %add3A_507 = arith.constant 11 : i32
        %add3A_508 = arith.addi %mul3A_506, %add3A_507 : i32
        %slice3A_509 = vector.extract_strided_slice %get3A_112 {offsets = [11], sizes = [1], strides = [1]} : vector<16xf32> to vector<1xf32>
        %squeeze3A_510 = vector.extract %slice3A_509[0] : f32 from vector<1xf32>
        %get3A_511 = arith.index_cast %add3A_508 : i32 to index
        %get3A_512 = arith.constant 0 : index
        %get3A_513 = tpu.vector_load %arg13[%get3A_511, %get3A_512] {strides = array<i32>} : memref<128x64xbf16, #tpu.memory_space<vmem>>, vector<32xbf16>,
        %unpack3A_514 = tpu.unpack_subelements %get3A_513, 0 {pack_format = #tpu.pack_format<interleaved>} : vector<32xbf16> -> vector<16xf32>
        %unpack3A_515 = tpu.unpack_subelements %get3A_513, 1 {pack_format = #tpu.pack_format<interleaved>} : vector<32xbf16> -> vector<16xf32>
        %mul3A_516 = vector.broadcast %squeeze3A_510 : f32 to vector<16xf32>
        %mul3A_517 = arith.mulf %unpack3A_514, %mul3A_516 : vector<16xf32>
        %swap3A_518 = arith.index_cast %add3A_508 : i32 to index
        %swap3A_519 = arith.constant 0 : index
        %swap3A_520 = tpu.vector_load %arg15[%swap3A_518, %swap3A_519] {strides = array<i32>} : memref<128x64xf32, #tpu.memory_space<vmem>>, vector<16xf32>,
        tpu.vector_store %arg15[%swap3A_518, %swap3A_519], %mul3A_517 {strides = array<i32>} : memref<128x64xf32, #tpu.memory_space<vmem>>, vector<16xf32>,
        %mul3A_521 = vector.broadcast %squeeze3A_510 : f32 to vector<16xf32>
        %mul3A_522 = arith.mulf %unpack3A_515, %mul3A_521 : vector<16xf32>
        %swap3A_523 = arith.index_cast %add3A_508 : i32 to index
        %swap3A_524 = arith.constant 16 : index
        %swap3A_525 = tpu.vector_load %arg15[%swap3A_523, %swap3A_524] {strides = array<i32>} : memref<128x64xf32, #tpu.memory_space<vmem>>, vector<16xf32>,
        tpu.vector_store %arg15[%swap3A_523, %swap3A_524], %mul3A_522 {strides = array<i32>} : memref<128x64xf32, #tpu.memory_space<vmem>>, vector<16xf32>,
        %get3A_526 = arith.index_cast %add3A_508 : i32 to index
        %get3A_527 = arith.constant 32 : index
        %get3A_528 = tpu.vector_load %arg13[%get3A_526, %get3A_527] {strides = array<i32>} : memref<128x64xbf16, #tpu.memory_space<vmem>>, vector<32xbf16>,
        %unpack3A_529 = tpu.unpack_subelements %get3A_528, 0 {pack_format = #tpu.pack_format<interleaved>} : vector<32xbf16> -> vector<16xf32>
        %unpack3A_530 = tpu.unpack_subelements %get3A_528, 1 {pack_format = #tpu.pack_format<interleaved>} : vector<32xbf16> -> vector<16xf32>
        %mul3A_531 = vector.broadcast %squeeze3A_510 : f32 to vector<16xf32>
        %mul3A_532 = arith.mulf %unpack3A_529, %mul3A_531 : vector<16xf32>
        %swap3A_533 = arith.index_cast %add3A_508 : i32 to index
        %swap3A_534 = arith.constant 32 : index
        %swap3A_535 = tpu.vector_load %arg15[%swap3A_533, %swap3A_534] {strides = array<i32>} : memref<128x64xf32, #tpu.memory_space<vmem>>, vector<16xf32>,
        tpu.vector_store %arg15[%swap3A_533, %swap3A_534], %mul3A_532 {strides = array<i32>} : memref<128x64xf32, #tpu.memory_space<vmem>>, vector<16xf32>,
        %mul3A_536 = vector.broadcast %squeeze3A_510 : f32 to vector<16xf32>
        %mul3A_537 = arith.mulf %unpack3A_530, %mul3A_536 : vector<16xf32>
        %swap3A_538 = arith.index_cast %add3A_508 : i32 to index
        %swap3A_539 = arith.constant 48 : index
        %swap3A_540 = tpu.vector_load %arg15[%swap3A_538, %swap3A_539] {strides = array<i32>} : memref<128x64xf32, #tpu.memory_space<vmem>>, vector<16xf32>,
        tpu.vector_store %arg15[%swap3A_538, %swap3A_539], %mul3A_537 {strides = array<i32>} : memref<128x64xf32, #tpu.memory_space<vmem>>, vector<16xf32>,
        %mul3A_541 = arith.constant 16 : i32
        %mul3A_542 = arith.muli %scan3A_105, %mul3A_541 : i32
        %add3A_543 = arith.constant 12 : i32
        %add3A_544 = arith.addi %mul3A_542, %add3A_543 : i32
        %slice3A_545 = vector.extract_strided_slice %get3A_112 {offsets = [12], sizes = [1], strides = [1]} : vector<16xf32> to vector<1xf32>
        %squeeze3A_546 = vector.extract %slice3A_545[0] : f32 from vector<1xf32>
        %get3A_547 = arith.index_cast %add3A_544 : i32 to index
        %get3A_548 = arith.constant 0 : index
        %get3A_549 = tpu.vector_load %arg13[%get3A_547, %get3A_548] {strides = array<i32>} : memref<128x64xbf16, #tpu.memory_space<vmem>>, vector<32xbf16>,
        %unpack3A_550 = tpu.unpack_subelements %get3A_549, 0 {pack_format = #tpu.pack_format<interleaved>} : vector<32xbf16> -> vector<16xf32>
        %unpack3A_551 = tpu.unpack_subelements %get3A_549, 1 {pack_format = #tpu.pack_format<interleaved>} : vector<32xbf16> -> vector<16xf32>
        %mul3A_552 = vector.broadcast %squeeze3A_546 : f32 to vector<16xf32>
        %mul3A_553 = arith.mulf %unpack3A_550, %mul3A_552 : vector<16xf32>
        %swap3A_554 = arith.index_cast %add3A_544 : i32 to index
        %swap3A_555 = arith.constant 0 : index
        %swap3A_556 = tpu.vector_load %arg15[%swap3A_554, %swap3A_555] {strides = array<i32>} : memref<128x64xf32, #tpu.memory_space<vmem>>, vector<16xf32>,
        tpu.vector_store %arg15[%swap3A_554, %swap3A_555], %mul3A_553 {strides = array<i32>} : memref<128x64xf32, #tpu.memory_space<vmem>>, vector<16xf32>,
        %mul3A_557 = vector.broadcast %squeeze3A_546 : f32 to vector<16xf32>
        %mul3A_558 = arith.mulf %unpack3A_551, %mul3A_557 : vector<16xf32>
        %swap3A_559 = arith.index_cast %add3A_544 : i32 to index
        %swap3A_560 = arith.constant 16 : index
        %swap3A_561 = tpu.vector_load %arg15[%swap3A_559, %swap3A_560] {strides = array<i32>} : memref<128x64xf32, #tpu.memory_space<vmem>>, vector<16xf32>,
        tpu.vector_store %arg15[%swap3A_559, %swap3A_560], %mul3A_558 {strides = array<i32>} : memref<128x64xf32, #tpu.memory_space<vmem>>, vector<16xf32>,
        %get3A_562 = arith.index_cast %add3A_544 : i32 to index
        %get3A_563 = arith.constant 32 : index
        %get3A_564 = tpu.vector_load %arg13[%get3A_562, %get3A_563] {strides = array<i32>} : memref<128x64xbf16, #tpu.memory_space<vmem>>, vector<32xbf16>,
        %unpack3A_565 = tpu.unpack_subelements %get3A_564, 0 {pack_format = #tpu.pack_format<interleaved>} : vector<32xbf16> -> vector<16xf32>
        %unpack3A_566 = tpu.unpack_subelements %get3A_564, 1 {pack_format = #tpu.pack_format<interleaved>} : vector<32xbf16> -> vector<16xf32>
        %mul3A_567 = vector.broadcast %squeeze3A_546 : f32 to vector<16xf32>
        %mul3A_568 = arith.mulf %unpack3A_565, %mul3A_567 : vector<16xf32>
        %swap3A_569 = arith.index_cast %add3A_544 : i32 to index
        %swap3A_570 = arith.constant 32 : index
        %swap3A_571 = tpu.vector_load %arg15[%swap3A_569, %swap3A_570] {strides = array<i32>} : memref<128x64xf32, #tpu.memory_space<vmem>>, vector<16xf32>,
        tpu.vector_store %arg15[%swap3A_569, %swap3A_570], %mul3A_568 {strides = array<i32>} : memref<128x64xf32, #tpu.memory_space<vmem>>, vector<16xf32>,
        %mul3A_572 = vector.broadcast %squeeze3A_546 : f32 to vector<16xf32>
        %mul3A_573 = arith.mulf %unpack3A_566, %mul3A_572 : vector<16xf32>
        %swap3A_574 = arith.index_cast %add3A_544 : i32 to index
        %swap3A_575 = arith.constant 48 : index
        %swap3A_576 = tpu.vector_load %arg15[%swap3A_574, %swap3A_575] {strides = array<i32>} : memref<128x64xf32, #tpu.memory_space<vmem>>, vector<16xf32>,
        tpu.vector_store %arg15[%swap3A_574, %swap3A_575], %mul3A_573 {strides = array<i32>} : memref<128x64xf32, #tpu.memory_space<vmem>>, vector<16xf32>,
        %mul3A_577 = arith.constant 16 : i32
        %mul3A_578 = arith.muli %scan3A_105, %mul3A_577 : i32
        %add3A_579 = arith.constant 13 : i32
        %add3A_580 = arith.addi %mul3A_578, %add3A_579 : i32
        %slice3A_581 = vector.extract_strided_slice %get3A_112 {offsets = [13], sizes = [1], strides = [1]} : vector<16xf32> to vector<1xf32>
        %squeeze3A_582 = vector.extract %slice3A_581[0] : f32 from vector<1xf32>
        %get3A_583 = arith.index_cast %add3A_580 : i32 to index
        %get3A_584 = arith.constant 0 : index
        %get3A_585 = tpu.vector_load %arg13[%get3A_583, %get3A_584] {strides = array<i32>} : memref<128x64xbf16, #tpu.memory_space<vmem>>, vector<32xbf16>,
        %unpack3A_586 = tpu.unpack_subelements %get3A_585, 0 {pack_format = #tpu.pack_format<interleaved>} : vector<32xbf16> -> vector<16xf32>
        %unpack3A_587 = tpu.unpack_subelements %get3A_585, 1 {pack_format = #tpu.pack_format<interleaved>} : vector<32xbf16> -> vector<16xf32>
        %mul3A_588 = vector.broadcast %squeeze3A_582 : f32 to vector<16xf32>
        %mul3A_589 = arith.mulf %unpack3A_586, %mul3A_588 : vector<16xf32>
        %swap3A_590 = arith.index_cast %add3A_580 : i32 to index
        %swap3A_591 = arith.constant 0 : index
        %swap3A_592 = tpu.vector_load %arg15[%swap3A_590, %swap3A_591] {strides = array<i32>} : memref<128x64xf32, #tpu.memory_space<vmem>>, vector<16xf32>,
        tpu.vector_store %arg15[%swap3A_590, %swap3A_591], %mul3A_589 {strides = array<i32>} : memref<128x64xf32, #tpu.memory_space<vmem>>, vector<16xf32>,
        %mul3A_593 = vector.broadcast %squeeze3A_582 : f32 to vector<16xf32>
        %mul3A_594 = arith.mulf %unpack3A_587, %mul3A_593 : vector<16xf32>
        %swap3A_595 = arith.index_cast %add3A_580 : i32 to index
        %swap3A_596 = arith.constant 16 : index
        %swap3A_597 = tpu.vector_load %arg15[%swap3A_595, %swap3A_596] {strides = array<i32>} : memref<128x64xf32, #tpu.memory_space<vmem>>, vector<16xf32>,
        tpu.vector_store %arg15[%swap3A_595, %swap3A_596], %mul3A_594 {strides = array<i32>} : memref<128x64xf32, #tpu.memory_space<vmem>>, vector<16xf32>,
        %get3A_598 = arith.index_cast %add3A_580 : i32 to index
        %get3A_599 = arith.constant 32 : index
        %get3A_600 = tpu.vector_load %arg13[%get3A_598, %get3A_599] {strides = array<i32>} : memref<128x64xbf16, #tpu.memory_space<vmem>>, vector<32xbf16>,
        %unpack3A_601 = tpu.unpack_subelements %get3A_600, 0 {pack_format = #tpu.pack_format<interleaved>} : vector<32xbf16> -> vector<16xf32>
        %unpack3A_602 = tpu.unpack_subelements %get3A_600, 1 {pack_format = #tpu.pack_format<interleaved>} : vector<32xbf16> -> vector<16xf32>
        %mul3A_603 = vector.broadcast %squeeze3A_582 : f32 to vector<16xf32>
        %mul3A_604 = arith.mulf %unpack3A_601, %mul3A_603 : vector<16xf32>
        %swap3A_605 = arith.index_cast %add3A_580 : i32 to index
        %swap3A_606 = arith.constant 32 : index
        %swap3A_607 = tpu.vector_load %arg15[%swap3A_605, %swap3A_606] {strides = array<i32>} : memref<128x64xf32, #tpu.memory_space<vmem>>, vector<16xf32>,
        tpu.vector_store %arg15[%swap3A_605, %swap3A_606], %mul3A_604 {strides = array<i32>} : memref<128x64xf32, #tpu.memory_space<vmem>>, vector<16xf32>,
        %mul3A_608 = vector.broadcast %squeeze3A_582 : f32 to vector<16xf32>
        %mul3A_609 = arith.mulf %unpack3A_602, %mul3A_608 : vector<16xf32>
        %swap3A_610 = arith.index_cast %add3A_580 : i32 to index
        %swap3A_611 = arith.constant 48 : index
        %swap3A_612 = tpu.vector_load %arg15[%swap3A_610, %swap3A_611] {strides = array<i32>} : memref<128x64xf32, #tpu.memory_space<vmem>>, vector<16xf32>,
        tpu.vector_store %arg15[%swap3A_610, %swap3A_611], %mul3A_609 {strides = array<i32>} : memref<128x64xf32, #tpu.memory_space<vmem>>, vector<16xf32>,
        %mul3A_613 = arith.constant 16 : i32
        %mul3A_614 = arith.muli %scan3A_105, %mul3A_613 : i32
        %add3A_615 = arith.constant 14 : i32
        %add3A_616 = arith.addi %mul3A_614, %add3A_615 : i32
        %slice3A_617 = vector.extract_strided_slice %get3A_112 {offsets = [14], sizes = [1], strides = [1]} : vector<16xf32> to vector<1xf32>
        %squeeze3A_618 = vector.extract %slice3A_617[0] : f32 from vector<1xf32>
        %get3A_619 = arith.index_cast %add3A_616 : i32 to index
        %get3A_620 = arith.constant 0 : index
        %get3A_621 = tpu.vector_load %arg13[%get3A_619, %get3A_620] {strides = array<i32>} : memref<128x64xbf16, #tpu.memory_space<vmem>>, vector<32xbf16>,
        %unpack3A_622 = tpu.unpack_subelements %get3A_621, 0 {pack_format = #tpu.pack_format<interleaved>} : vector<32xbf16> -> vector<16xf32>
        %unpack3A_623 = tpu.unpack_subelements %get3A_621, 1 {pack_format = #tpu.pack_format<interleaved>} : vector<32xbf16> -> vector<16xf32>
        %mul3A_624 = vector.broadcast %squeeze3A_618 : f32 to vector<16xf32>
        %mul3A_625 = arith.mulf %unpack3A_622, %mul3A_624 : vector<16xf32>
        %swap3A_626 = arith.index_cast %add3A_616 : i32 to index
        %swap3A_627 = arith.constant 0 : index
        %swap3A_628 = tpu.vector_load %arg15[%swap3A_626, %swap3A_627] {strides = array<i32>} : memref<128x64xf32, #tpu.memory_space<vmem>>, vector<16xf32>,
        tpu.vector_store %arg15[%swap3A_626, %swap3A_627], %mul3A_625 {strides = array<i32>} : memref<128x64xf32, #tpu.memory_space<vmem>>, vector<16xf32>,
        %mul3A_629 = vector.broadcast %squeeze3A_618 : f32 to vector<16xf32>
        %mul3A_630 = arith.mulf %unpack3A_623, %mul3A_629 : vector<16xf32>
        %swap3A_631 = arith.index_cast %add3A_616 : i32 to index
        %swap3A_632 = arith.constant 16 : index
        %swap3A_633 = tpu.vector_load %arg15[%swap3A_631, %swap3A_632] {strides = array<i32>} : memref<128x64xf32, #tpu.memory_space<vmem>>, vector<16xf32>,
        tpu.vector_store %arg15[%swap3A_631, %swap3A_632], %mul3A_630 {strides = array<i32>} : memref<128x64xf32, #tpu.memory_space<vmem>>, vector<16xf32>,
        %get3A_634 = arith.index_cast %add3A_616 : i32 to index
        %get3A_635 = arith.constant 32 : index
        %get3A_636 = tpu.vector_load %arg13[%get3A_634, %get3A_635] {strides = array<i32>} : memref<128x64xbf16, #tpu.memory_space<vmem>>, vector<32xbf16>,
        %unpack3A_637 = tpu.unpack_subelements %get3A_636, 0 {pack_format = #tpu.pack_format<interleaved>} : vector<32xbf16> -> vector<16xf32>
        %unpack3A_638 = tpu.unpack_subelements %get3A_636, 1 {pack_format = #tpu.pack_format<interleaved>} : vector<32xbf16> -> vector<16xf32>
        %mul3A_639 = vector.broadcast %squeeze3A_618 : f32 to vector<16xf32>
        %mul3A_640 = arith.mulf %unpack3A_637, %mul3A_639 : vector<16xf32>
        %swap3A_641 = arith.index_cast %add3A_616 : i32 to index
        %swap3A_642 = arith.constant 32 : index
        %swap3A_643 = tpu.vector_load %arg15[%swap3A_641, %swap3A_642] {strides = array<i32>} : memref<128x64xf32, #tpu.memory_space<vmem>>, vector<16xf32>,
        tpu.vector_store %arg15[%swap3A_641, %swap3A_642], %mul3A_640 {strides = array<i32>} : memref<128x64xf32, #tpu.memory_space<vmem>>, vector<16xf32>,
        %mul3A_644 = vector.broadcast %squeeze3A_618 : f32 to vector<16xf32>
        %mul3A_645 = arith.mulf %unpack3A_638, %mul3A_644 : vector<16xf32>
        %swap3A_646 = arith.index_cast %add3A_616 : i32 to index
        %swap3A_647 = arith.constant 48 : index
        %swap3A_648 = tpu.vector_load %arg15[%swap3A_646, %swap3A_647] {strides = array<i32>} : memref<128x64xf32, #tpu.memory_space<vmem>>, vector<16xf32>,
        tpu.vector_store %arg15[%swap3A_646, %swap3A_647], %mul3A_645 {strides = array<i32>} : memref<128x64xf32, #tpu.memory_space<vmem>>, vector<16xf32>,
        %mul3A_649 = arith.constant 16 : i32
        %mul3A_650 = arith.muli %scan3A_105, %mul3A_649 : i32
        %add3A_651 = arith.constant 15 : i32
        %add3A_652 = arith.addi %mul3A_650, %add3A_651 : i32
        %slice3A_653 = vector.extract_strided_slice %get3A_112 {offsets = [15], sizes = [1], strides = [1]} : vector<16xf32> to vector<1xf32>
        %squeeze3A_654 = vector.extract %slice3A_653[0] : f32 from vector<1xf32>
        %get3A_655 = arith.index_cast %add3A_652 : i32 to index
        %get3A_656 = arith.constant 0 : index
        %get3A_657 = tpu.vector_load %arg13[%get3A_655, %get3A_656] {strides = array<i32>} : memref<128x64xbf16, #tpu.memory_space<vmem>>, vector<32xbf16>,
        %unpack3A_658 = tpu.unpack_subelements %get3A_657, 0 {pack_format = #tpu.pack_format<interleaved>} : vector<32xbf16> -> vector<16xf32>
        %unpack3A_659 = tpu.unpack_subelements %get3A_657, 1 {pack_format = #tpu.pack_format<interleaved>} : vector<32xbf16> -> vector<16xf32>
        %mul3A_660 = vector.broadcast %squeeze3A_654 : f32 to vector<16xf32>
        %mul3A_661 = arith.mulf %unpack3A_658, %mul3A_660 : vector<16xf32>
        %swap3A_662 = arith.index_cast %add3A_652 : i32 to index
        %swap3A_663 = arith.constant 0 : index
        %swap3A_664 = tpu.vector_load %arg15[%swap3A_662, %swap3A_663] {strides = array<i32>} : memref<128x64xf32, #tpu.memory_space<vmem>>, vector<16xf32>,
        tpu.vector_store %arg15[%swap3A_662, %swap3A_663], %mul3A_661 {strides = array<i32>} : memref<128x64xf32, #tpu.memory_space<vmem>>, vector<16xf32>,
        %mul3A_665 = vector.broadcast %squeeze3A_654 : f32 to vector<16xf32>
        %mul3A_666 = arith.mulf %unpack3A_659, %mul3A_665 : vector<16xf32>
        %swap3A_667 = arith.index_cast %add3A_652 : i32 to index
        %swap3A_668 = arith.constant 16 : index
        %swap3A_669 = tpu.vector_load %arg15[%swap3A_667, %swap3A_668] {strides = array<i32>} : memref<128x64xf32, #tpu.memory_space<vmem>>, vector<16xf32>,
        tpu.vector_store %arg15[%swap3A_667, %swap3A_668], %mul3A_666 {strides = array<i32>} : memref<128x64xf32, #tpu.memory_space<vmem>>, vector<16xf32>,
        %get3A_670 = arith.index_cast %add3A_652 : i32 to index
        %get3A_671 = arith.constant 32 : index
        %get3A_672 = tpu.vector_load %arg13[%get3A_670, %get3A_671] {strides = array<i32>} : memref<128x64xbf16, #tpu.memory_space<vmem>>, vector<32xbf16>,
        %unpack3A_673 = tpu.unpack_subelements %get3A_672, 0 {pack_format = #tpu.pack_format<interleaved>} : vector<32xbf16> -> vector<16xf32>
        %unpack3A_674 = tpu.unpack_subelements %get3A_672, 1 {pack_format = #tpu.pack_format<interleaved>} : vector<32xbf16> -> vector<16xf32>
        %mul3A_675 = vector.broadcast %squeeze3A_654 : f32 to vector<16xf32>
        %mul3A_676 = arith.mulf %unpack3A_673, %mul3A_675 : vector<16xf32>
        %swap3A_677 = arith.index_cast %add3A_652 : i32 to index
        %swap3A_678 = arith.constant 32 : index
        %swap3A_679 = tpu.vector_load %arg15[%swap3A_677, %swap3A_678] {strides = array<i32>} : memref<128x64xf32, #tpu.memory_space<vmem>>, vector<16xf32>,
        tpu.vector_store %arg15[%swap3A_677, %swap3A_678], %mul3A_676 {strides = array<i32>} : memref<128x64xf32, #tpu.memory_space<vmem>>, vector<16xf32>,
        %mul3A_680 = vector.broadcast %squeeze3A_654 : f32 to vector<16xf32>
        %mul3A_681 = arith.mulf %unpack3A_674, %mul3A_680 : vector<16xf32>
        %swap3A_682 = arith.index_cast %add3A_652 : i32 to index
        %swap3A_683 = arith.constant 48 : index
        %swap3A_684 = tpu.vector_load %arg15[%swap3A_682, %swap3A_683] {strides = array<i32>} : memref<128x64xf32, #tpu.memory_space<vmem>>, vector<16xf32>,
        tpu.vector_store %arg15[%swap3A_682, %swap3A_683], %mul3A_681 {strides = array<i32>} : memref<128x64xf32, #tpu.memory_space<vmem>>, vector<16xf32>,
        %scan3A_685 = arith.constant 0 : i32
        scf.yield %scan3A_685 : i32
      }
      %scan3A_100 = arith.constant 8 : i32
      %dma_start3A_101 = arith.constant 0 : i32
      %dma_start3A_102 = arith.constant 0 : i32
      %dma_start3A_103 = tpu.memref_slice %arg21[%dma_start3A_101, %dma_start3A_102] : memref<10112x64xf32, #tpu.memory_space<vmem_shared>> -> memref<10112x64xf32, #tpu.memory_space<vmem_shared>>
      tpu.enqueue_indirect_dma source(%arg15 : memref<128x64xf32, #tpu.memory_space<vmem>>) target(%dma_start3A_103 : memref<10112x64xf32, #tpu.memory_space<vmem_shared>>) offsets(%arg11 : memref<128xi32, #tpu.memory_space<vmem>>) semaphore(%arg19 : memref<!tpu.dma_semaphore, #tpu.memory_space<semaphore_mem>>) {add = true}
      %scan3A_104 = arith.constant 0 : i32
      scf.yield %scan3A_104 : i32
    }
    %scan3A_45 = arith.constant 80 : i32
    %dma_wait3A = arith.constant 0 : i32
    %dma_wait3A_46 = arith.constant 0 : i32
    %dma_wait3A_47 = tpu.memref_slice %arg21[%dma_wait3A, %dma_wait3A_46] : memref<10112x64xf32, #tpu.memory_space<vmem_shared>> -> memref<10112x64xf32, #tpu.memory_space<vmem_shared>>
    tpu.wait_indirect_dma semaphore(%arg18 : memref<!tpu.dma_semaphore, #tpu.memory_space<semaphore_mem>>) src(%arg14 : memref<128x64xf32, #tpu.memory_space<vmem>>) dst(%dma_wait3A_47 : memref<10112x64xf32, #tpu.memory_space<vmem_shared>>)
    %dma_wait3A_48 = arith.constant 0 : i32
    %dma_wait3A_49 = arith.constant 0 : i32
    %dma_wait3A_50 = tpu.memref_slice %arg21[%dma_wait3A_48, %dma_wait3A_49] : memref<10112x64xf32, #tpu.memory_space<vmem_shared>> -> memref<10112x64xf32, #tpu.memory_space<vmem_shared>>
    tpu.wait_indirect_dma semaphore(%arg19 : memref<!tpu.dma_semaphore, #tpu.memory_space<semaphore_mem>>) src(%arg15 : memref<128x64xf32, #tpu.memory_space<vmem>>) dst(%dma_wait3A_50 : memref<10112x64xf32, #tpu.memory_space<vmem_shared>>)
    %barrier3A_51 = arith.constant 0 : index
    tpu.barrier barrier_id(%barrier3A_51)
    %mul3A_52 = arith.constant 632 : i32
    %mul3A_53 = arith.muli %arg1, %mul3A_52 : i32
    %mul3A_54 = arith.constant 632 : i32
    %mul3A_55 = arith.muli %arg1, %mul3A_54 : i32
    "tpu.region"() ({
      %run_scoped3A = tpu.sem_alloc : memref<!tpu.dma_semaphore, #tpu.memory_space<semaphore_mem>>
      %dma_start3A_56 = arith.constant 0 : i32
      %dma_start3A_57 = arith.constant 0 : i32
      %dma_start3A_58 = tpu.memref_slice %arg5[%arg0, %dma_start3A_56, %dma_start3A_57] : memref<2x10112x64xf32, #tpu.memory_space<hbm>> -> memref<1x10112x64xf32, #tpu.memory_space<hbm>>
      %dma_start3A_59 = tpu.memref_squeeze %dma_start3A_58 : memref<1x10112x64xf32, #tpu.memory_space<hbm>> -> memref<10112x64xf32, #tpu.memory_space<hbm>>
      %dma_start3A_60 = arith.constant 0 : i32
      %dma_start3A_61 = tpu.memref_slice %dma_start3A_59[%mul3A_55, %dma_start3A_60] : memref<10112x64xf32, #tpu.memory_space<hbm>> -> memref<632x64xf32, #tpu.memory_space<hbm>>
      %dma_start3A_62 = arith.constant 0 : i32
      %dma_start3A_63 = tpu.memref_slice %arg21[%mul3A_53, %dma_start3A_62] : memref<10112x64xf32, #tpu.memory_space<vmem_shared>> -> memref<632x64xf32, #tpu.memory_space<vmem_shared>>
      tpu.enqueue_dma source(%dma_start3A_63 : memref<632x64xf32, #tpu.memory_space<vmem_shared>>) target(%dma_start3A_61 : memref<632x64xf32, #tpu.memory_space<hbm>>) target_semaphore(%run_scoped3A : memref<!tpu.dma_semaphore, #tpu.memory_space<semaphore_mem>>)
      %dma_wait3A_64 = arith.constant 0 : i32
      %dma_wait3A_65 = arith.constant 0 : i32
      %dma_wait3A_66 = tpu.memref_slice %arg5[%arg0, %dma_wait3A_64, %dma_wait3A_65] : memref<2x10112x64xf32, #tpu.memory_space<hbm>> -> memref<1x10112x64xf32, #tpu.memory_space<hbm>>
      %dma_wait3A_67 = tpu.memref_squeeze %dma_wait3A_66 : memref<1x10112x64xf32, #tpu.memory_space<hbm>> -> memref<10112x64xf32, #tpu.memory_space<hbm>>
      %dma_wait3A_68 = arith.constant 0 : i32
      %dma_wait3A_69 = tpu.memref_slice %dma_wait3A_67[%mul3A_55, %dma_wait3A_68] : memref<10112x64xf32, #tpu.memory_space<hbm>> -> memref<632x64xf32, #tpu.memory_space<hbm>>
      %dma_wait3A_70 = arith.constant 0 : i32
      %dma_wait3A_71 = tpu.memref_slice %arg21[%mul3A_53, %dma_wait3A_70] : memref<10112x64xf32, #tpu.memory_space<vmem_shared>> -> memref<632x64xf32, #tpu.memory_space<vmem_shared>>
      tpu.wait_dma2 semaphore(%run_scoped3A : memref<!tpu.dma_semaphore, #tpu.memory_space<semaphore_mem>>) src(%dma_wait3A_71 : memref<632x64xf32, #tpu.memory_space<vmem_shared>>) dst(%dma_wait3A_69 : memref<632x64xf32, #tpu.memory_space<hbm>>)
      tpu.yield
    }) : () -> ()
    return
  }
}

module attributes {stable_mosaic.version = 14 : i64} {
  func.func @_proj_body(%arg0: i32, %arg1: memref<1000x128xf32, #tpu.memory_space<vmem>>, %arg2: memref<128x128xf32, #tpu.memory_space<vmem>>, %arg3: memref<1x128xf32, #tpu.memory_space<vmem>>, %arg4: memref<1x128xf32, #tpu.memory_space<vmem>>, %arg5: memref<2x1000x64xf32, #tpu.memory_space<vmem>>, %arg6: memref<1000x1xf32, #tpu.memory_space<vmem>>, %arg7: memref<1000x1xf32, #tpu.memory_space<vmem>>, %arg8: memref<1x128xf32, #tpu.memory_space<vmem>>, %arg9: memref<2xf32, #tpu.memory_space<smem>>) attributes {dimension_semantics = [#tpu.dimension_semantics<arbitrary>], iteration_bounds = array<i64: 10>, scalar_prefetch = 0 : i64, scratch_operands = 1 : i64, tpu.core_type = #tpu.core_type<tc>, window_params = [{transform_indices = @transform_0, window_bounds = array<i64: 1000, 128>}, {pipeline_mode = #tpu.pipeline_mode<synchronous>, transform_indices = @transform_1, window_bounds = array<i64: 128, 128>}, {pipeline_mode = #tpu.pipeline_mode<synchronous>, transform_indices = @transform_2, window_bounds = array<i64: 1, 128>}, {pipeline_mode = #tpu.pipeline_mode<synchronous>, transform_indices = @transform_3, window_bounds = array<i64: 1, 128>}, {transform_indices = @transform_4, window_bounds = array<i64: 2, 1000, 64>}, {transform_indices = @transform_5, window_bounds = array<i64: 1000, 1>}, {transform_indices = @transform_6, window_bounds = array<i64: 1000, 1>}, {pipeline_mode = #tpu.pipeline_mode<synchronous>, transform_indices = @transform_7, window_bounds = array<i64: 1, 128>}]} {
    %get3A = arith.constant 0 : index
    %get3A_0 = arith.constant 0 : index
    %get3A_1 = vector.load %arg1[%get3A, %get3A_0] : memref<1000x128xf32, #tpu.memory_space<vmem>>, vector<1000x128xf32>
    %get3A_2 = arith.constant 0 : index
    %get3A_3 = arith.constant 0 : index
    %get3A_4 = vector.load %arg2[%get3A_2, %get3A_3] : memref<128x128xf32, #tpu.memory_space<vmem>>, vector<128x128xf32>
    %dot_general3A = arith.constant dense<0.000000e+00> : vector<1000x128xf32>
    %dot_general3A_5 = tpu.matmul %get3A_1, %get3A_4, %dot_general3A {dimension_numbers = #tpu.dot_dimension_numbers<[1], [1], [0], [0], [0, 0, 1, 0], [], []>, precision = #tpu.contract_precision<fp32>, transpose_lhs_hint = false} : vector<1000x128xf32>, vector<128x128xf32>, vector<1000x128xf32> -> vector<1000x128xf32>
    %slice3A = vector.extract_strided_slice %dot_general3A_5 {offsets = [0, 0], sizes = [1000, 64], strides = [1, 1]} : vector<1000x128xf32> to vector<1000x64xf32>
    %swap3A = arith.constant 0 : index
    %swap3A_6 = arith.constant 0 : index
    %swap3A_7 = arith.constant 0 : index
    %swap3A_8 = vector.load %arg5[%swap3A, %swap3A_6, %swap3A_7] : memref<2x1000x64xf32, #tpu.memory_space<vmem>>, vector<1x1000x64xf32>
    %swap3A_9 = vector.shape_cast %swap3A_8 : vector<1x1000x64xf32> to vector<1000x64xf32>
    %swap3A_10 = vector.shape_cast %slice3A : vector<1000x64xf32> to vector<1x1000x64xf32>
    tpu.vector_store %arg5[%swap3A, %swap3A_6, %swap3A_7], %swap3A_10 {strides = array<i32>} : memref<2x1000x64xf32, #tpu.memory_space<vmem>>, vector<1x1000x64xf32>,
    %slice3A_11 = vector.extract_strided_slice %dot_general3A_5 {offsets = [0, 64], sizes = [1000, 64], strides = [1, 1]} : vector<1000x128xf32> to vector<1000x64xf32>
    %swap3A_12 = arith.constant 1 : index
    %swap3A_13 = arith.constant 0 : index
    %swap3A_14 = arith.constant 0 : index
    %swap3A_15 = vector.load %arg5[%swap3A_12, %swap3A_13, %swap3A_14] : memref<2x1000x64xf32, #tpu.memory_space<vmem>>, vector<1x1000x64xf32>
    %swap3A_16 = vector.shape_cast %swap3A_15 : vector<1x1000x64xf32> to vector<1000x64xf32>
    %swap3A_17 = vector.shape_cast %slice3A_11 : vector<1000x64xf32> to vector<1x1000x64xf32>
    tpu.vector_store %arg5[%swap3A_12, %swap3A_13, %swap3A_14], %swap3A_17 {strides = array<i32>} : memref<2x1000x64xf32, #tpu.memory_space<vmem>>, vector<1x1000x64xf32>,
    %get3A_18 = arith.constant 0 : index
    %get3A_19 = arith.constant 0 : index
    %get3A_20 = vector.load %arg3[%get3A_18, %get3A_19] : memref<1x128xf32, #tpu.memory_space<vmem>>, vector<1x128xf32>
    %mul3A = vector.broadcast %get3A_20 : vector<1x128xf32> to vector<1000x128xf32>
    %mul3A_21 = arith.mulf %dot_general3A_5, %mul3A : vector<1000x128xf32>
    %reduce_sum3A = arith.constant dense<0.000000e+00> : vector<1000xf32>
    %reduce_sum3A_22 = vector.multi_reduction <add>, %mul3A_21, %reduce_sum3A [1] : vector<1000x128xf32> to vector<1000xf32>
    %broadcast_in_dim3A = vector.shape_cast %reduce_sum3A_22 : vector<1000xf32> to vector<1000x1xf32>
    %get3A_23 = arith.constant 0 : index
    %get3A_24 = arith.constant 0 : index
    %get3A_25 = vector.load %arg4[%get3A_23, %get3A_24] : memref<1x128xf32, #tpu.memory_space<vmem>>, vector<1x128xf32>
    %mul3A_26 = vector.broadcast %get3A_25 : vector<1x128xf32> to vector<1000x128xf32>
    %mul3A_27 = arith.mulf %dot_general3A_5, %mul3A_26 : vector<1000x128xf32>
    %reduce_sum3A_28 = arith.constant dense<0.000000e+00> : vector<1000xf32>
    %reduce_sum3A_29 = vector.multi_reduction <add>, %mul3A_27, %reduce_sum3A_28 [1] : vector<1000x128xf32> to vector<1000xf32>
    %broadcast_in_dim3A_30 = vector.shape_cast %reduce_sum3A_29 : vector<1000xf32> to vector<1000x1xf32>
    %swap3A_31 = arith.constant 0 : index
    %swap3A_32 = arith.constant 0 : index
    %swap3A_33 = vector.load %arg6[%swap3A_31, %swap3A_32] : memref<1000x1xf32, #tpu.memory_space<vmem>>, vector<1000x1xf32>
    tpu.vector_store %arg6[%swap3A_31, %swap3A_32], %broadcast_in_dim3A {strides = array<i32>} : memref<1000x1xf32, #tpu.memory_space<vmem>>, vector<1000x1xf32>,
    %swap3A_34 = arith.constant 0 : index
    %swap3A_35 = arith.constant 0 : index
    %swap3A_36 = vector.load %arg7[%swap3A_34, %swap3A_35] : memref<1000x1xf32, #tpu.memory_space<vmem>>, vector<1000x1xf32>
    tpu.vector_store %arg7[%swap3A_34, %swap3A_35], %broadcast_in_dim3A_30 {strides = array<i32>} : memref<1000x1xf32, #tpu.memory_space<vmem>>, vector<1000x1xf32>,
    %eq3A = arith.constant 0 : i32
    %eq3A_37 = arith.cmpi eq, %arg0, %eq3A : i32
    %convert_element_type3A = arith.extui %eq3A_37 : i1 to i32
    %cond3A = arith.constant 0 : i32
    %cond3A_38 = arith.cmpi ne, %convert_element_type3A, %cond3A : i32
    scf.if %cond3A_38 {
      %swap3A_62 = arith.constant 0xFF800000 : f32
      %swap3A_63 = arith.constant 0 : index
      %swap3A_64 = memref.load %arg9[%swap3A_63] : memref<2xf32, #tpu.memory_space<smem>>
      memref.store %swap3A_62, %arg9[%swap3A_63] : memref<2xf32, #tpu.memory_space<smem>>
      %swap3A_65 = arith.constant 0xFF800000 : f32
      %swap3A_66 = arith.constant 1 : index
      %swap3A_67 = memref.load %arg9[%swap3A_66] : memref<2xf32, #tpu.memory_space<smem>>
      memref.store %swap3A_65, %arg9[%swap3A_66] : memref<2xf32, #tpu.memory_space<smem>>
    } else {
    }
    %get3A_39 = arith.constant 0 : index
    %get3A_40 = memref.load %arg9[%get3A_39] : memref<2xf32, #tpu.memory_space<smem>>
    %reduce_max3A = vector.shape_cast %broadcast_in_dim3A : vector<1000x1xf32> to vector<1x1000x1xf32>
    %reduce_max3A_41 = arith.constant dense<0xFF800000> : vector<1xf32>
    %reduce_max3A_42 = vector.multi_reduction <maximumf>, %reduce_max3A, %reduce_max3A_41 [1, 2] : vector<1x1000x1xf32> to vector<1xf32>
    %reduce_max3A_43 = vector.shape_cast %reduce_max3A_42 : vector<1xf32> to vector<1x1x1xf32>
    %reduce_max3A_44 = vector.extract %reduce_max3A_43[0, 0, 0] : f32 from vector<1x1x1xf32>
    %max3A = arith.maximumf %get3A_40, %reduce_max3A_44 : f32
    %swap3A_45 = arith.constant 0 : index
    %swap3A_46 = memref.load %arg9[%swap3A_45] : memref<2xf32, #tpu.memory_space<smem>>
    memref.store %max3A, %arg9[%swap3A_45] : memref<2xf32, #tpu.memory_space<smem>>
    %get3A_47 = arith.constant 1 : index
    %get3A_48 = memref.load %arg9[%get3A_47] : memref<2xf32, #tpu.memory_space<smem>>
    %reduce_max3A_49 = vector.shape_cast %broadcast_in_dim3A_30 : vector<1000x1xf32> to vector<1x1000x1xf32>
    %reduce_max3A_50 = arith.constant dense<0xFF800000> : vector<1xf32>
    %reduce_max3A_51 = vector.multi_reduction <maximumf>, %reduce_max3A_49, %reduce_max3A_50 [1, 2] : vector<1x1000x1xf32> to vector<1xf32>
    %reduce_max3A_52 = vector.shape_cast %reduce_max3A_51 : vector<1xf32> to vector<1x1x1xf32>
    %reduce_max3A_53 = vector.extract %reduce_max3A_52[0, 0, 0] : f32 from vector<1x1x1xf32>
    %max3A_54 = arith.maximumf %get3A_48, %reduce_max3A_53 : f32
    %swap3A_55 = arith.constant 1 : index
    %swap3A_56 = memref.load %arg9[%swap3A_55] : memref<2xf32, #tpu.memory_space<smem>>
    memref.store %max3A_54, %arg9[%swap3A_55] : memref<2xf32, #tpu.memory_space<smem>>
    %eq3A_57 = arith.constant 9 : i32
    %eq3A_58 = arith.cmpi eq, %arg0, %eq3A_57 : i32
    %convert_element_type3A_59 = arith.extui %eq3A_58 : i1 to i32
    %cond3A_60 = arith.constant 0 : i32
    %cond3A_61 = arith.cmpi ne, %convert_element_type3A_59, %cond3A_60 : i32
    scf.if %cond3A_61 {
      %get3A_62 = arith.constant 0 : index
      %get3A_63 = memref.load %arg9[%get3A_62] : memref<2xf32, #tpu.memory_space<smem>>
      %get3A_64 = arith.constant 1 : index
      %get3A_65 = memref.load %arg9[%get3A_64] : memref<2xf32, #tpu.memory_space<smem>>
      %add3A = arith.addf %get3A_63, %get3A_65 : f32
      %max3A_66 = arith.constant 0.000000e+00 : f32
      %max3A_67 = arith.maximumf %add3A, %max3A_66 : f32
      %broadcast_in_dim3A_68 = vector.broadcast %max3A_67 : f32 to vector<1x128xf32>
      %swap3A_69 = arith.constant 0 : index
      %swap3A_70 = arith.constant 0 : index
      %swap3A_71 = vector.load %arg8[%swap3A_69, %swap3A_70] : memref<1x128xf32, #tpu.memory_space<vmem>>, vector<1x128xf32>
      tpu.vector_store %arg8[%swap3A_69, %swap3A_70], %broadcast_in_dim3A_68 {strides = array<i32>} : memref<1x128xf32, #tpu.memory_space<vmem>>, vector<1x128xf32>,
    } else {
    }
    return
  }
  func.func @transform_0(%arg0: i32) -> (i32, i32) {
    %c0_i32 = arith.constant 0 : i32
    %c0_i32_0 = arith.constant 0 : i32
    return %arg0, %c0_i32 : i32, i32
  }
  func.func @transform_1(%arg0: i32) -> (i32, i32) {
    %c0_i32 = arith.constant 0 : i32
    %c0_i32_0 = arith.constant 0 : i32
    %c0_i32_1 = arith.constant 0 : i32
    return %c0_i32, %c0_i32_0 : i32, i32
  }
  func.func @transform_2(%arg0: i32) -> (i32, i32) {
    %c0_i32 = arith.constant 0 : i32
    %c0_i32_0 = arith.constant 0 : i32
    %c0_i32_1 = arith.constant 0 : i32
    return %c0_i32, %c0_i32_0 : i32, i32
  }
  func.func @transform_3(%arg0: i32) -> (i32, i32) {
    %c0_i32 = arith.constant 0 : i32
    %c0_i32_0 = arith.constant 0 : i32
    %c0_i32_1 = arith.constant 0 : i32
    return %c0_i32, %c0_i32_0 : i32, i32
  }
  func.func @transform_4(%arg0: i32) -> (i32, i32, i32) {
    %c0_i32 = arith.constant 0 : i32
    %c0_i32_0 = arith.constant 0 : i32
    %c0_i32_1 = arith.constant 0 : i32
    return %c0_i32, %arg0, %c0_i32_0 : i32, i32, i32
  }
  func.func @transform_5(%arg0: i32) -> (i32, i32) {
    %c0_i32 = arith.constant 0 : i32
    %c0_i32_0 = arith.constant 0 : i32
    return %arg0, %c0_i32 : i32, i32
  }
  func.func @transform_6(%arg0: i32) -> (i32, i32) {
    %c0_i32 = arith.constant 0 : i32
    %c0_i32_0 = arith.constant 0 : i32
    return %arg0, %c0_i32 : i32, i32
  }
  func.func @transform_7(%arg0: i32) -> (i32, i32) {
    %c0_i32 = arith.constant 0 : i32
    %c0_i32_0 = arith.constant 0 : i32
    %c0_i32_1 = arith.constant 0 : i32
    return %c0_i32, %c0_i32_0 : i32, i32
  }
}

module attributes {stable_mosaic.version = 14 : i64} {
  func.func @_den_body(%arg0: memref<32x10240xf32, #tpu.memory_space<vmem>>, %arg1: memref<1x10240xf32, #tpu.memory_space<vmem>>) attributes {dimension_semantics = [], scalar_prefetch = 0 : i64, scratch_operands = 0 : i64, tpu.core_type = #tpu.core_type<tc>} {
    %get3A = arith.constant 0 : index
    %get3A_0 = arith.constant 0 : index
    %get3A_1 = vector.load %arg0[%get3A, %get3A_0] : memref<32x10240xf32, #tpu.memory_space<vmem>>, vector<32x10240xf32>
    %reduce_sum3A = arith.constant dense<0.000000e+00> : vector<10240xf32>
    %reduce_sum3A_2 = vector.multi_reduction <add>, %get3A_1, %reduce_sum3A [0] : vector<32x10240xf32> to vector<10240xf32>
    %broadcast_in_dim3A = vector.shape_cast %reduce_sum3A_2 : vector<10240xf32> to vector<1x10240xf32>
    %max3A = arith.constant 9.99999971E-10 : f32
    %max3A_3 = vector.broadcast %max3A : f32 to vector<1x10240xf32>
    %max3A_4 = arith.maximumf %broadcast_in_dim3A, %max3A_3 : vector<1x10240xf32>
    %div3A = arith.constant 1.000000e+00 : f32
    %div3A_5 = vector.broadcast %div3A : f32 to vector<1x10240xf32>
    %div3A_6 = arith.divf %div3A_5, %max3A_4 : vector<1x10240xf32>
    %swap3A = arith.constant 0 : index
    %swap3A_7 = arith.constant 0 : index
    %swap3A_8 = vector.load %arg1[%swap3A, %swap3A_7] : memref<1x10240xf32, #tpu.memory_space<vmem>>, vector<1x10240xf32>
    tpu.vector_store %arg1[%swap3A, %swap3A_7], %div3A_6 {strides = array<i32>} : memref<1x10240xf32, #tpu.memory_space<vmem>>, vector<1x10240xf32>,
    return
  }
}

module attributes {stable_mosaic.version = 14 : i64} {
  func.func @_epi_body(%arg0: i32, %arg1: memref<2x1000x64xf32, #tpu.memory_space<vmem>>, %arg2: memref<1000x1xf32, #tpu.memory_space<vmem>>, %arg3: memref<1x128xf32, #tpu.memory_space<vmem>>, %arg4: memref<1000x128xf32, #tpu.memory_space<vmem>>) attributes {dimension_semantics = [#tpu.dimension_semantics<arbitrary>], iteration_bounds = array<i64: 10>, scalar_prefetch = 0 : i64, scratch_operands = 0 : i64, tpu.core_type = #tpu.core_type<tc>, window_params = [{transform_indices = @transform_0, window_bounds = array<i64: 2, 1000, 64>}, {transform_indices = @transform_1, window_bounds = array<i64: 1000, 1>}, {pipeline_mode = #tpu.pipeline_mode<synchronous>, transform_indices = @transform_2, window_bounds = array<i64: 1, 128>}, {transform_indices = @transform_3, window_bounds = array<i64: 1000, 128>}]} {
    %get3A = arith.constant 0 : index
    %get3A_0 = arith.constant 0 : index
    %get3A_1 = arith.constant 0 : index
    %get3A_2 = vector.load %arg1[%get3A, %get3A_0, %get3A_1] : memref<2x1000x64xf32, #tpu.memory_space<vmem>>, vector<1x1000x64xf32>
    %get3A_3 = vector.shape_cast %get3A_2 : vector<1x1000x64xf32> to vector<1000x64xf32>
    %get3A_4 = arith.constant 1 : index
    %get3A_5 = arith.constant 0 : index
    %get3A_6 = arith.constant 0 : index
    %get3A_7 = vector.load %arg1[%get3A_4, %get3A_5, %get3A_6] : memref<2x1000x64xf32, #tpu.memory_space<vmem>>, vector<1x1000x64xf32>
    %get3A_8 = vector.shape_cast %get3A_7 : vector<1x1000x64xf32> to vector<1000x64xf32>
    %concatenate3A = tpu.concatenate %get3A_3, %get3A_8 in 1 : vector<1000x64xf32>, vector<1000x64xf32> -> vector<1000x128xf32>
    %get3A_9 = arith.constant 0 : index
    %get3A_10 = arith.constant 0 : index
    %get3A_11 = vector.load %arg2[%get3A_9, %get3A_10] : memref<1000x1xf32, #tpu.memory_space<vmem>>, vector<1000x1xf32>
    %mul3A = vector.broadcast %get3A_11 : vector<1000x1xf32> to vector<1000x128xf32>
    %mul3A_12 = arith.mulf %concatenate3A, %mul3A : vector<1000x128xf32>
    %get3A_13 = arith.constant 0 : index
    %get3A_14 = arith.constant 0 : index
    %get3A_15 = vector.load %arg3[%get3A_13, %get3A_14] : memref<1x128xf32, #tpu.memory_space<vmem>>, vector<1x128xf32>
    %add3A = vector.broadcast %get3A_15 : vector<1x128xf32> to vector<1000x128xf32>
    %add3A_16 = arith.addf %mul3A_12, %add3A : vector<1000x128xf32>
    %max3A = arith.constant 0.000000e+00 : f32
    %max3A_17 = vector.broadcast %max3A : f32 to vector<1000x128xf32>
    %max3A_18 = arith.maximumf %add3A_16, %max3A_17 : vector<1000x128xf32>
    %swap3A = arith.constant 0 : index
    %swap3A_19 = arith.constant 0 : index
    %swap3A_20 = vector.load %arg4[%swap3A, %swap3A_19] : memref<1000x128xf32, #tpu.memory_space<vmem>>, vector<1000x128xf32>
    tpu.vector_store %arg4[%swap3A, %swap3A_19], %max3A_18 {strides = array<i32>} : memref<1000x128xf32, #tpu.memory_space<vmem>>, vector<1000x128xf32>,
    return
  }
  func.func @transform_0(%arg0: i32) -> (i32, i32, i32) {
    %c0_i32 = arith.constant 0 : i32
    %c0_i32_0 = arith.constant 0 : i32
    %c0_i32_1 = arith.constant 0 : i32
    return %c0_i32, %arg0, %c0_i32_0 : i32, i32, i32
  }
  func.func @transform_1(%arg0: i32) -> (i32, i32) {
    %c0_i32 = arith.constant 0 : i32
    %c0_i32_0 = arith.constant 0 : i32
    return %arg0, %c0_i32 : i32, i32
  }
  func.func @transform_2(%arg0: i32) -> (i32, i32) {
    %c0_i32 = arith.constant 0 : i32
    %c0_i32_0 = arith.constant 0 : i32
    %c0_i32_1 = arith.constant 0 : i32
    return %c0_i32, %c0_i32_0 : i32, i32
  }
  func.func @transform_3(%arg0: i32) -> (i32, i32) {
    %c0_i32 = arith.constant 0 : i32
    %c0_i32_0 = arith.constant 0 : i32
    return %arg0, %c0_i32 : i32, i32
  }
}

</mosaic_0001>

<sc_bundles>
// kernel: kernel.10.cloned.1.call-start
scs
__scs_entry_jumppad:
0x0: {  	(pc) =	sbr.rel $0x88, $3  }
0x1: {  	(tag) =	ssettag $0x0;
	lr =	simm.s32 $0x1  }
0x2: {  	[smem:$0x3F9B] =	sst lr;
	_ =	strace $0xD0000000  }
0x3: {  	_ = 	snop  }
0x4: {  	_ = 	snop  }
0x5: {  	_ = 	snop  }
0x6: {  	_ = 	snop  }
0x7: {  	_ = 	snop  }
__scs_overlays_trampoline_lowered:
0x8: {  	[smem:$0x3FAA] =	sst s0  }
0x9: {  	[smem:$0x3FAB] =	sst s1  }
0xa: {  	[smem:$0x3FAC] =	sst s2  }
0xb: {  	[smem:$0x3FAD] =	sst s3  }
0xc: {  	[smem:$0x3FAE] =	sst s4  }
0xd: {  	[smem:$0x3FAF] =	sst s5  }
0xe: {  	[smem:$0x3FB0] =	sst s6  }
0xf: {  	[smem:$0x3FB1] =	sst s7  }
0x10: {  	[smem:$0x3FB2] =	sst s8  }
0x11: {  	[smem:$0x3FB3] =	sst s9;
	s0 =	simm.s32 @!p0 $0x0  }
0x12: {  	s1 =	sld [smem:$0x3F99];
	s0 =	simm.s32 @p0 $0x1  }
0x13: {  	[smem:$0x3FB4] =	sst s0;
	s0 =	simm.s32 @!p1 $0x0  }
0x14: {  	s2 =	sld [smem:$0x3F98];
	s0 =	simm.s32 @p1 $0x1  }
0x15: {  	[smem:$0x3FB5] =	sst s0;
	s0 =	simm.s32 @!p2 $0x0  }
0x16: {  	s3 =	sld [smem:$0x3FDB];
	s0 =	simm.s32 @p2 $0x1  }
0x17: {  	s4 =	simm.s32 $0x1BF5;
	[smem:$0x3FB7] =	sst s0  }
0x18: {  	s0 =	sld [smem:$0x3F9A];
	_ =	swait.ge [sflag:s4], $0x0  }
0x19: {  	s7 =	sld [smem:$0x3F9B]  }
0x1a: {  	s8 =	sadd.s32 $0xFFFFE003, lr  }
0x1b: {  	s9 =	sadd.s32 $0xFFFFFEF7, lr;
	s5 =	simm.s32 $0xFFFFFFFF;
	p2 =	slt.u32 s8, $0xFFFFF086  }
0x1c: {  	p1 =	slt.u32 s9, $0xF7A;
	s5 =	simm.s32 @!p2 $0x0  }
0x1d: {  	s5 =	simm.s32 @p1 $0x1;
	p0 =	seq.s32 s7, s2  }
0x1e: {  	s7 =	smul.u32 @!p0 $0xF7A, s2;
	p2 =	seq.s32 @!p0 s5, $0x0  }
0x1f: {  	s9 =	smul.u32 $0xF7A, s1;
	s8 =	simm.s32 @!p0 $0x1BF5;
	p2 =	por !p2, p0  }
0x20: {  	[sflag:s8] =	ssyncset.s32 @!p0 $0xFFFFF086;
	s6 =	sadd.s32 @!p0 s3, s7;
	s7 =	simm.s32 @!p0 $0x108  }
0x21: {  	s3 =	sadd.s32 s3, s9;
	s6 =	sadd.s32 @!p0 $0x88, s6;
	s7 =	simm.s32 @p2 $0x1082  }
0x22: {  	[simem:s7], [sflag:s8] =	dma.local @!p0 [hbm:s6], $0xF7A  }
0x23: {  	s9 =	sor.u32 $0xD0000000, s2;
	s6 =	simm.s32 $0x108;
	_ =	swait.ge @!p0 [sflag:s8], $0x0  }
0x24: {  	s3 =	sadd.s32 $0x88, s3;
	s6 =	simm.s32 @!p1 $0x1082;
	[sflag:s4] =	ssyncset.s32 $0xFFFFF086  }
0x25: {  	[simem:s6], [sflag:s4] =	dma.local [hbm:s3], $0xF7A  }
0x26: {  	[smem:$0x3F9B] =	sst s1;
	(tag) =	ssettag s2;
	_ =	strace s9  }
0x27: {  	s1 =	sld [smem:$0x3FAB]  }
0x28: {  	s2 =	sld [smem:$0x3FAC]  }
0x29: {  	s4 =	sld [smem:$0x3FAE]  }
0x2a: {  	p0 =	seq.s32 s5, $0x0;
	s5 =	sld [smem:$0x3FAF]  }
0x2b: {  	s6 =	sld [smem:$0x3FB0]  }
0x2c: {  	s7 =	sld [smem:$0x3FB1]  }
0x2d: {  	s3 =	simm.s32 $0x108;
	s8 =	sld [smem:$0x3FB2]  }
0x2e: {  	s3 =	simm.s32 @!p0 $0x1082;
	s9 =	sld [smem:$0x3FB3]  }
0x2f: {  	lr =	sadd.s32 s0, s3;
	s0 =	sld [smem:$0x3FAA]  }
0x30: {  	s3 =	sld [smem:$0x3FAD]  }
0x31: {  	[smem:$0x3FB6] =	sst s10  }
0x32: {  	s10 =	sld [smem:$0x3FB4];
	_ =	sdelay $0x3  }
0x33: {  	p0 =	seq.s32 s10, $0x1;
	s10 =	sld [smem:$0x3FB6];
	_ =	sdelay $0x3  }
0x34: {  	[smem:$0x3FB6] =	sst s10  }
0x35: {  	s10 =	sld [smem:$0x3FB5];
	_ =	sdelay $0x3  }
0x36: {  	p1 =	seq.s32 s10, $0x1;
	s10 =	sld [smem:$0x3FB6];
	_ =	sdelay $0x3  }
0x37: {  	[smem:$0x3FB6] =	sst s10  }
0x38: {  	s10 =	sld [smem:$0x3FB7]  }
0x39: {  	_ = 	snop;
	(pc) =	sbr.ind lr, $3  }
0x3a: {  	_ = 	snop  }
0x3b: {  	_ = 	snop  }
0x3c: {  	p2 =	seq.s32 s10, $0x1;
	s10 =	sld [smem:$0x3FB6]  }
0x3d: {  	_ =	shalt  }
0x3e: {  	_ =	shalt  }
0x3f: {  	_ =	shalt  }
0x40: {  	_ =	shalt  }
0x41: {  	_ =	shalt  }
0x42: {  	_ =	shalt  }
0x43: {  	_ =	shalt  }
0x44: {  	_ =	shalt  }
0x45: {  	_ =	shalt  }
0x46: {  	_ =	shalt  }
0x47: {  	_ =	shalt  }
0x48: {  	_ =	shalt  }
0x49: {  	_ =	shalt  }
0x4a: {  	_ =	shalt  }
0x4b: {  	_ =	shalt  }
0x4c: {  	_ =	shalt  }
0x4d: {  	_ =	shalt  }
0x4e: {  	_ =	shalt  }
0x4f: {  	_ =	shalt  }
0x50: {  	_ =	shalt  }
0x51: {  	_ =	shalt  }
0x52: {  	_ =	shalt  }
0x53: {  	_ =	shalt  }
0x54: {  	_ =	shalt  }
0x55: {  	_ =	shalt  }
0x56: {  	_ =	shalt  }
0x57: {  	_ =	shalt  }
0x58: {  	_ =	shalt  }
0x59: {  	_ =	shalt  }
0x5a: {  	_ =	shalt  }
0x5b: {  	_ =	shalt  }
0x5c: {  	_ =	shalt  }
0x5d: {  	_ =	shalt  }
0x5e: {  	_ =	shalt  }
0x5f: {  	_ =	shalt  }
0x60: {  	_ =	shalt  }
0x61: {  	_ =	shalt  }
0x62: {  	_ =	shalt  }
0x63: {  	_ =	shalt  }
0x64: {  	_ =	shalt  }
0x65: {  	_ =	shalt  }
0x66: {  	_ =	shalt  }
0x67: {  	_ =	shalt  }
0x68: {  	_ =	shalt  }
0x69: {  	_ =	shalt  }
0x6a: {  	_ =	shalt  }
0x6b: {  	_ =	shalt  }
0x6c: {  	_ =	shalt  }
0x6d: {  	_ =	shalt  }
0x6e: {  	_ =	shalt  }
0x6f: {  	_ =	shalt  }
0x70: {  	_ =	shalt  }
0x71: {  	_ =	shalt  }
0x72: {  	_ =	shalt  }
0x73: {  	_ =	shalt  }
0x74: {  	_ =	shalt  }
0x75: {  	_ =	shalt  }
0x76: {  	_ =	shalt  }
0x77: {  	_ =	shalt  }
0x78: {  	_ =	shalt  }
0x79: {  	_ =	shalt  }
0x7a: {  	_ =	shalt  }
0x7b: {  	_ =	shalt  }
0x7c: {  	_ =	shalt  }
0x7d: {  	_ =	shalt  }
0x7e: {  	_ =	shalt  }
0x7f: {  	_ =	shalt  }
0x80: {  	_ =	shalt  }
0x81: {  	_ =	shalt  }
0x82: {  	_ =	shalt  }
0x83: {  	_ =	shalt  }
0x84: {  	_ =	shalt  }
0x85: {  	_ =	shalt  }
0x86: {  	_ =	shalt  }
0x87: {  	_ =	shalt  }
.Lfunc_end0:
.L_simem_size_0:
called_computation.1_lowered:
.L_overlay_start_0:
0x88: {  	s2 =	sld [smem:$0x3FD9]  }
0x89: {  	s3 =	sld [smem:$0x3FFE];
	_ =	sdelay $0x1  }
0x8a: {  	s1 =	srdreg.scid  }
0x8b: {  	s0 =	sand.u32 $0x1, s1  }
0x8c: {  	s17 =	sshll.u32 s0, $0xA;
	s2 =	sadd.s32 s3, s2  }
0x8d: {  	s2 =	sadd.s32 s2, s17  }
0x8e: {  	[smem:$0x3FC2] =	sst s2  }
0x8f: {  	_ = 	snop  }
0x90: {  	s2 =	sld [smem:$0x3FD0];
	(tm) =	ssettm $0x1  }
0x91: {  	s18 =	sld [smem:$0x3FFB];
	_ =	sdelay $0x3  }
0x92: {  	_ =	strace s18  }
0x93: {  	s3 =	sld [smem:$0x3FFC];
	_ =	sdelay $0x3  }
0x94: {  	_ =	strace s3  }
0x95: {  	s3 =	sld [smem:$0x3FFD];
	_ =	sdelay $0x3  }
0x96: {  	_ =	strace s3  }
0x97: {  	_ =	strace $0x8FFFFFFF  }
0x98: {  	s19 =	sld [smem:$0x3FDB];
	_ =	sdelay $0x1  }
0x99: {  	s4 =	simm.s32 $_scs_section_size  }
0x9a: {  	s5 =	simm.s32 $_size__tile_overlayer_lowered;
	s6 =	simm.s32 $_tile_overlayer_lowered  }
0x9b: {  	s22 =	simm.s32 $0x1BFF;
	s21 =	sshll.u32 s6, $0x1;
	s3 =	sadd.s32 s4, s19  }
0x9c: {  	s7 =	simm.s32 $0x0;
	s20 =	sshll.u32 s5, $0x1;
	s5 =	sadd.s32 s21, s3  }
0x9d: {  	[timem:s7], [sflag:s22] =	dma.local [hbm:s5], s20  }
0x9e: {  	_ =	swait.ge [sflag:s22], s20  }
0x9f: {  	s4 =	ssub.s32 $0x0, s20;
	[sflag:s22] =	ssyncset.done $0x0  }
0xa0: {  	[sflag:s22] =	ssyncadd.s32 s4;
	_ =	sdelay $0x1  }
0xa1: {  	s23 =	simm.s32 $0x1B8B  }
0xa2: {  	_ =	swait.ge [sflag:s23], $0x1  }
0xa3: {  	[sflag:s23] =	ssyncset.done $0x0  }
0xa4: {  	s25 =	simm.s32 $0x1B8E;
	s24 =	sld [smem:$0x3FFE];
	[sflag:s23] =	ssyncadd.s32 $0xFFFFFFFF  }
0xa5: {  	s26 =	simm.s32 $execute0_lowered;
	[smem:$0x3FD2] =	sst s25  }
0xa6: {  	s5 =	sshll.u32 s26, $0x1;
	_ =	strace $0x80000049;
	[dreg:$0x1] =	wrdreg $0xFFFFFFFF  }
0xa7: {  	s28 =	simm.s32 $_size_execute0_lowered;
	s3 =	sadd.s32 s3, s5;
	[dreg:$0x0] =	wrdreg $0x0  }
0xa8: {  	s5 =	sshll.u32 s28, $0x1;
	[dreg:$0x2] =	wrdreg s3  }
0xa9: {  	[dreg:$0x3] =	wrdreg s5  }
0xaa: {  	[dreg:$0x4] =	wrdreg $0xC0  }
0xab: {  	_ =	task [dreg:s7], $0x5FFFF  }
0xac: {  	[dreg:$0x1] =	wrdreg $0xFFFFFFFF  }
0xad: {  	[dreg:$0x0] =	wrdreg $0x60  }
0xae: {  	[dreg:$0x2] =	wrdreg s24  }
0xaf: {  	[dreg:$0x3] =	wrdreg s2  }
0xb0: {  	[dreg:$0x4] =	wrdreg $0x102000  }
0xb1: {  	[dreg:$0x5] =	wrdreg $0x150200  }
0xb2: {  	[dreg:$0x6] =	wrdreg $0x9  }
0xb3: {  	_ =	task.clear_ibuf [dreg:s7], $0x7FFFF;
	_ =	strace $0x90000049  }
0xb4: {  	s29 =	simm.s32 $0x9;
	_ =	strace $0x8000004B  }
0xb5: {  	_ =	swait.ge [sflag:s29], $0x1  }
0xb6: {  	[sflag:s29] =	ssyncadd.s32 $0xFFFFFFFF  }
0xb7: {  	_ =	strace $0x9000004B  }
0xb8: {  	_ =	sfence  }
0xb9: {  	s30 =	sld [smem:$0x0];
	_ =	sdelay $0x2  }
0xba: {  	s31 =	sshll.u32 s1, $0xD;
	s1 =	sshrl.u32 s1, $0x2  }
0xbb: {  	s3 =	sand.u32 $0x4000, s31;
	s1 =	sadd.s32 s1, s30  }
0xbc: {  	s0 =	sor.u32 s3, s0;
	s1 =	sshll.u32 s1, $0x11  }
0xbd: {  	s0 =	sor.u32 s1, s0  }
0xbe: {  	s0 =	sadd.s32 $0x8F2B, s0  }
0xbf: {  	[sflag:s0] =	ssyncadd.remote.s32 $0x1  }
0xc0: {  	_ =	sfence.sel $0xFFFF  }
0xc1: {  	[dreg:$0x0] =	wrdreg $0xFFFFFFFF;
	(pc) =	sbr.abs _section_cstart, $3  }
0xc2: {  	[dreg:$0x1] =	wrdreg $0xFFFFFFFF  }
0xc3: {  	_ =	task.clear_ibuf [dreg:s7], $0x2FFFF;
	_ =	strace $0x9FFFFFFF  }
0xc4: {  	(tm) =	ssettm $0x7FFFFFFF  }
0xc5: {  	_ =	shalt  }
tec
execute0_lowered:
.L_overlay_start_1:
0x0: {  	(tag) =	ssettag $0x1  }
0x1: {  	s0 =	rddreg [dreg:$0x0]  }
0x2: {  	s1 =	rddreg [dreg:$0x1]  }
0x3: {  	s2 =	rddreg [dreg:$0x2]  }
0x4: {  	s3 =	rddreg [dreg:$0x3];
	s15 =	stileid.u32  }
0x5: {  	s5 =	simm.s32 $0x0;
	s4 =	srdreg.scid;
	s16 =	smul.u32 $0xA00, s15  }
0x6: {  	s13 =	simm.s32 $0x5;
	s28 =	simm.s32 $0x2;
	s9 =	smul.u32 $0x9C40, s15  }
0x7: {  	s29 =	simm.s32 $0xA180;
	s30 =	simm.s32 $0xE200;
	s18 =	smul.u32 $0x27800, s15  }
0x8: {  	s31 =	simm.s32 $0x3;
	s4 =	sand.u32 $0x1, s4;
	s21 =	smul.u32 $0x9E00, s15  }
0x9: {  	[smem:$0x7FF] =	sst s5;
	s26 =	sshll.u32 s15, $0x6;
	s6 =	smul.u32 $0x13C00, s4  }
0xa: {  	_ =	strace $0x8000004A;
	s7 =	ssub.s32 $0x2, s4;
	s4 =	smul.u32 $0x9C40, s4  }
0xb: {  	s5 =	sadd.s32 s16, s0;
	s8 =	sshrl.u32 s7, $0x1;
	s20 =	sshrl.u32 s9, $0x1  }
0xc: {  	s14 =	sshrl.u32 s9, $0x4;
	s25 =	sshrl.u32 s21, $0x3;
	s16 =	sor.u32 $0x1C05, s26  }
0xd: {  	s26 =	simm.s32 $0xA100;
	s0 =	sadd.s32 s6, s0;
	s17 =	ssub.s32 s7, s8  }
0xe: {  	s19 =	sadd.s32 $0x78600, s5;
	s5 =	sadd.s32 $0x6E600, s5;
	s7 =	sshrl.u32 s18, $0x2  }
0xf: {  	s1 =	sadd.s32 s1, s4;
	s18 =	simm.s32 $0xC200;
	[dreg:$0x5] =	wrdreg s19  }
0x10: {  	[dreg:$0x6] =	wrdreg s5;
	s5 =	sadd.s32 s20, s2;
	s22 =	sadd.s32 s7, s3  }
0x11: {  	s7 =	sadd.s32 s21, s3;
	s0 =	sadd.s32 $0x1600, s0;
	s12 =	smax.u32 s17, $0x1  }
0x12: {  	s15 =	sadd.s32 s14, s1;
	s19 =	simm.s32 $0x80;
	s1 =	simm.s32 $0x0  }
0x13: {  	s23 =	sadd.s32 $0x2000, s22;
	s24 =	sadd.s32 $0x4000, s22;
	s10 =	sadd.s32 $0x6000, s22  }
0x14: {  	s11 =	sadd.s32 $0x8000, s22;
	s17 =	sshrl.u32 s5, $0x3;
	[dreg:$0x7] =	wrdreg s23  }
0x15: {  	s22 =	simm.s32 $0xA080;
	[dreg:$0x8] =	wrdreg s24;
	s23 =	simm.s32 $0xB200  }
0x16: {  	v0 =	vimm.f32 $0.0e+00;
	s24 =	sadd.s32 s25, s0;
	s25 =	simm.s32 $0x1;
	s0 =	simm.s32 $0x4  }
.LBB2_1:
0x17: {  	s4 =	simm.s32 $0x0;
	s5 =	rddreg [dreg:$0x5]  }
0x18: {  	[tilespmem:s4], [sflag:$0x5] =	stream.linear.gather [hbm4b:s5+s4], $0x5000, $0x38;
	[tilespmem:$0x1EE20] =	vst v63  }
0x19: {  	_ =	swait.ge [sflag:s13], $0x5000  }
0x1a: {  	[sflag:s13] =	ssyncset.done $0x0  }
0x1b: {  	s6 =	simm.s32 $0x5000;
	s21 =	rddreg [dreg:$0x6];
	[sflag:s13] =	ssyncadd.s32 $0xFFFFB000  }
0x1c: {  	[tilespmem:s6], [sflag:$0x5] =	stream.linear.gather [hbm4b:s21+s4], $0x5000, $0x38;
	[tilespmem:$0x1EE20] =	vst v63  }
0x1d: {  	_ =	swait.ge [sflag:s13], $0x5000  }
0x1e: {  	[sflag:s13] =	ssyncset.done $0x0  }
0x1f: {  	[sflag:s13] =	ssyncadd.s32 $0xFFFFB000  }
0x20: {  	[spmem:s17], [sflag:s16] =	dma.local [hbm:s15], $0x9C4  }
0x21: {  	_ =	swait.ge [sflag:s13], $0x9C4  }
0x22: {  	[sflag:s13] =	ssyncset.done $0x0  }
0x23: {  	s5 =	simm.s32 $0x100;
	s4 =	simm.s32 $0x0;
	[sflag:s13] =	ssyncadd.s32 $0xFFFFF63C  }
.LBB2_2:
0x24: {  	p0 =	sne.s32 s5, $0x7F00;
	[tilespmem:s4+$0xC230] =	vst v0;
	s6 =	smov.u32 s5;
	s5 =	sadd.s32 $0x100, s5  }
.Ltmp0:
0x25: {  	[tilespmem:s4+$0xC220] =	vst v0;
	(pc) =	sbr.rel @p0 .LBB2_2-.Ltmp0, $3  }
0x26: {  	[tilespmem:s4+$0xC200] =	vst v0  }
0x27: {  	[tilespmem:s4+$0xC210] =	vst v0;
	_ =	sdelay $0x1  }
0x28: {  	s4 =	sshra.s32 s6, $0x2  }
0x29: {  	[tilespmem:s4+$0xC230] =	vst v0  }
0x2a: {  	[tilespmem:s4+$0xC220] =	vst v0  }
0x2b: {  	[tilespmem:s4+$0xC200] =	vst v0  }
0x2c: {  	[tilespmem:s4+$0xC210] =	vst v0  }
0x2d: {  	[spmem:s7] =	stream.linear.scatter [tilespmem:s18], [sflag:$0x5], $0x2000, $0x38;
	[tilespmem:$0x1EE20] =	vst v63  }
0x2e: {  	_ =	swait.ge [sflag:s13], $0x2000  }
0x2f: {  	[sflag:s13] =	ssyncset.done $0x0  }
0x30: {  	s14 =	rddreg [dreg:$0x7];
	[sflag:s13] =	ssyncadd.s32 $0xFFFFE000  }
0x31: {  	[spmem:s14] =	stream.linear.scatter [tilespmem:s18], [sflag:$0x5], $0x2000, $0x38;
	[tilespmem:$0x1EE20] =	vst v63  }
0x32: {  	_ =	swait.ge [sflag:s13], $0x2000  }
0x33: {  	[sflag:s13] =	ssyncset.done $0x0  }
0x34: {  	s20 =	rddreg [dreg:$0x8];
	[sflag:s13] =	ssyncadd.s32 $0xFFFFE000  }
0x35: {  	[spmem:s20] =	stream.linear.scatter [tilespmem:s18], [sflag:$0x5], $0x2000, $0x38;
	[tilespmem:$0x1EE20] =	vst v63  }
0x36: {  	_ =	swait.ge [sflag:s13], $0x2000  }
0x37: {  	[sflag:s13] =	ssyncset.done $0x0  }
0x38: {  	[sflag:s13] =	ssyncadd.s32 $0xFFFFE000  }
0x39: {  	[spmem:s10] =	stream.linear.scatter [tilespmem:s18], [sflag:$0x5], $0x2000, $0x38;
	[tilespmem:$0x1EE20] =	vst v63  }
0x3a: {  	_ =	swait.ge [sflag:s13], $0x2000  }
0x3b: {  	[sflag:s13] =	ssyncset.done $0x0  }
0x3c: {  	[sflag:s13] =	ssyncadd.s32 $0xFFFFE000  }
0x3d: {  	[spmem:s11] =	stream.linear.scatter [tilespmem:s18], [sflag:$0x5], $0x1E00, $0x38;
	[tilespmem:$0x1EE20] =	vst v63  }
0x3e: {  	_ =	swait.ge [sflag:s13], $0x1E00  }
0x3f: {  	[sflag:s13] =	ssyncset.done $0x0  }
0x40: {  	[sflag:s13] =	ssyncadd.s32 $0xFFFFE200  }
0x41: {  	[bflag:$0x0] =	sbarrier.arrive $0xFFFF  }
0x42: {  	v1 =	vld [tilespmem:$0x0];
	_ =	sdelay $0x1  }
0x43: {  	v2 =	vld [tilespmem:$0x10];
	_ =	sdelay $0x1  }
0x44: {  	v3 =	vld [tilespmem:$0x20]  }
0x45: {  	v4 =	vand.u32 $0xFFFF, v1  }
0x46: {  	v62 =	vld [tilespmem:$0x30];
	v1 =	vshrl.u32 v1, $0x10;
	[tilespmem:$0xA000] =	vst v4  }
0x47: {  	[tilespmem:$0xA100] =	vst v1;
	v1 =	vand.u32 $0xFFFF, v2  }
0x48: {  	[tilespmem:$0xA010] =	vst v1;
	v1 =	vshrl.u32 v2, $0x10;
	v2 =	vld [tilespmem:$0x40]  }
0x49: {  	[tilespmem:$0xA110] =	vst v1;
	v1 =	vand.u32 $0xFFFF, v3  }
0x4a: {  	[tilespmem:$0xA020] =	vst v1;
	v1 =	vshrl.u32 v3, $0x10;
	v3 =	vld [tilespmem:$0x50]  }
0x4b: {  	[tilespmem:$0xA120] =	vst v1;
	v1 =	vand.u32 $0xFFFF, v62  }
0x4c: {  	v63 =	vld [tilespmem:$0x60];
	[tilespmem:$0xA030] =	vst v1;
	v1 =	vshrl.u32 v62, $0x10  }
0x4d: {  	[tilespmem:$0xA130] =	vst v1;
	v1 =	vand.u32 $0xFFFF, v2  }
0x4e: {  	[tilespmem:$0xA040] =	vst v1;
	v1 =	vshrl.u32 v2, $0x10;
	v2 =	vld [tilespmem:$0x70]  }
0x4f: {  	[tilespmem:$0xA140] =	vst v1;
	v1 =	vand.u32 $0xFFFF, v3  }
0x50: {  	[tilespmem:$0xA050] =	vst v1;
	v1 =	vshrl.u32 v3, $0x10  }
0x51: {  	[tilespmem:$0xA150] =	vst v1;
	v1 =	vand.u32 $0xFFFF, v63  }
0x52: {  	[tilespmem:$0xA060] =	vst v1;
	v1 =	vshrl.u32 v63, $0x10  }
0x53: {  	[tilespmem:$0xA160] =	vst v1;
	v1 =	vand.u32 $0xFFFF, v2  }
0x54: {  	[tilespmem:$0xA070] =	vst v1;
	v1 =	vshrl.u32 v2, $0x10  }
0x55: {  	s21 =	simm.s32 $0xA000;
	s5 =	simm.s32 $0xA200;
	[tilespmem:$0xA170] =	vst v1  }
0x56: {  	[tilespmem:s5], [sflag:$0x1] =	stream.indirect.gather [spmem:s2], $0x20, s21, s19, $0xb8;
	[tilespmem:$0x1EE20] =	vst v63  }
0x57: {  	s14 =	simm.s32 $0x0;
	s20 =	simm.s32 $0x5000;
	s21 =	simm.s32 $0x5080  }
.LBB2_4:
0x58: {  	p0 =	seq.s32 s14, $0x0  }
0x59: {  	s5 =	simm.s32 @!p0 $0x4  }
0x5a: {  	s4 =	sshll.u32 s14, $0xA;
	_ =	swait.ge @!p0 [sflag:s5], $0x2000  }
0x5b: {  	s6 =	sor.u32 $0x200, s4;
	[sflag:s5] =	ssyncset.done @!p0 $0x0  }
0x5c: {  	s9 =	sshra.s32 s6, $0x2;
	[sflag:s5] =	ssyncadd.s32 @!p0 $0xFFFFE000  }
0x5d: {  	v1 =	vld [tilespmem:s9+$0x0];
	_ =	sdelay $0x4  }
0x5e: {  	v2 =	vand.u32 $0xFFFF, v1  }
0x5f: {  	v1 =	vshrl.u32 v1, $0x10;
	[tilespmem:$0xA080] =	vst v2  }
0x60: {  	[tilespmem:$0xA180] =	vst v1  }
0x61: {  	v1 =	vld [tilespmem:s9+$0x10];
	_ =	sdelay $0x4  }
0x62: {  	v2 =	vand.u32 $0xFFFF, v1  }
0x63: {  	v1 =	vshrl.u32 v1, $0x10;
	[tilespmem:$0xA090] =	vst v2  }
0x64: {  	[tilespmem:$0xA190] =	vst v1  }
0x65: {  	v1 =	vld [tilespmem:s9+$0x20];
	_ =	sdelay $0x4  }
0x66: {  	v2 =	vand.u32 $0xFFFF, v1  }
0x67: {  	v1 =	vshrl.u32 v1, $0x10;
	[tilespmem:$0xA0A0] =	vst v2  }
0x68: {  	[tilespmem:$0xA1A0] =	vst v1  }
0x69: {  	v1 =	vld [tilespmem:s9+$0x30];
	_ =	sdelay $0x4  }
0x6a: {  	v2 =	vand.u32 $0xFFFF, v1  }
0x6b: {  	v1 =	vshrl.u32 v1, $0x10;
	[tilespmem:$0xA0B0] =	vst v2  }
0x6c: {  	[tilespmem:$0xA1B0] =	vst v1  }
0x6d: {  	v1 =	vld [tilespmem:s9+$0x40];
	_ =	sdelay $0x4  }
0x6e: {  	v2 =	vand.u32 $0xFFFF, v1  }
0x6f: {  	v1 =	vshrl.u32 v1, $0x10;
	[tilespmem:$0xA0C0] =	vst v2  }
0x70: {  	[tilespmem:$0xA1C0] =	vst v1  }
0x71: {  	v1 =	vld [tilespmem:s9+$0x50];
	_ =	sdelay $0x4  }
0x72: {  	v2 =	vand.u32 $0xFFFF, v1  }
0x73: {  	v1 =	vshrl.u32 v1, $0x10;
	[tilespmem:$0xA0D0] =	vst v2  }
0x74: {  	[tilespmem:$0xA1D0] =	vst v1  }
0x75: {  	v1 =	vld [tilespmem:s9+$0x60];
	_ =	sdelay $0x4  }
0x76: {  	v2 =	vand.u32 $0xFFFF, v1  }
0x77: {  	v1 =	vshrl.u32 v1, $0x10;
	[tilespmem:$0xA0E0] =	vst v2  }
0x78: {  	[tilespmem:$0xA1E0] =	vst v1  }
0x79: {  	v1 =	vld [tilespmem:s9+$0x70];
	_ =	sdelay $0x4  }
0x7a: {  	v2 =	vand.u32 $0xFFFF, v1  }
0x7b: {  	v1 =	vshrl.u32 v1, $0x10;
	[tilespmem:$0xA0F0] =	vst v2  }
0x7c: {  	[tilespmem:$0xA1F0] =	vst v1  }
0x7d: {  	v1 =	vmov s20;
	[tilespmem:s23], [sflag:$0x2] =	stream.indirect.gather [spmem:s2], $0x20, s22, s19, $0xb8;
	[tilespmem:$0x1EE20] =	vst v63  }
0x7e: {  	_ =	swait.ge [sflag:s25], $0x1000  }
0x7f: {  	s8 =	simm.s32 $0x0;
	[sflag:s25] =	ssyncset.done $0x0  }
0x80: {  	s6 =	simm.s32 $0xA300;
	s5 =	simm.s32 $0xC400;
	[sflag:s25] =	ssyncadd.s32 $0xFFFFF000  }
.LBB2_5:
0x81: {  	s9 =	sshra.s32 s8, $0x2  }
0x82: {  	v2 =	vld.idx.msk [tilespmem:v1+s9+$0x0 ss:$0x1], $0xffff  }
0x83: {  	v3 =	vld [tilespmem:s6+$0xFFFFFF00];
	_ =	sdelay $0x3  }
0x84: {  	v4 =	vbroadcast v2, $0x0  }
0x85: {  	v5 =	vunpack.i.l.bf16.f32 v3  }
0x86: {  	v3 =	vunpack.i.u.bf16.f32 v3;
	v5 =	vmul.f32 v5, v4  }
0x87: {  	v3 =	vmul.f32 v3, v4  }
0x88: {  	[tilespmem:s5+$0xFFFFFE00] =	vst v5  }
0x89: {  	[tilespmem:s5+$0xFFFFFE10] =	vst v3  }
0x8a: {  	v3 =	vld [tilespmem:s6+$0xFFFFFF10];
	_ =	sdelay $0x4  }
0x8b: {  	v19 =	vunpack.i.l.bf16.f32 v3  }
0x8c: {  	v3 =	vunpack.i.u.bf16.f32 v3;
	v5 =	vmul.f32 v19, v4  }
0x8d: {  	v3 =	vmul.f32 v3, v4  }
0x8e: {  	[tilespmem:s5+$0xFFFFFE20] =	vst v5  }
0x8f: {  	[tilespmem:s5+$0xFFFFFE30] =	vst v3  }
0x90: {  	v3 =	vld [tilespmem:s6+$0xFFFFFF20];
	_ =	sdelay $0x3  }
0x91: {  	v20 =	vbroadcast v2, $0x1  }
0x92: {  	v21 =	vunpack.i.l.bf16.f32 v3  }
0x93: {  	v3 =	vunpack.i.u.bf16.f32 v3;
	v5 =	vmul.f32 v21, v20  }
0x94: {  	v3 =	vmul.f32 v3, v20  }
0x95: {  	[tilespmem:s5+$0xFFFFFE40] =	vst v5  }
0x96: {  	[tilespmem:s5+$0xFFFFFE50] =	vst v3  }
0x97: {  	v3 =	vld [tilespmem:s6+$0xFFFFFF30];
	_ =	sdelay $0x4  }
0x98: {  	v22 =	vunpack.i.l.bf16.f32 v3  }
0x99: {  	v3 =	vunpack.i.u.bf16.f32 v3;
	v5 =	vmul.f32 v22, v20  }
0x9a: {  	v3 =	vmul.f32 v3, v20  }
0x9b: {  	[tilespmem:s5+$0xFFFFFE60] =	vst v5  }
0x9c: {  	[tilespmem:s5+$0xFFFFFE70] =	vst v3  }
0x9d: {  	v3 =	vld [tilespmem:s6+$0xFFFFFF40];
	_ =	sdelay $0x3  }
0x9e: {  	v23 =	vbroadcast v2, $0x2  }
0x9f: {  	v24 =	vunpack.i.l.bf16.f32 v3  }
0xa0: {  	v3 =	vunpack.i.u.bf16.f32 v3;
	v5 =	vmul.f32 v24, v23  }
0xa1: {  	v3 =	vmul.f32 v3, v23  }
0xa2: {  	[tilespmem:s5+$0xFFFFFE80] =	vst v5  }
0xa3: {  	[tilespmem:s5+$0xFFFFFE90] =	vst v3  }
0xa4: {  	v3 =	vld [tilespmem:s6+$0xFFFFFF50];
	_ =	sdelay $0x4  }
0xa5: {  	v25 =	vunpack.i.l.bf16.f32 v3  }
0xa6: {  	v3 =	vunpack.i.u.bf16.f32 v3;
	v5 =	vmul.f32 v25, v23  }
0xa7: {  	v3 =	vmul.f32 v3, v23  }
0xa8: {  	[tilespmem:s5+$0xFFFFFEA0] =	vst v5  }
0xa9: {  	[tilespmem:s5+$0xFFFFFEB0] =	vst v3  }
0xaa: {  	v3 =	vld [tilespmem:s6+$0xFFFFFF60];
	_ =	sdelay $0x3  }
0xab: {  	v26 =	vbroadcast v2, $0x3  }
0xac: {  	v27 =	vunpack.i.l.bf16.f32 v3  }
0xad: {  	v3 =	vunpack.i.u.bf16.f32 v3;
	v5 =	vmul.f32 v27, v26  }
0xae: {  	v3 =	vmul.f32 v3, v26  }
0xaf: {  	[tilespmem:s5+$0xFFFFFEC0] =	vst v5  }
0xb0: {  	[tilespmem:s5+$0xFFFFFED0] =	vst v3  }
0xb1: {  	v3 =	vld [tilespmem:s6+$0xFFFFFF70];
	_ =	sdelay $0x4  }
0xb2: {  	v28 =	vunpack.i.l.bf16.f32 v3  }
0xb3: {  	v3 =	vunpack.i.u.bf16.f32 v3;
	v5 =	vmul.f32 v28, v26  }
0xb4: {  	v3 =	vmul.f32 v3, v26  }
0xb5: {  	[tilespmem:s5+$0xFFFFFEE0] =	vst v5  }
0xb6: {  	[tilespmem:s5+$0xFFFFFEF0] =	vst v3  }
0xb7: {  	v3 =	vld [tilespmem:s6+$0xFFFFFF80];
	_ =	sdelay $0x3  }
0xb8: {  	v29 =	vbroadcast v2, $0x4  }
0xb9: {  	v30 =	vunpack.i.l.bf16.f32 v3  }
0xba: {  	v3 =	vunpack.i.u.bf16.f32 v3;
	v5 =	vmul.f32 v30, v29  }
0xbb: {  	v3 =	vmul.f32 v3, v29  }
0xbc: {  	[tilespmem:s5+$0xFFFFFF00] =	vst v5  }
0xbd: {  	[tilespmem:s5+$0xFFFFFF10] =	vst v3  }
0xbe: {  	v3 =	vld [tilespmem:s6+$0xFFFFFF90];
	_ =	sdelay $0x4  }
0xbf: {  	v31 =	vunpack.i.l.bf16.f32 v3  }
0xc0: {  	v3 =	vunpack.i.u.bf16.f32 v3;
	v5 =	vmul.f32 v31, v29  }
0xc1: {  	v3 =	vmul.f32 v3, v29  }
0xc2: {  	[tilespmem:s5+$0xFFFFFF20] =	vst v5  }
0xc3: {  	[tilespmem:s5+$0xFFFFFF30] =	vst v3  }
0xc4: {  	v3 =	vld [tilespmem:s6+$0xFFFFFFA0];
	_ =	sdelay $0x3  }
0xc5: {  	v32 =	vbroadcast v2, $0x5  }
0xc6: {  	v33 =	vunpack.i.l.bf16.f32 v3  }
0xc7: {  	v3 =	vunpack.i.u.bf16.f32 v3;
	v5 =	vmul.f32 v33, v32  }
0xc8: {  	v3 =	vmul.f32 v3, v32  }
0xc9: {  	[tilespmem:s5+$0xFFFFFF40] =	vst v5  }
0xca: {  	[tilespmem:s5+$0xFFFFFF50] =	vst v3  }
0xcb: {  	v3 =	vld [tilespmem:s6+$0xFFFFFFB0];
	_ =	sdelay $0x4  }
0xcc: {  	v34 =	vunpack.i.l.bf16.f32 v3  }
0xcd: {  	v3 =	vunpack.i.u.bf16.f32 v3;
	v5 =	vmul.f32 v34, v32  }
0xce: {  	v3 =	vmul.f32 v3, v32  }
0xcf: {  	[tilespmem:s5+$0xFFFFFF60] =	vst v5  }
0xd0: {  	[tilespmem:s5+$0xFFFFFF70] =	vst v3  }
0xd1: {  	v3 =	vld [tilespmem:s6+$0xFFFFFFC0];
	_ =	sdelay $0x3  }
0xd2: {  	v35 =	vbroadcast v2, $0x6  }
0xd3: {  	v36 =	vunpack.i.l.bf16.f32 v3  }
0xd4: {  	v3 =	vunpack.i.u.bf16.f32 v3;
	v5 =	vmul.f32 v36, v35  }
0xd5: {  	v3 =	vmul.f32 v3, v35  }
0xd6: {  	[tilespmem:s5+$0xFFFFFF80] =	vst v5  }
0xd7: {  	[tilespmem:s5+$0xFFFFFF90] =	vst v3  }
0xd8: {  	v3 =	vld [tilespmem:s6+$0xFFFFFFD0];
	_ =	sdelay $0x4  }
0xd9: {  	v37 =	vunpack.i.l.bf16.f32 v3  }
0xda: {  	v3 =	vunpack.i.u.bf16.f32 v3;
	v5 =	vmul.f32 v37, v35  }
0xdb: {  	v3 =	vmul.f32 v3, v35  }
0xdc: {  	[tilespmem:s5+$0xFFFFFFA0] =	vst v5  }
0xdd: {  	[tilespmem:s5+$0xFFFFFFB0] =	vst v3  }
0xde: {  	v3 =	vld [tilespmem:s6+$0xFFFFFFE0];
	_ =	sdelay $0x3  }
0xdf: {  	v38 =	vbroadcast v2, $0x7  }
0xe0: {  	v39 =	vunpack.i.l.bf16.f32 v3  }
0xe1: {  	v3 =	vunpack.i.u.bf16.f32 v3;
	v5 =	vmul.f32 v39, v38  }
0xe2: {  	v3 =	vmul.f32 v3, v38  }
0xe3: {  	[tilespmem:s5+$0xFFFFFFC0] =	vst v5  }
0xe4: {  	[tilespmem:s5+$0xFFFFFFD0] =	vst v3  }
0xe5: {  	v3 =	vld [tilespmem:s6+$0xFFFFFFF0];
	_ =	sdelay $0x4  }
0xe6: {  	v40 =	vunpack.i.l.bf16.f32 v3  }
0xe7: {  	v3 =	vunpack.i.u.bf16.f32 v3;
	v5 =	vmul.f32 v40, v38  }
0xe8: {  	v3 =	vmul.f32 v3, v38  }
0xe9: {  	[tilespmem:s5+$0xFFFFFFE0] =	vst v5  }
0xea: {  	[tilespmem:s5+$0xFFFFFFF0] =	vst v3  }
0xeb: {  	v3 =	vld [tilespmem:s6+$0x0];
	_ =	sdelay $0x3  }
0xec: {  	v41 =	vbroadcast v2, $0x8  }
0xed: {  	v42 =	vunpack.i.l.bf16.f32 v3  }
0xee: {  	v3 =	vunpack.i.u.bf16.f32 v3;
	v5 =	vmul.f32 v42, v41  }
0xef: {  	v3 =	vmul.f32 v3, v41  }
0xf0: {  	[tilespmem:s5+$0x0] =	vst v5  }
0xf1: {  	[tilespmem:s5+$0x10] =	vst v3  }
0xf2: {  	v3 =	vld [tilespmem:s6+$0x10];
	_ =	sdelay $0x4  }
0xf3: {  	v43 =	vunpack.i.l.bf16.f32 v3  }
0xf4: {  	v3 =	vunpack.i.u.bf16.f32 v3;
	v5 =	vmul.f32 v43, v41  }
0xf5: {  	v3 =	vmul.f32 v3, v41  }
0xf6: {  	[tilespmem:s5+$0x20] =	vst v5  }
0xf7: {  	[tilespmem:s5+$0x30] =	vst v3  }
0xf8: {  	v3 =	vld [tilespmem:s6+$0x20];
	_ =	sdelay $0x3  }
0xf9: {  	v44 =	vbroadcast v2, $0x9  }
0xfa: {  	v45 =	vunpack.i.l.bf16.f32 v3  }
0xfb: {  	v3 =	vunpack.i.u.bf16.f32 v3;
	v5 =	vmul.f32 v45, v44  }
0xfc: {  	v3 =	vmul.f32 v3, v44  }
0xfd: {  	[tilespmem:s5+$0x40] =	vst v5  }
0xfe: {  	[tilespmem:s5+$0x50] =	vst v3  }
0xff: {  	v3 =	vld [tilespmem:s6+$0x30];
	_ =	sdelay $0x4  }
0x100: {  	v46 =	vunpack.i.l.bf16.f32 v3  }
0x101: {  	v3 =	vunpack.i.u.bf16.f32 v3;
	v5 =	vmul.f32 v46, v44  }
0x102: {  	v3 =	vmul.f32 v3, v44  }
0x103: {  	[tilespmem:s5+$0x60] =	vst v5  }
0x104: {  	[tilespmem:s5+$0x70] =	vst v3  }
0x105: {  	v3 =	vld [tilespmem:s6+$0x40];
	_ =	sdelay $0x3  }
0x106: {  	v47 =	vbroadcast v2, $0xA  }
0x107: {  	v48 =	vunpack.i.l.bf16.f32 v3  }
0x108: {  	v3 =	vunpack.i.u.bf16.f32 v3;
	v5 =	vmul.f32 v48, v47  }
0x109: {  	v3 =	vmul.f32 v3, v47  }
0x10a: {  	[tilespmem:s5+$0x80] =	vst v5  }
0x10b: {  	[tilespmem:s5+$0x90] =	vst v3  }
0x10c: {  	v3 =	vld [tilespmem:s6+$0x50];
	_ =	sdelay $0x4  }
0x10d: {  	v49 =	vunpack.i.l.bf16.f32 v3  }
0x10e: {  	v3 =	vunpack.i.u.bf16.f32 v3;
	v5 =	vmul.f32 v49, v47  }
0x10f: {  	v3 =	vmul.f32 v3, v47  }
0x110: {  	[tilespmem:s5+$0xA0] =	vst v5  }
0x111: {  	[tilespmem:s5+$0xB0] =	vst v3  }
0x112: {  	v3 =	vld [tilespmem:s6+$0x60];
	_ =	sdelay $0x3  }
0x113: {  	v50 =	vbroadcast v2, $0xB  }
0x114: {  	v51 =	vunpack.i.l.bf16.f32 v3  }
0x115: {  	v3 =	vunpack.i.u.bf16.f32 v3;
	v5 =	vmul.f32 v51, v50  }
0x116: {  	v3 =	vmul.f32 v3, v50  }
0x117: {  	[tilespmem:s5+$0xC0] =	vst v5  }
0x118: {  	[tilespmem:s5+$0xD0] =	vst v3  }
0x119: {  	v3 =	vld [tilespmem:s6+$0x70];
	_ =	sdelay $0x4  }
0x11a: {  	v52 =	vunpack.i.l.bf16.f32 v3  }
0x11b: {  	v3 =	vunpack.i.u.bf16.f32 v3;
	v5 =	vmul.f32 v52, v50  }
0x11c: {  	v3 =	vmul.f32 v3, v50  }
0x11d: {  	[tilespmem:s5+$0xE0] =	vst v5  }
0x11e: {  	[tilespmem:s5+$0xF0] =	vst v3  }
0x11f: {  	v3 =	vld [tilespmem:s6+$0x80];
	_ =	sdelay $0x3  }
0x120: {  	v53 =	vbroadcast v2, $0xC  }
0x121: {  	v54 =	vunpack.i.l.bf16.f32 v3  }
0x122: {  	v3 =	vunpack.i.u.bf16.f32 v3;
	v5 =	vmul.f32 v54, v53  }
0x123: {  	v3 =	vmul.f32 v3, v53  }
0x124: {  	[tilespmem:s5+$0x100] =	vst v5  }
0x125: {  	[tilespmem:s5+$0x110] =	vst v3  }
0x126: {  	v3 =	vld [tilespmem:s6+$0x90];
	_ =	sdelay $0x4  }
0x127: {  	v55 =	vunpack.i.l.bf16.f32 v3  }
0x128: {  	v3 =	vunpack.i.u.bf16.f32 v3;
	v5 =	vmul.f32 v55, v53  }
0x129: {  	v3 =	vmul.f32 v3, v53  }
0x12a: {  	[tilespmem:s5+$0x120] =	vst v5  }
0x12b: {  	[tilespmem:s5+$0x130] =	vst v3  }
0x12c: {  	v3 =	vld [tilespmem:s6+$0xA0];
	_ =	sdelay $0x3  }
0x12d: {  	v56 =	vbroadcast v2, $0xD  }
0x12e: {  	v57 =	vunpack.i.l.bf16.f32 v3  }
0x12f: {  	v3 =	vunpack.i.u.bf16.f32 v3;
	v5 =	vmul.f32 v57, v56  }
0x130: {  	v3 =	vmul.f32 v3, v56  }
0x131: {  	[tilespmem:s5+$0x140] =	vst v5  }
0x132: {  	[tilespmem:s5+$0x150] =	vst v3  }
0x133: {  	v3 =	vld [tilespmem:s6+$0xB0];
	_ =	sdelay $0x4  }
0x134: {  	v58 =	vunpack.i.l.bf16.f32 v3  }
0x135: {  	v3 =	vunpack.i.u.bf16.f32 v3;
	v5 =	vmul.f32 v58, v56  }
0x136: {  	v3 =	vmul.f32 v3, v56  }
0x137: {  	[tilespmem:s5+$0x160] =	vst v5  }
0x138: {  	[tilespmem:s5+$0x170] =	vst v3  }
0x139: {  	v3 =	vld [tilespmem:s6+$0xC0];
	_ =	sdelay $0x3  }
0x13a: {  	v59 =	vbroadcast v2, $0xE  }
0x13b: {  	v60 =	vunpack.i.l.bf16.f32 v3  }
0x13c: {  	v3 =	vunpack.i.u.bf16.f32 v3;
	v5 =	vmul.f32 v60, v59  }
0x13d: {  	v3 =	vmul.f32 v3, v59  }
0x13e: {  	[tilespmem:s5+$0x180] =	vst v5  }
0x13f: {  	[tilespmem:s5+$0x190] =	vst v3  }
0x140: {  	v3 =	vld [tilespmem:s6+$0xD0];
	_ =	sdelay $0x4  }
0x141: {  	v61 =	vunpack.i.l.bf16.f32 v3  }
0x142: {  	v3 =	vunpack.i.u.bf16.f32 v3;
	v5 =	vmul.f32 v61, v59  }
0x143: {  	v3 =	vmul.f32 v3, v59  }
0x144: {  	[tilespmem:s5+$0x1A0] =	vst v5  }
0x145: {  	[tilespmem:s5+$0x1B0] =	vst v3  }
0x146: {  	v3 =	vld [tilespmem:s6+$0xE0];
	_ =	sdelay $0x3  }
0x147: {  	v2 =	vbroadcast v2, $0xF  }
0x148: {  	v62 =	vunpack.i.l.bf16.f32 v3  }
0x149: {  	v3 =	vunpack.i.u.bf16.f32 v3;
	v4 =	vmul.f32 v62, v2  }
0x14a: {  	v3 =	vmul.f32 v3, v2  }
0x14b: {  	[tilespmem:s5+$0x1C0] =	vst v4  }
0x14c: {  	[tilespmem:s5+$0x1D0] =	vst v3  }
0x14d: {  	v3 =	vld [tilespmem:s6+$0xF0];
	_ =	sdelay $0x3  }
0x14e: {  	p0 =	sne.s32 s8, $0x1C0  }
.Ltmp1:
0x14f: {  	v63 =	vunpack.i.l.bf16.f32 v3;
	(pc) =	sbr.rel @p0 .LBB2_5-.Ltmp1, $4  }
0x150: {  	v3 =	vunpack.i.u.bf16.f32 v3;
	v4 =	vmul.f32 v63, v2  }
0x151: {  	v2 =	vmul.f32 v3, v2  }
0x152: {  	[tilespmem:s5+$0x1E0] =	vst v4  }
0x153: {  	s8 =	sadd.s32 $0x40, s8;
	s6 =	sadd.s32 $0x200, s6;
	[tilespmem:s5+$0x1F0] =	vst v2;
	s5 =	sadd.s32 $0x400, s5  }
0x154: {  	[spmem:s3] =	stream.indirect.scatter.add.f32 [tilespmem:s18], [sflag:$0x3], $0x40, s26, s19, $0xb8;
	[tilespmem:$0x1EE20] =	vst v63  }
0x155: {  	p0 =	seq.s32 s14, $0x4F  }
0x156: {  	s5 =	simm.s32 @!p0 $0x3  }
0x157: {  	_ =	swait.ge @!p0 [sflag:s5], $0x2000  }
0x158: {  	[sflag:s5] =	ssyncset.done @!p0 $0x0  }
0x159: {  	s4 =	sshra.s32 @!p0 s4, $0x2;
	[sflag:s5] =	ssyncadd.s32 @!p0 $0xFFFFE000  }
0x15a: {  	v1 =	vld @!p0 [tilespmem:s4+$0x100];
	_ =	sdelay $0x4  }
0x15b: {  	v2 =	vand.u32 @!p0 $0xFFFF, v1  }
0x15c: {  	v1 =	vshrl.u32 @!p0 v1, $0x10;
	[tilespmem:$0xA000] =	vst @!p0 v2  }
0x15d: {  	[tilespmem:$0xA100] =	vst @!p0 v1  }
0x15e: {  	v1 =	vld @!p0 [tilespmem:s4+$0x110];
	_ =	sdelay $0x4  }
0x15f: {  	v2 =	vand.u32 @!p0 $0xFFFF, v1  }
0x160: {  	v1 =	vshrl.u32 @!p0 v1, $0x10;
	[tilespmem:$0xA010] =	vst @!p0 v2  }
0x161: {  	[tilespmem:$0xA110] =	vst @!p0 v1  }
0x162: {  	v1 =	vld @!p0 [tilespmem:s4+$0x120];
	_ =	sdelay $0x4  }
0x163: {  	v2 =	vand.u32 @!p0 $0xFFFF, v1  }
0x164: {  	v1 =	vshrl.u32 @!p0 v1, $0x10;
	[tilespmem:$0xA020] =	vst @!p0 v2  }
0x165: {  	[tilespmem:$0xA120] =	vst @!p0 v1  }
0x166: {  	v1 =	vld @!p0 [tilespmem:s4+$0x130];
	_ =	sdelay $0x4  }
0x167: {  	v2 =	vand.u32 @!p0 $0xFFFF, v1  }
0x168: {  	v1 =	vshrl.u32 @!p0 v1, $0x10;
	[tilespmem:$0xA030] =	vst @!p0 v2  }
0x169: {  	[tilespmem:$0xA130] =	vst @!p0 v1  }
0x16a: {  	v1 =	vld @!p0 [tilespmem:s4+$0x140];
	_ =	sdelay $0x4  }
0x16b: {  	v2 =	vand.u32 @!p0 $0xFFFF, v1  }
0x16c: {  	v1 =	vshrl.u32 @!p0 v1, $0x10;
	[tilespmem:$0xA040] =	vst @!p0 v2  }
0x16d: {  	[tilespmem:$0xA140] =	vst @!p0 v1  }
0x16e: {  	v1 =	vld @!p0 [tilespmem:s4+$0x150];
	_ =	sdelay $0x4  }
0x16f: {  	v2 =	vand.u32 @!p0 $0xFFFF, v1  }
0x170: {  	v1 =	vshrl.u32 @!p0 v1, $0x10;
	[tilespmem:$0xA050] =	vst @!p0 v2  }
0x171: {  	[tilespmem:$0xA150] =	vst @!p0 v1  }
0x172: {  	v1 =	vld @!p0 [tilespmem:s4+$0x160];
	_ =	sdelay $0x4  }
0x173: {  	v2 =	vand.u32 @!p0 $0xFFFF, v1  }
0x174: {  	v1 =	vshrl.u32 @!p0 v1, $0x10;
	[tilespmem:$0xA060] =	vst @!p0 v2  }
0x175: {  	[tilespmem:$0xA160] =	vst @!p0 v1  }
0x176: {  	v1 =	vld @!p0 [tilespmem:s4+$0x170];
	_ =	sdelay $0x4  }
0x177: {  	v2 =	vand.u32 @!p0 $0xFFFF, v1  }
0x178: {  	v1 =	vshrl.u32 @!p0 v1, $0x10;
	[tilespmem:$0xA070] =	vst @!p0 v2  }
0x179: {  	s6 =	simm.s32 @!p0 $0xA200;
	s5 =	simm.s32 @!p0 $0xA000;
	s4 =	simm.s32 @!p0 $0x80;
	[tilespmem:$0xA170] =	vst @!p0 v1  }
0x17a: {  	v1 =	vmov s21;
	[tilespmem:s6], [sflag:$0x1] =	stream.indirect.gather @!p0 [spmem:s2], $0x20, s5, s4, $0xb8;
	[tilespmem:$0x1EE20] =	vst v63  }
0x17b: {  	_ =	swait.ge [sflag:s28], $0x1000  }
0x17c: {  	s4 =	simm.s32 $0x0;
	[sflag:s28] =	ssyncset.done $0x0  }
0x17d: {  	s5 =	simm.s32 $0xE400;
	s6 =	simm.s32 $0xB300;
	[sflag:s28] =	ssyncadd.s32 $0xFFFFF000  }
.LBB2_7:
0x17e: {  	s8 =	sshra.s32 s4, $0x2  }
0x17f: {  	v2 =	vld.idx.msk [tilespmem:v1+s8+$0x0 ss:$0x1], $0xffff  }
0x180: {  	v3 =	vld [tilespmem:s6+$0xFFFFFF00];
	_ =	sdelay $0x3  }
0x181: {  	v4 =	vbroadcast v2, $0x0  }
0x182: {  	v5 =	vunpack.i.l.bf16.f32 v3  }
0x183: {  	v3 =	vunpack.i.u.bf16.f32 v3;
	v5 =	vmul.f32 v5, v4  }
0x184: {  	v3 =	vmul.f32 v3, v4  }
0x185: {  	[tilespmem:s5+$0xFFFFFE00] =	vst v5  }
0x186: {  	[tilespmem:s5+$0xFFFFFE10] =	vst v3  }
0x187: {  	v3 =	vld [tilespmem:s6+$0xFFFFFF10];
	_ =	sdelay $0x4  }
0x188: {  	v19 =	vunpack.i.l.bf16.f32 v3  }
0x189: {  	v3 =	vunpack.i.u.bf16.f32 v3;
	v5 =	vmul.f32 v19, v4  }
0x18a: {  	v3 =	vmul.f32 v3, v4  }
0x18b: {  	[tilespmem:s5+$0xFFFFFE20] =	vst v5  }
0x18c: {  	[tilespmem:s5+$0xFFFFFE30] =	vst v3  }
0x18d: {  	v3 =	vld [tilespmem:s6+$0xFFFFFF20];
	_ =	sdelay $0x3  }
0x18e: {  	v20 =	vbroadcast v2, $0x1  }
0x18f: {  	v21 =	vunpack.i.l.bf16.f32 v3  }
0x190: {  	v3 =	vunpack.i.u.bf16.f32 v3;
	v5 =	vmul.f32 v21, v20  }
0x191: {  	v3 =	vmul.f32 v3, v20  }
0x192: {  	[tilespmem:s5+$0xFFFFFE40] =	vst v5  }
0x193: {  	[tilespmem:s5+$0xFFFFFE50] =	vst v3  }
0x194: {  	v3 =	vld [tilespmem:s6+$0xFFFFFF30];
	_ =	sdelay $0x4  }
0x195: {  	v22 =	vunpack.i.l.bf16.f32 v3  }
0x196: {  	v3 =	vunpack.i.u.bf16.f32 v3;
	v5 =	vmul.f32 v22, v20  }
0x197: {  	v3 =	vmul.f32 v3, v20  }
0x198: {  	[tilespmem:s5+$0xFFFFFE60] =	vst v5  }
0x199: {  	[tilespmem:s5+$0xFFFFFE70] =	vst v3  }
0x19a: {  	v3 =	vld [tilespmem:s6+$0xFFFFFF40];
	_ =	sdelay $0x3  }
0x19b: {  	v23 =	vbroadcast v2, $0x2  }
0x19c: {  	v24 =	vunpack.i.l.bf16.f32 v3  }
0x19d: {  	v3 =	vunpack.i.u.bf16.f32 v3;
	v5 =	vmul.f32 v24, v23  }
0x19e: {  	v3 =	vmul.f32 v3, v23  }
0x19f: {  	[tilespmem:s5+$0xFFFFFE80] =	vst v5  }
0x1a0: {  	[tilespmem:s5+$0xFFFFFE90] =	vst v3  }
0x1a1: {  	v3 =	vld [tilespmem:s6+$0xFFFFFF50];
	_ =	sdelay $0x4  }
0x1a2: {  	v25 =	vunpack.i.l.bf16.f32 v3  }
0x1a3: {  	v3 =	vunpack.i.u.bf16.f32 v3;
	v5 =	vmul.f32 v25, v23  }
0x1a4: {  	v3 =	vmul.f32 v3, v23  }
0x1a5: {  	[tilespmem:s5+$0xFFFFFEA0] =	vst v5  }
0x1a6: {  	[tilespmem:s5+$0xFFFFFEB0] =	vst v3  }
0x1a7: {  	v3 =	vld [tilespmem:s6+$0xFFFFFF60];
	_ =	sdelay $0x3  }
0x1a8: {  	v26 =	vbroadcast v2, $0x3  }
0x1a9: {  	v27 =	vunpack.i.l.bf16.f32 v3  }
0x1aa: {  	v3 =	vunpack.i.u.bf16.f32 v3;
	v5 =	vmul.f32 v27, v26  }
0x1ab: {  	v3 =	vmul.f32 v3, v26  }
0x1ac: {  	[tilespmem:s5+$0xFFFFFEC0] =	vst v5  }
0x1ad: {  	[tilespmem:s5+$0xFFFFFED0] =	vst v3  }
0x1ae: {  	v3 =	vld [tilespmem:s6+$0xFFFFFF70];
	_ =	sdelay $0x4  }
0x1af: {  	v28 =	vunpack.i.l.bf16.f32 v3  }
0x1b0: {  	v3 =	vunpack.i.u.bf16.f32 v3;
	v5 =	vmul.f32 v28, v26  }
0x1b1: {  	v3 =	vmul.f32 v3, v26  }
0x1b2: {  	[tilespmem:s5+$0xFFFFFEE0] =	vst v5  }
0x1b3: {  	[tilespmem:s5+$0xFFFFFEF0] =	vst v3  }
0x1b4: {  	v3 =	vld [tilespmem:s6+$0xFFFFFF80];
	_ =	sdelay $0x3  }
0x1b5: {  	v29 =	vbroadcast v2, $0x4  }
0x1b6: {  	v30 =	vunpack.i.l.bf16.f32 v3  }
0x1b7: {  	v3 =	vunpack.i.u.bf16.f32 v3;
	v5 =	vmul.f32 v30, v29  }
0x1b8: {  	v3 =	vmul.f32 v3, v29  }
0x1b9: {  	[tilespmem:s5+$0xFFFFFF00] =	vst v5  }
0x1ba: {  	[tilespmem:s5+$0xFFFFFF10] =	vst v3  }
0x1bb: {  	v3 =	vld [tilespmem:s6+$0xFFFFFF90];
	_ =	sdelay $0x4  }
0x1bc: {  	v31 =	vunpack.i.l.bf16.f32 v3  }
0x1bd: {  	v3 =	vunpack.i.u.bf16.f32 v3;
	v5 =	vmul.f32 v31, v29  }
0x1be: {  	v3 =	vmul.f32 v3, v29  }
0x1bf: {  	[tilespmem:s5+$0xFFFFFF20] =	vst v5  }
0x1c0: {  	[tilespmem:s5+$0xFFFFFF30] =	vst v3  }
0x1c1: {  	v3 =	vld [tilespmem:s6+$0xFFFFFFA0];
	_ =	sdelay $0x3  }
0x1c2: {  	v32 =	vbroadcast v2, $0x5  }
0x1c3: {  	v33 =	vunpack.i.l.bf16.f32 v3  }
0x1c4: {  	v3 =	vunpack.i.u.bf16.f32 v3;
	v5 =	vmul.f32 v33, v32  }
0x1c5: {  	v3 =	vmul.f32 v3, v32  }
0x1c6: {  	[tilespmem:s5+$0xFFFFFF40] =	vst v5  }
0x1c7: {  	[tilespmem:s5+$0xFFFFFF50] =	vst v3  }
0x1c8: {  	v3 =	vld [tilespmem:s6+$0xFFFFFFB0];
	_ =	sdelay $0x4  }
0x1c9: {  	v34 =	vunpack.i.l.bf16.f32 v3  }
0x1ca: {  	v3 =	vunpack.i.u.bf16.f32 v3;
	v5 =	vmul.f32 v34, v32  }
0x1cb: {  	v3 =	vmul.f32 v3, v32  }
0x1cc: {  	[tilespmem:s5+$0xFFFFFF60] =	vst v5  }
0x1cd: {  	[tilespmem:s5+$0xFFFFFF70] =	vst v3  }
0x1ce: {  	v3 =	vld [tilespmem:s6+$0xFFFFFFC0];
	_ =	sdelay $0x3  }
0x1cf: {  	v35 =	vbroadcast v2, $0x6  }
0x1d0: {  	v36 =	vunpack.i.l.bf16.f32 v3  }
0x1d1: {  	v3 =	vunpack.i.u.bf16.f32 v3;
	v5 =	vmul.f32 v36, v35  }
0x1d2: {  	v3 =	vmul.f32 v3, v35  }
0x1d3: {  	[tilespmem:s5+$0xFFFFFF80] =	vst v5  }
0x1d4: {  	[tilespmem:s5+$0xFFFFFF90] =	vst v3  }
0x1d5: {  	v3 =	vld [tilespmem:s6+$0xFFFFFFD0];
	_ =	sdelay $0x4  }
0x1d6: {  	v37 =	vunpack.i.l.bf16.f32 v3  }
0x1d7: {  	v3 =	vunpack.i.u.bf16.f32 v3;
	v5 =	vmul.f32 v37, v35  }
0x1d8: {  	v3 =	vmul.f32 v3, v35  }
0x1d9: {  	[tilespmem:s5+$0xFFFFFFA0] =	vst v5  }
0x1da: {  	[tilespmem:s5+$0xFFFFFFB0] =	vst v3  }
0x1db: {  	v3 =	vld [tilespmem:s6+$0xFFFFFFE0];
	_ =	sdelay $0x3  }
0x1dc: {  	v38 =	vbroadcast v2, $0x7  }
0x1dd: {  	v39 =	vunpack.i.l.bf16.f32 v3  }
0x1de: {  	v3 =	vunpack.i.u.bf16.f32 v3;
	v5 =	vmul.f32 v39, v38  }
0x1df: {  	v3 =	vmul.f32 v3, v38  }
0x1e0: {  	[tilespmem:s5+$0xFFFFFFC0] =	vst v5  }
0x1e1: {  	[tilespmem:s5+$0xFFFFFFD0] =	vst v3  }
0x1e2: {  	v3 =	vld [tilespmem:s6+$0xFFFFFFF0];
	_ =	sdelay $0x4  }
0x1e3: {  	v40 =	vunpack.i.l.bf16.f32 v3  }
0x1e4: {  	v3 =	vunpack.i.u.bf16.f32 v3;
	v5 =	vmul.f32 v40, v38  }
0x1e5: {  	v3 =	vmul.f32 v3, v38  }
0x1e6: {  	[tilespmem:s5+$0xFFFFFFE0] =	vst v5  }
0x1e7: {  	[tilespmem:s5+$0xFFFFFFF0] =	vst v3  }
0x1e8: {  	v3 =	vld [tilespmem:s6+$0x0];
	_ =	sdelay $0x3  }
0x1e9: {  	v41 =	vbroadcast v2, $0x8  }
0x1ea: {  	v42 =	vunpack.i.l.bf16.f32 v3  }
0x1eb: {  	v3 =	vunpack.i.u.bf16.f32 v3;
	v5 =	vmul.f32 v42, v41  }
0x1ec: {  	v3 =	vmul.f32 v3, v41  }
0x1ed: {  	[tilespmem:s5+$0x0] =	vst v5  }
0x1ee: {  	[tilespmem:s5+$0x10] =	vst v3  }
0x1ef: {  	v3 =	vld [tilespmem:s6+$0x10];
	_ =	sdelay $0x4  }
0x1f0: {  	v43 =	vunpack.i.l.bf16.f32 v3  }
0x1f1: {  	v3 =	vunpack.i.u.bf16.f32 v3;
	v5 =	vmul.f32 v43, v41  }
0x1f2: {  	v3 =	vmul.f32 v3, v41  }
0x1f3: {  	[tilespmem:s5+$0x20] =	vst v5  }
0x1f4: {  	[tilespmem:s5+$0x30] =	vst v3  }
0x1f5: {  	v3 =	vld [tilespmem:s6+$0x20];
	_ =	sdelay $0x3  }
0x1f6: {  	v44 =	vbroadcast v2, $0x9  }
0x1f7: {  	v45 =	vunpack.i.l.bf16.f32 v3  }
0x1f8: {  	v3 =	vunpack.i.u.bf16.f32 v3;
	v5 =	vmul.f32 v45, v44  }
0x1f9: {  	v3 =	vmul.f32 v3, v44  }
0x1fa: {  	[tilespmem:s5+$0x40] =	vst v5  }
0x1fb: {  	[tilespmem:s5+$0x50] =	vst v3  }
0x1fc: {  	v3 =	vld [tilespmem:s6+$0x30];
	_ =	sdelay $0x4  }
0x1fd: {  	v46 =	vunpack.i.l.bf16.f32 v3  }
0x1fe: {  	v3 =	vunpack.i.u.bf16.f32 v3;
	v5 =	vmul.f32 v46, v44  }
0x1ff: {  	v3 =	vmul.f32 v3, v44  }
0x200: {  	[tilespmem:s5+$0x60] =	vst v5  }
0x201: {  	[tilespmem:s5+$0x70] =	vst v3  }
0x202: {  	v3 =	vld [tilespmem:s6+$0x40];
	_ =	sdelay $0x3  }
0x203: {  	v47 =	vbroadcast v2, $0xA  }
0x204: {  	v48 =	vunpack.i.l.bf16.f32 v3  }
0x205: {  	v3 =	vunpack.i.u.bf16.f32 v3;
	v5 =	vmul.f32 v48, v47  }
0x206: {  	v3 =	vmul.f32 v3, v47  }
0x207: {  	[tilespmem:s5+$0x80] =	vst v5  }
0x208: {  	[tilespmem:s5+$0x90] =	vst v3  }
0x209: {  	v3 =	vld [tilespmem:s6+$0x50];
	_ =	sdelay $0x4  }
0x20a: {  	v49 =	vunpack.i.l.bf16.f32 v3  }
0x20b: {  	v3 =	vunpack.i.u.bf16.f32 v3;
	v5 =	vmul.f32 v49, v47  }
0x20c: {  	v3 =	vmul.f32 v3, v47  }
0x20d: {  	[tilespmem:s5+$0xA0] =	vst v5  }
0x20e: {  	[tilespmem:s5+$0xB0] =	vst v3  }
0x20f: {  	v3 =	vld [tilespmem:s6+$0x60];
	_ =	sdelay $0x3  }
0x210: {  	v50 =	vbroadcast v2, $0xB  }
0x211: {  	v51 =	vunpack.i.l.bf16.f32 v3  }
0x212: {  	v3 =	vunpack.i.u.bf16.f32 v3;
	v5 =	vmul.f32 v51, v50  }
0x213: {  	v3 =	vmul.f32 v3, v50  }
0x214: {  	[tilespmem:s5+$0xC0] =	vst v5  }
0x215: {  	[tilespmem:s5+$0xD0] =	vst v3  }
0x216: {  	v3 =	vld [tilespmem:s6+$0x70];
	_ =	sdelay $0x4  }
0x217: {  	v52 =	vunpack.i.l.bf16.f32 v3  }
0x218: {  	v3 =	vunpack.i.u.bf16.f32 v3;
	v5 =	vmul.f32 v52, v50  }
0x219: {  	v3 =	vmul.f32 v3, v50  }
0x21a: {  	[tilespmem:s5+$0xE0] =	vst v5  }
0x21b: {  	[tilespmem:s5+$0xF0] =	vst v3  }
0x21c: {  	v3 =	vld [tilespmem:s6+$0x80];
	_ =	sdelay $0x3  }
0x21d: {  	v53 =	vbroadcast v2, $0xC  }
0x21e: {  	v54 =	vunpack.i.l.bf16.f32 v3  }
0x21f: {  	v3 =	vunpack.i.u.bf16.f32 v3;
	v5 =	vmul.f32 v54, v53  }
0x220: {  	v3 =	vmul.f32 v3, v53  }
0x221: {  	[tilespmem:s5+$0x100] =	vst v5  }
0x222: {  	[tilespmem:s5+$0x110] =	vst v3  }
0x223: {  	v3 =	vld [tilespmem:s6+$0x90];
	_ =	sdelay $0x4  }
0x224: {  	v55 =	vunpack.i.l.bf16.f32 v3  }
0x225: {  	v3 =	vunpack.i.u.bf16.f32 v3;
	v5 =	vmul.f32 v55, v53  }
0x226: {  	v3 =	vmul.f32 v3, v53  }
0x227: {  	[tilespmem:s5+$0x120] =	vst v5  }
0x228: {  	[tilespmem:s5+$0x130] =	vst v3  }
0x229: {  	v3 =	vld [tilespmem:s6+$0xA0];
	_ =	sdelay $0x3  }
0x22a: {  	v56 =	vbroadcast v2, $0xD  }
0x22b: {  	v57 =	vunpack.i.l.bf16.f32 v3  }
0x22c: {  	v3 =	vunpack.i.u.bf16.f32 v3;
	v5 =	vmul.f32 v57, v56  }
0x22d: {  	v3 =	vmul.f32 v3, v56  }
0x22e: {  	[tilespmem:s5+$0x140] =	vst v5  }
0x22f: {  	[tilespmem:s5+$0x150] =	vst v3  }
0x230: {  	v3 =	vld [tilespmem:s6+$0xB0];
	_ =	sdelay $0x4  }
0x231: {  	v58 =	vunpack.i.l.bf16.f32 v3  }
0x232: {  	v3 =	vunpack.i.u.bf16.f32 v3;
	v5 =	vmul.f32 v58, v56  }
0x233: {  	v3 =	vmul.f32 v3, v56  }
0x234: {  	[tilespmem:s5+$0x160] =	vst v5  }
0x235: {  	[tilespmem:s5+$0x170] =	vst v3  }
0x236: {  	v3 =	vld [tilespmem:s6+$0xC0];
	_ =	sdelay $0x3  }
0x237: {  	v59 =	vbroadcast v2, $0xE  }
0x238: {  	v60 =	vunpack.i.l.bf16.f32 v3  }
0x239: {  	v3 =	vunpack.i.u.bf16.f32 v3;
	v5 =	vmul.f32 v60, v59  }
0x23a: {  	v3 =	vmul.f32 v3, v59  }
0x23b: {  	[tilespmem:s5+$0x180] =	vst v5  }
0x23c: {  	[tilespmem:s5+$0x190] =	vst v3  }
0x23d: {  	v3 =	vld [tilespmem:s6+$0xD0];
	_ =	sdelay $0x4  }
0x23e: {  	v61 =	vunpack.i.l.bf16.f32 v3  }
0x23f: {  	v3 =	vunpack.i.u.bf16.f32 v3;
	v5 =	vmul.f32 v61, v59  }
0x240: {  	v3 =	vmul.f32 v3, v59  }
0x241: {  	[tilespmem:s5+$0x1A0] =	vst v5  }
0x242: {  	[tilespmem:s5+$0x1B0] =	vst v3  }
0x243: {  	v3 =	vld [tilespmem:s6+$0xE0];
	_ =	sdelay $0x3  }
0x244: {  	v2 =	vbroadcast v2, $0xF  }
0x245: {  	v62 =	vunpack.i.l.bf16.f32 v3  }
0x246: {  	v3 =	vunpack.i.u.bf16.f32 v3;
	v4 =	vmul.f32 v62, v2  }
0x247: {  	v3 =	vmul.f32 v3, v2  }
0x248: {  	[tilespmem:s5+$0x1C0] =	vst v4  }
0x249: {  	[tilespmem:s5+$0x1D0] =	vst v3  }
0x24a: {  	v3 =	vld [tilespmem:s6+$0xF0];
	_ =	sdelay $0x3  }
0x24b: {  	p0 =	sne.s32 s4, $0x1C0  }
.Ltmp2:
0x24c: {  	v63 =	vunpack.i.l.bf16.f32 v3;
	(pc) =	sbr.rel @p0 .LBB2_7-.Ltmp2, $4  }
0x24d: {  	v3 =	vunpack.i.u.bf16.f32 v3;
	v4 =	vmul.f32 v63, v2  }
0x24e: {  	v2 =	vmul.f32 v3, v2  }
0x24f: {  	[tilespmem:s5+$0x1E0] =	vst v4  }
0x250: {  	s4 =	sadd.s32 $0x40, s4;
	s6 =	sadd.s32 $0x200, s6;
	[tilespmem:s5+$0x1F0] =	vst v2;
	s5 =	sadd.s32 $0x400, s5  }
0x251: {  	s14 =	sadd.s32 $0x1, s14  }
0x252: {  	p0 =	sne.s32 s14, $0x50  }
.Ltmp3:
0x253: {  	_ = 	snop;
	(pc) =	sbr.rel @p0 .LBB2_4-.Ltmp3, $3  }
0x254: {  	_ =	sdelay $0x1  }
0x255: {  	[spmem:s3] =	stream.indirect.scatter.add.f32 [tilespmem:s30], [sflag:$0x4], $0x40, s29, s19, $0xb8;
	[tilespmem:$0x1EE20] =	vst v63  }
0x256: {  	s20 =	sadd.s32 $0x100, s20;
	s21 =	sadd.s32 $0x100, s21  }
0x257: {  	_ =	swait.ge [sflag:s31], $0x2000  }
0x258: {  	[sflag:s31] =	ssyncset.done $0x0  }
0x259: {  	[sflag:s31] =	ssyncadd.s32 $0xFFFFE000  }
0x25a: {  	_ =	swait.ge [sflag:s0], $0x2000  }
0x25b: {  	s1 =	sadd.s32 $0x1, s1;
	[sflag:s0] =	ssyncset.done $0x0  }
0x25c: {  	p0 =	sne.s32 s1, s12;
	[sflag:s0] =	ssyncadd.s32 $0xFFFFE000  }
.Ltmp4:
0x25d: {  	s4 =	sshrl.u32 s7, $0x3;
	[bflag:$0x0] =	sbarrier.arrive $0xFFFF;
	(pc) =	sbr.rel @p0 .LBB2_1-.Ltmp4, $4  }
0x25e: {  	[hbm:s24], [sflag:s16] =	dma.local [spmem:s4], $0x13C0  }
0x25f: {  	_ =	swait.ge [sflag:s13], $0x13C0  }
0x260: {  	[sflag:s13] =	ssyncset.done $0x0  }
0x261: {  	[sflag:s13] =	ssyncadd.s32 $0xFFFFEC40  }
0x262: {  	_ =	sfence.sel $0x180000  }
0x263: {  	[bflag:$0x0] =	sbarrier.arrive $0xFFFF  }
0x264: {  	_ =	strace $0x9000004A  }
0x265: {  	s0 =	stileid.u32;
	[bflag:$0x2] =	sbarrier.arrive $0xFFFF  }
0x266: {  	p0 =	sne.s32 s0, $0x0;
	s0 =	rddreg [dreg:$0x4]  }
0x267: {  	s0 =	sadd.s32 @!p0 $0x100000, s0  }
0x268: {  	[sflag:s0] =	ssyncadd.tile.s32 @!p0 $0x1;
	_ =	shalt  }
.Lfunc_end2:
_tile_overlayer_lowered:
.L_overlay_start_2:
0x269: {  	(tag) =	ssettag $0x2  }
0x26a: {  	s0 =	rddreg [dreg:$0x0];
	s2 =	stileid.u32  }
0x26b: {  	s1 =	rddreg [dreg:$0x1];
	p0 =	sne.s32 s2, $0x0  }
0x26c: {  	s3 =	rddreg [dreg:$0x2];
	[bflag:$0x3] =	sbarrier.arrive $0xFFFF;
	s2 =	simm.s32 @!p0 $0x1C05  }
0x26d: {  	[timem:s3], [sflag:s2] =	dma.local @!p0 [hbm:s0], s1  }
0x26e: {  	s0 =	simm.s32 @!p0 $0x5  }
0x26f: {  	_ =	swait.ge @!p0 [sflag:s0], s1  }
0x270: {  	s1 =	ssub.s32 @!p0 $0x0, s1;
	[sflag:s0] =	ssyncset.done @!p0 $0x0  }
0x271: {  	[sflag:s0] =	ssyncadd.s32 @!p0 s1  }
0x272: {  	[bflag:$0x3] =	sbarrier.arrive $0xFFFF  }
0x273: {  	_ =	shalt  }

// kernel: kernel.7.cloned.1.call-start
scs
__scs_entry_jumppad:
0x0: {  	(pc) =	sbr.rel $0x88, $3  }
0x1: {  	(tag) =	ssettag $0x0;
	lr =	simm.s32 $0x1  }
0x2: {  	[smem:$0x3F9B] =	sst lr;
	_ =	strace $0xD0000000  }
0x3: {  	_ = 	snop  }
0x4: {  	_ = 	snop  }
0x5: {  	_ = 	snop  }
0x6: {  	_ = 	snop  }
0x7: {  	_ = 	snop  }
__scs_overlays_trampoline_lowered:
0x8: {  	[smem:$0x3FAA] =	sst s0  }
0x9: {  	[smem:$0x3FAB] =	sst s1  }
0xa: {  	[smem:$0x3FAC] =	sst s2  }
0xb: {  	[smem:$0x3FAD] =	sst s3  }
0xc: {  	[smem:$0x3FAE] =	sst s4  }
0xd: {  	[smem:$0x3FAF] =	sst s5  }
0xe: {  	[smem:$0x3FB0] =	sst s6  }
0xf: {  	[smem:$0x3FB1] =	sst s7  }
0x10: {  	[smem:$0x3FB2] =	sst s8  }
0x11: {  	[smem:$0x3FB3] =	sst s9;
	s0 =	simm.s32 @!p0 $0x0  }
0x12: {  	s1 =	sld [smem:$0x3F99];
	s0 =	simm.s32 @p0 $0x1  }
0x13: {  	[smem:$0x3FB4] =	sst s0;
	s0 =	simm.s32 @!p1 $0x0  }
0x14: {  	s2 =	sld [smem:$0x3F98];
	s0 =	simm.s32 @p1 $0x1  }
0x15: {  	[smem:$0x3FB5] =	sst s0;
	s0 =	simm.s32 @!p2 $0x0  }
0x16: {  	s3 =	sld [smem:$0x3FDB];
	s0 =	simm.s32 @p2 $0x1  }
0x17: {  	s4 =	simm.s32 $0x1BF5;
	[smem:$0x3FB7] =	sst s0  }
0x18: {  	s0 =	sld [smem:$0x3F9A];
	_ =	swait.ge [sflag:s4], $0x0  }
0x19: {  	s7 =	sld [smem:$0x3F9B]  }
0x1a: {  	s8 =	sadd.s32 $0xFFFFE003, lr  }
0x1b: {  	s9 =	sadd.s32 $0xFFFFFEF7, lr;
	s5 =	simm.s32 $0xFFFFFFFF;
	p2 =	slt.u32 s8, $0xFFFFF086  }
0x1c: {  	p1 =	slt.u32 s9, $0xF7A;
	s5 =	simm.s32 @!p2 $0x0  }
0x1d: {  	s5 =	simm.s32 @p1 $0x1;
	p0 =	seq.s32 s7, s2  }
0x1e: {  	s7 =	smul.u32 @!p0 $0xF7A, s2;
	p2 =	seq.s32 @!p0 s5, $0x0  }
0x1f: {  	s9 =	smul.u32 $0xF7A, s1;
	s8 =	simm.s32 @!p0 $0x1BF5;
	p2 =	por !p2, p0  }
0x20: {  	[sflag:s8] =	ssyncset.s32 @!p0 $0xFFFFF086;
	s6 =	sadd.s32 @!p0 s3, s7;
	s7 =	simm.s32 @!p0 $0x108  }
0x21: {  	s3 =	sadd.s32 s3, s9;
	s6 =	sadd.s32 @!p0 $0x88, s6;
	s7 =	simm.s32 @p2 $0x1082  }
0x22: {  	[simem:s7], [sflag:s8] =	dma.local @!p0 [hbm:s6], $0xF7A  }
0x23: {  	s9 =	sor.u32 $0xD0000000, s2;
	s6 =	simm.s32 $0x108;
	_ =	swait.ge @!p0 [sflag:s8], $0x0  }
0x24: {  	s3 =	sadd.s32 $0x88, s3;
	s6 =	simm.s32 @!p1 $0x1082;
	[sflag:s4] =	ssyncset.s32 $0xFFFFF086  }
0x25: {  	[simem:s6], [sflag:s4] =	dma.local [hbm:s3], $0xF7A  }
0x26: {  	[smem:$0x3F9B] =	sst s1;
	(tag) =	ssettag s2;
	_ =	strace s9  }
0x27: {  	s1 =	sld [smem:$0x3FAB]  }
0x28: {  	s2 =	sld [smem:$0x3FAC]  }
0x29: {  	s4 =	sld [smem:$0x3FAE]  }
0x2a: {  	p0 =	seq.s32 s5, $0x0;
	s5 =	sld [smem:$0x3FAF]  }
0x2b: {  	s6 =	sld [smem:$0x3FB0]  }
0x2c: {  	s7 =	sld [smem:$0x3FB1]  }
0x2d: {  	s3 =	simm.s32 $0x108;
	s8 =	sld [smem:$0x3FB2]  }
0x2e: {  	s3 =	simm.s32 @!p0 $0x1082;
	s9 =	sld [smem:$0x3FB3]  }
0x2f: {  	lr =	sadd.s32 s0, s3;
	s0 =	sld [smem:$0x3FAA]  }
0x30: {  	s3 =	sld [smem:$0x3FAD]  }
0x31: {  	[smem:$0x3FB6] =	sst s10  }
0x32: {  	s10 =	sld [smem:$0x3FB4];
	_ =	sdelay $0x3  }
0x33: {  	p0 =	seq.s32 s10, $0x1;
	s10 =	sld [smem:$0x3FB6];
	_ =	sdelay $0x3  }
0x34: {  	[smem:$0x3FB6] =	sst s10  }
0x35: {  	s10 =	sld [smem:$0x3FB5];
	_ =	sdelay $0x3  }
0x36: {  	p1 =	seq.s32 s10, $0x1;
	s10 =	sld [smem:$0x3FB6];
	_ =	sdelay $0x3  }
0x37: {  	[smem:$0x3FB6] =	sst s10  }
0x38: {  	s10 =	sld [smem:$0x3FB7]  }
0x39: {  	_ = 	snop;
	(pc) =	sbr.ind lr, $3  }
0x3a: {  	_ = 	snop  }
0x3b: {  	_ = 	snop  }
0x3c: {  	p2 =	seq.s32 s10, $0x1;
	s10 =	sld [smem:$0x3FB6]  }
0x3d: {  	_ =	shalt  }
0x3e: {  	_ =	shalt  }
0x3f: {  	_ =	shalt  }
0x40: {  	_ =	shalt  }
0x41: {  	_ =	shalt  }
0x42: {  	_ =	shalt  }
0x43: {  	_ =	shalt  }
0x44: {  	_ =	shalt  }
0x45: {  	_ =	shalt  }
0x46: {  	_ =	shalt  }
0x47: {  	_ =	shalt  }
0x48: {  	_ =	shalt  }
0x49: {  	_ =	shalt  }
0x4a: {  	_ =	shalt  }
0x4b: {  	_ =	shalt  }
0x4c: {  	_ =	shalt  }
0x4d: {  	_ =	shalt  }
0x4e: {  	_ =	shalt  }
0x4f: {  	_ =	shalt  }
0x50: {  	_ =	shalt  }
0x51: {  	_ =	shalt  }
0x52: {  	_ =	shalt  }
0x53: {  	_ =	shalt  }
0x54: {  	_ =	shalt  }
0x55: {  	_ =	shalt  }
0x56: {  	_ =	shalt  }
0x57: {  	_ =	shalt  }
0x58: {  	_ =	shalt  }
0x59: {  	_ =	shalt  }
0x5a: {  	_ =	shalt  }
0x5b: {  	_ =	shalt  }
0x5c: {  	_ =	shalt  }
0x5d: {  	_ =	shalt  }
0x5e: {  	_ =	shalt  }
0x5f: {  	_ =	shalt  }
0x60: {  	_ =	shalt  }
0x61: {  	_ =	shalt  }
0x62: {  	_ =	shalt  }
0x63: {  	_ =	shalt  }
0x64: {  	_ =	shalt  }
0x65: {  	_ =	shalt  }
0x66: {  	_ =	shalt  }
0x67: {  	_ =	shalt  }
0x68: {  	_ =	shalt  }
0x69: {  	_ =	shalt  }
0x6a: {  	_ =	shalt  }
0x6b: {  	_ =	shalt  }
0x6c: {  	_ =	shalt  }
0x6d: {  	_ =	shalt  }
0x6e: {  	_ =	shalt  }
0x6f: {  	_ =	shalt  }
0x70: {  	_ =	shalt  }
0x71: {  	_ =	shalt  }
0x72: {  	_ =	shalt  }
0x73: {  	_ =	shalt  }
0x74: {  	_ =	shalt  }
0x75: {  	_ =	shalt  }
0x76: {  	_ =	shalt  }
0x77: {  	_ =	shalt  }
0x78: {  	_ =	shalt  }
0x79: {  	_ =	shalt  }
0x7a: {  	_ =	shalt  }
0x7b: {  	_ =	shalt  }
0x7c: {  	_ =	shalt  }
0x7d: {  	_ =	shalt  }
0x7e: {  	_ =	shalt  }
0x7f: {  	_ =	shalt  }
0x80: {  	_ =	shalt  }
0x81: {  	_ =	shalt  }
0x82: {  	_ =	shalt  }
0x83: {  	_ =	shalt  }
0x84: {  	_ =	shalt  }
0x85: {  	_ =	shalt  }
0x86: {  	_ =	shalt  }
0x87: {  	_ =	shalt  }
.Lfunc_end0:
.L_simem_size_0:
called_computation_lowered:
.L_overlay_start_0:
0x88: {  	s2 =	sld [smem:$0x3FD9]  }
0x89: {  	s3 =	sld [smem:$0x3FFE];
	_ =	sdelay $0x1  }
0x8a: {  	s1 =	srdreg.scid  }
0x8b: {  	s0 =	sand.u32 $0x1, s1  }
0x8c: {  	s16 =	sshll.u32 s0, $0xA;
	s2 =	sadd.s32 s3, s2  }
0x8d: {  	s2 =	sadd.s32 s2, s16  }
0x8e: {  	[smem:$0x3FC2] =	sst s2  }
0x8f: {  	_ = 	snop  }
0x90: {  	(tm) =	ssettm $0x1  }
0x91: {  	s17 =	sld [smem:$0x3FFB];
	_ =	sdelay $0x3  }
0x92: {  	_ =	strace s17  }
0x93: {  	s2 =	sld [smem:$0x3FFC];
	_ =	sdelay $0x3  }
0x94: {  	_ =	strace s2  }
0x95: {  	s2 =	sld [smem:$0x3FFD];
	_ =	sdelay $0x3  }
0x96: {  	_ =	strace s2  }
0x97: {  	_ =	strace $0x8FFFFFFF  }
0x98: {  	s18 =	sld [smem:$0x3FDB];
	_ =	sdelay $0x1  }
0x99: {  	s19 =	simm.s32 $_scs_section_size  }
0x9a: {  	s4 =	simm.s32 $_size__tile_overlayer_lowered;
	s5 =	simm.s32 $_tile_overlayer_lowered  }
0x9b: {  	s22 =	simm.s32 $0x1BFF;
	s21 =	sshll.u32 s5, $0x1;
	s2 =	sadd.s32 s19, s18  }
0x9c: {  	s6 =	simm.s32 $0x0;
	s20 =	sshll.u32 s4, $0x1;
	s4 =	sadd.s32 s21, s2  }
0x9d: {  	[timem:s6], [sflag:s22] =	dma.local [hbm:s4], s20  }
0x9e: {  	_ =	swait.ge [sflag:s22], s20  }
0x9f: {  	s3 =	ssub.s32 $0x0, s20;
	[sflag:s22] =	ssyncset.done $0x0  }
0xa0: {  	[sflag:s22] =	ssyncadd.s32 s3;
	_ =	sdelay $0x1  }
0xa1: {  	s23 =	simm.s32 $0x1B8B  }
0xa2: {  	_ =	swait.ge [sflag:s23], $0x1  }
0xa3: {  	[sflag:s23] =	ssyncset.done $0x0  }
0xa4: {  	s25 =	simm.s32 $0x1B8E;
	s24 =	sld [smem:$0x3FFE];
	[sflag:s23] =	ssyncadd.s32 $0xFFFFFFFF  }
0xa5: {  	s26 =	simm.s32 $execute0_lowered;
	[smem:$0x3FD2] =	sst s25  }
0xa6: {  	s4 =	sshll.u32 s26, $0x1;
	_ =	strace $0x80000046;
	[dreg:$0x1] =	wrdreg $0xFFFFFFFF  }
0xa7: {  	s28 =	simm.s32 $_size_execute0_lowered;
	s2 =	sadd.s32 s2, s4;
	[dreg:$0x0] =	wrdreg $0x0  }
0xa8: {  	s4 =	sshll.u32 s28, $0x1;
	[dreg:$0x2] =	wrdreg s2  }
0xa9: {  	[dreg:$0x3] =	wrdreg s4  }
0xaa: {  	[dreg:$0x4] =	wrdreg $0xC0  }
0xab: {  	_ =	task [dreg:s6], $0x5FFFF  }
0xac: {  	[dreg:$0x1] =	wrdreg $0xFFFFFFFF  }
0xad: {  	[dreg:$0x0] =	wrdreg $0x60  }
0xae: {  	[dreg:$0x2] =	wrdreg s24  }
0xaf: {  	[dreg:$0x3] =	wrdreg $0x9  }
0xb0: {  	_ =	task.clear_ibuf [dreg:s6], $0x4FFFF;
	_ =	strace $0x90000046  }
0xb1: {  	s29 =	simm.s32 $0x9;
	_ =	strace $0x80000048  }
0xb2: {  	_ =	swait.ge [sflag:s29], $0x1  }
0xb3: {  	[sflag:s29] =	ssyncadd.s32 $0xFFFFFFFF  }
0xb4: {  	_ =	strace $0x90000048  }
0xb5: {  	_ =	sfence  }
0xb6: {  	s30 =	sld [smem:$0x0];
	_ =	sdelay $0x2  }
0xb7: {  	s31 =	sshll.u32 s1, $0xD;
	s1 =	sshrl.u32 s1, $0x2  }
0xb8: {  	s3 =	sand.u32 $0x4000, s31;
	s1 =	sadd.s32 s1, s30  }
0xb9: {  	s0 =	sor.u32 s3, s0;
	s1 =	sshll.u32 s1, $0x11  }
0xba: {  	s0 =	sor.u32 s1, s0  }
0xbb: {  	s0 =	sadd.s32 $0x8F2B, s0  }
0xbc: {  	[sflag:s0] =	ssyncadd.remote.s32 $0x1  }
0xbd: {  	_ =	sfence.sel $0xFFFF  }
0xbe: {  	[dreg:$0x0] =	wrdreg $0xFFFFFFFF;
	(pc) =	sbr.abs _section_cstart, $3  }
0xbf: {  	[dreg:$0x1] =	wrdreg $0xFFFFFFFF  }
0xc0: {  	_ =	task.clear_ibuf [dreg:s6], $0x2FFFF;
	_ =	strace $0x9FFFFFFF  }
0xc1: {  	(tm) =	ssettm $0x7FFFFFFF  }
tec
execute0_lowered:
.L_overlay_start_1:
0x0: {  	(tag) =	ssettag $0x1  }
0x1: {  	s6 =	rddreg [dreg:$0x0]  }
0x2: {  	s2 =	srdreg.scid;
	s1 =	stileid.u32  }
0x3: {  	s0 =	rddreg [dreg:$0x1];
	s12 =	simm.s32 $0x1;
	s13 =	simm.s32 $0x2800  }
0x4: {  	s14 =	simm.s32 $0x5000;
	s15 =	simm.s32 $0x7800;
	s16 =	simm.s32 $0x11800  }
0x5: {  	s17 =	simm.s32 $0xF000;
	s18 =	simm.s32 $0xA000;
	s19 =	simm.s32 $0xC800  }
0x6: {  	s20 =	simm.s32 $0x80;
	s21 =	simm.s32 $0x400;
	s22 =	simm.s32 $0x0  }
0x7: {  	s7 =	sand.u32 $0x1, s2;
	s3 =	sshll.u32 s1, $0x1;
	s2 =	simm.s32 $0x0  }
0x8: {  	s28 =	sshrl.u32 s1, $0x2;
	s5 =	sor.u32 s7, s3;
	[smem:$0x7FF] =	sst s2  }
0x9: {  	s8 =	smul.u32 $0x14000, s28;
	s3 =	sadd.s32 $0x4F800, s6;
	s7 =	ssub.s32 $0x2, s7  }
0xa: {  	s4 =	sshll.u32 s5, $0x7;
	_ =	strace $0x80000047;
	s10 =	smul.u32 $0x500, s5  }
0xb: {  	s5 =	sadd.s32 $0x50400, s6;
	s31 =	sshrl.u32 s7, $0x1;
	s9 =	sand.u32 $0x380, s4  }
0xc: {  	s4 =	sadd.s32 $0x4FE00, s6;
	s11 =	ssub.s32 s7, s31;
	s8 =	sor.u32 s8, s9  }
0xd: {  	s29 =	sadd.s32 s10, s6;
	s11 =	smax.u32 s11, $0x1;
	s8 =	sshrl.u32 s8, $0x3  }
0xe: {  	s7 =	sadd.s32 $0x5A600, s29;
	s9 =	sadd.s32 $0x78600, s29;
	s30 =	sadd.s32 s8, s6  }
0xf: {  	v0 =	vimm.f32 $0.0e+00;
	s6 =	sadd.s32 $0x50600, s29;
	s8 =	sadd.s32 $0x6E600, s29;
	s10 =	sadd.s32 $0x64600, s30  }
.LBB2_1:
0x10: {  	[tilespmem:s2], [sflag:$0x1] =	stream.linear.gather [hbm4b:s6+s2], $0x2800, $0x38;
	[tilespmem:$0x11880] =	vst v63  }
0x11: {  	_ =	swait.ge [sflag:s12], $0x2800  }
0x12: {  	[sflag:s12] =	ssyncset.done $0x0  }
0x13: {  	[sflag:s12] =	ssyncadd.s32 $0xFFFFD800  }
0x14: {  	[tilespmem:s13], [sflag:$0x1] =	stream.linear.gather [hbm4b:s7+s2], $0x2800, $0x38;
	[tilespmem:$0x11880] =	vst v63  }
0x15: {  	_ =	swait.ge [sflag:s12], $0x2800  }
0x16: {  	[sflag:s12] =	ssyncset.done $0x0  }
0x17: {  	[sflag:s12] =	ssyncadd.s32 $0xFFFFD800  }
0x18: {  	[tilespmem:s14], [sflag:$0x1] =	stream.linear.gather [hbm4b:s3+s2], $0x2800, $0x38;
	[tilespmem:$0x11880] =	vst v63  }
0x19: {  	_ =	swait.ge [sflag:s12], $0x2800  }
0x1a: {  	[sflag:s12] =	ssyncset.done $0x0  }
0x1b: {  	[sflag:s12] =	ssyncadd.s32 $0xFFFFD800  }
0x1c: {  	[tilespmem:s15], [sflag:$0x1] =	stream.linear.gather [hbm4b:s4+s2], $0x2800, $0x38;
	[tilespmem:$0x11880] =	vst v63  }
0x1d: {  	_ =	swait.ge [sflag:s12], $0x2800  }
0x1e: {  	[sflag:s12] =	ssyncset.done $0x0  }
0x1f: {  	[sflag:s12] =	ssyncadd.s32 $0xFFFFD800  }
0x20: {  	[tilespmem:s16], [sflag:$0x1] =	stream.linear.gather [hbm4b:s5+s2], $0x80, $0x38;
	[tilespmem:$0x11880] =	vst v63  }
0x21: {  	_ =	swait.ge [sflag:s12], $0x80  }
0x22: {  	[sflag:s12] =	ssyncset.done $0x0  }
0x23: {  	[sflag:s12] =	ssyncadd.s32 $0xFFFFFF80  }
0x24: {  	s23 =	simm.s32 $0x0;
	v1 =	vld [tilespmem:$0x11800]  }
.LBB2_2:
0x25: {  	p0 =	sne.s32 s23, $0x9FC0  }
.Ltmp0:
0x26: {  	_ = 	snop;
	(pc) =	sbr.rel @p0 .LBB2_2-.Ltmp0, $3  }
0x27: {  	_ =	sdelay $0x1  }
0x28: {  	s24 =	sshra.s32 s23, $0x2  }
0x29: {  	s23 =	sadd.s32 $0x40, s23;
	[tilespmem:s24+$0xF000] =	vst v0  }
0x2a: {  	s23 =	simm.s32 $0xFFFFFFFE;
	s24 =	simm.s32 $0xC810  }
0x2b: {  	s25 =	simm.s32 $0xA010;
	s26 =	simm.s32 $0x2810;
	s28 =	simm.s32 $0x10  }
.LBB2_4:
0x2c: {  	v2 =	vld [tilespmem:s28+$0xFFFFFFF0]  }
0x2d: {  	v3 =	vld [tilespmem:s26+$0xFFFFFFF0];
	_ =	sdelay $0x6  }
0x2e: {  	v4 =	vld.idx.msk [tilespmem:v2+s14+$0x0], $0xffff  }
0x2f: {  	v5 =	vld.idx.msk [tilespmem:v3+s15+$0x0], $0xffff;
	_ =	sdelay $0x4  }
0x30: {  	v4 =	vadd.f32 v5, v4;
	_ =	sdelay $0x1  }
0x31: {  	v5 =	vmul.f32 $2.000000030e-01, v4  }
0x32: {  	vm0 =	vge.f32 v4, $0.0e+00  }
0x33: {  	v4 =	vsel vm0, v4, v5  }
0x34: {  	v4 =	vsub.f32 v4, v1;
	_ =	sdelay $0x1  }
0x35: {  	v4 =	vmul.f32 $1.442695020e+00, v4;
	_ =	sdelay $0x1  }
0x36: {  	(erf) = vpow2.f32 v4;
	_ =	sdelay $0x8  }
0x37: {  	v61 =	vshll.u32 v3, $0x10;
	v4 =	vpop (erf)  }
0x38: {  	v2 =	vor.u32 v2, v61;
	[tilespmem:s25+$0xFFFFFFF0] =	vst v4  }
0x39: {  	[tilespmem:s24+$0xFFFFFFF0] =	vst v2  }
0x3a: {  	[tilespmem:v3+s17+$0x0] =	vst.idx.add.f32.msk $0xffff, v4  }
0x3b: {  	v2 =	vld [tilespmem:s28+$0x0]  }
0x3c: {  	v3 =	vld [tilespmem:s26+$0x0];
	_ =	sdelay $0x6  }
0x3d: {  	v4 =	vld.idx.msk [tilespmem:v2+s14+$0x0], $0xffff  }
0x3e: {  	v62 =	vld.idx.msk [tilespmem:v3+s15+$0x0], $0xffff;
	_ =	sdelay $0x4  }
0x3f: {  	v4 =	vadd.f32 v62, v4;
	_ =	sdelay $0x1  }
0x40: {  	v5 =	vmul.f32 $2.000000030e-01, v4  }
0x41: {  	vm15 =	vge.f32 v4, $0.0e+00  }
0x42: {  	v4 =	vsel vm15, v4, v5  }
0x43: {  	v4 =	vsub.f32 v4, v1;
	_ =	sdelay $0x1  }
0x44: {  	v4 =	vmul.f32 $1.442695020e+00, v4;
	_ =	sdelay $0x1  }
0x45: {  	(erf) = vpow2.f32 v4;
	_ =	sdelay $0x5  }
0x46: {  	s23 =	sadd.s32 $0x2, s23  }
0x47: {  	p0 =	slt.u32 s23, $0x27E  }
.Ltmp1:
0x48: {  	_ = 	snop;
	(pc) =	sbr.rel @p0 .LBB2_4-.Ltmp1, $4  }
0x49: {  	v63 =	vshll.u32 v3, $0x10;
	v4 =	vpop (erf)  }
0x4a: {  	v2 =	vor.u32 v2, v63;
	[tilespmem:s25+$0x0] =	vst v4  }
0x4b: {  	s26 =	sadd.s32 $0x20, s26;
	[tilespmem:s24+$0x0] =	vst v2  }
0x4c: {  	s28 =	sadd.s32 $0x20, s28;
	s25 =	sadd.s32 $0x20, s25;
	s24 =	sadd.s32 $0x20, s24;
	[tilespmem:v3+s17+$0x0] =	vst.idx.add.f32.msk $0xffff, v4  }
0x4d: {  	[hbm4b:s8+s2] =	stream.linear.scatter [tilespmem:s18], [sflag:$0x1], $0x2800, $0x38;
	[tilespmem:$0x11880] =	vst v63  }
0x4e: {  	_ =	swait.ge [sflag:s12], $0x2800  }
0x4f: {  	[sflag:s12] =	ssyncset.done $0x0  }
0x50: {  	[sflag:s12] =	ssyncadd.s32 $0xFFFFD800  }
0x51: {  	[hbm4b:s9+s2] =	stream.linear.scatter [tilespmem:s19], [sflag:$0x1], $0x2800, $0x38;
	[tilespmem:$0x11880] =	vst v63  }
0x52: {  	s22 =	sadd.s32 $0x1, s22;
	_ =	swait.ge [sflag:s12], $0x2800  }
0x53: {  	p0 =	sne.s32 s22, s11;
	[sflag:s12] =	ssyncset.done $0x0  }
.Ltmp2:
0x54: {  	[sflag:s12] =	ssyncadd.s32 $0xFFFFD800;
	(pc) =	sbr.rel @p0 .LBB2_1-.Ltmp2, $4  }
0x55: {  	[hbm4b:s10+s20] =	stream.strided.scatter [tilespmem:s17], [sflag:$0x1], $0x2800, s21, s20, $0x38;
	[tilespmem:$0x11880] =	vst v63  }
0x56: {  	_ =	swait.ge [sflag:s12], $0x2800  }
0x57: {  	[sflag:s12] =	ssyncset.done $0x0  }
0x58: {  	[sflag:s12] =	ssyncadd.s32 $0xFFFFD800  }
0x59: {  	_ =	sfence.sel $0x180000  }
0x5a: {  	[bflag:$0x0] =	sbarrier.arrive $0xFFFF  }
0x5b: {  	p0 =	sne.s32 s1, $0x0;
	_ =	strace $0x90000047  }
0x5c: {  	s0 =	sadd.s32 @!p0 $0x100000, s0;
	[bflag:$0x2] =	sbarrier.arrive $0xFFFF  }
0x5d: {  	[sflag:s0] =	ssyncadd.tile.s32 @!p0 $0x1;
	_ =	shalt  }
.Lfunc_end2:
_tile_overlayer_lowered:
.L_overlay_start_2:
0x5e: {  	(tag) =	ssettag $0x2  }
0x5f: {  	s0 =	rddreg [dreg:$0x0];
	s2 =	stileid.u32  }
0x60: {  	s1 =	rddreg [dreg:$0x1];
	p0 =	sne.s32 s2, $0x0  }
0x61: {  	s3 =	rddreg [dreg:$0x2];
	[bflag:$0x3] =	sbarrier.arrive $0xFFFF;
	s2 =	simm.s32 @!p0 $0x1C01  }
0x62: {  	[timem:s3], [sflag:s2] =	dma.local @!p0 [hbm:s0], s1  }
0x63: {  	s0 =	simm.s32 @!p0 $0x1  }
0x64: {  	_ =	swait.ge @!p0 [sflag:s0], s1  }
0x65: {  	s1 =	ssub.s32 @!p0 $0x0, s1;
	[sflag:s0] =	ssyncset.done @!p0 $0x0  }
0x66: {  	[sflag:s0] =	ssyncadd.s32 @!p0 s1  }
0x67: {  	[bflag:$0x3] =	sbarrier.arrive $0xFFFF  }
0x68: {  	_ =	shalt  }

</sc_bundles>
